<compile_context>
chip_gen: v7x
topology: tpu7x:2x2x1
jax: 0.10.2.dev20260603
libtpu: 0.0.44.dev20260713+nightly
codegen_flags: <defaults>
</compile_context>

<pallas_src>
import functools

import jax
import jax.numpy as jnp
import numpy as np
from jax import lax
from jax.experimental import pallas as pl
from jax.experimental.pallas import tpu as pltpu
from jax.experimental.pallas import tpu_sc as plsc

_FIELDS = 26
_VOCAB = 26000
_E = 16
_B = 4096
_OFFS = np.concatenate(([0], np.cumsum([1000] * 25))).astype(np.int32)

_CB = 4
_GROWS = _CB * _FIELDS
_D = _FIELDS * _E
_W = _E // 2
_DW = _FIELDS * _W
_RAW = _FIELDS * _E
_NPAIR = (_FIELDS * (_FIELDS - 1)) // 2
_OUTD = 768
_INV = float(1.0 / np.sqrt(1.0 + 1e-3))

_PAIRS = [(i, j) for i in range(_FIELDS - 1) for j in range(i + 1, _FIELDS)]
_NGROUP = 21


def _pair_rows():
    pa_r = np.zeros((_NGROUP, _E), np.int32)
    pa_c = np.zeros((_NGROUP, _E), np.int32)
    pb_r = np.zeros((_NGROUP, _E), np.int32)
    pb_c = np.zeros((_NGROUP, _E), np.int32)
    for p, (i, j) in enumerate(_PAIRS):
        pa_r[p // _E, p % _E] = i
        pa_c[p // _E, p % _E] = (j - 1) * _W
        pb_r[p // _E, p % _E] = j
        pb_c[p // _E, p % _E] = i * _W
    return pa_r, pa_c, pb_r, pb_c


def _raw_rows():
    rr = np.zeros((13, _E), np.int32)
    rc = np.zeros((13, _E), np.int32)
    oc = np.zeros((13, _E), np.int32)
    for g in range(13):
        for l in range(_E):
            f = 2 * g + l // _W
            w = l % _W
            rr[g, l] = f
            rc[g, l] = 25 * _W + w
            oc[g, l] = f * _E + 2 * w
    return rr, rc, oc


def _sc_features(tables_vt, idx_chunks, pa_r, pa_c, pb_r, pb_c, rr, rc, oc):
    info = plsc.get_sparse_core_info()
    nc, ns = info.num_cores, info.num_subcores
    nw = nc * ns
    nchunks = _B // _CB
    per_tile = nchunks // nw
    mesh = plsc.VectorSubcoreMesh(core_axis_name="c", subcore_axis_name="s")

    @functools.partial(
        pl.kernel,
        mesh=mesh,
        compiler_params=pltpu.CompilerParams(
            needs_layout_passes=False, use_tc_tiling_on_sc=False
        ),
        out_type=jax.ShapeDtypeStruct((_B, _OUTD), jnp.float32),
        scratch_types=[
            pltpu.VMEM((per_tile, _GROWS), jnp.int32),
            pltpu.VMEM((_GROWS, _DW), jnp.int32),
            pltpu.VMEM((_GROWS, _DW), jnp.int32),
            pltpu.VMEM((_CB, _OUTD), jnp.float32),
            pltpu.VMEM((_NGROUP, _E), jnp.int32),
            pltpu.VMEM((_NGROUP, _E), jnp.int32),
            pltpu.VMEM((_NGROUP, _E), jnp.int32),
            pltpu.VMEM((_NGROUP, _E), jnp.int32),
            pltpu.VMEM((13, _E), jnp.int32),
            pltpu.VMEM((13, _E), jnp.int32),
            pltpu.VMEM((13, _E), jnp.int32),
            pltpu.SemaphoreType.DMA,
            pltpu.SemaphoreType.DMA,
        ],
    )
    def k(tbl_hbm, idx_hbm, par_hbm, pac_hbm, pbr_hbm, pbc_hbm,
          rr_hbm, rc_hbm, oc_hbm, out_hbm,
          idx_v, rows_v0, rows_v1, out_v, par_v, pac_v, pbr_v, pbc_v,
          rr_v, rc_v, oc_v, sem0, sem1):
        wid = lax.axis_index("s") * nc + lax.axis_index("c")
        cbase = wid * per_tile
        zero16 = jnp.zeros((_E,), jnp.float32)
        hi_mask = jnp.full((_E,), -65536, jnp.int32)
        pltpu.sync_copy(par_hbm, par_v)
        pltpu.sync_copy(pac_hbm, pac_v)
        pltpu.sync_copy(pbr_hbm, pbr_v)
        pltpu.sync_copy(pbc_hbm, pbc_v)
        pltpu.sync_copy(rr_hbm, rr_v)
        pltpu.sync_copy(rc_hbm, rc_v)
        pltpu.sync_copy(oc_hbm, oc_v)
        pltpu.sync_copy(idx_hbm.at[pl.ds(cbase, per_tile)], idx_v)
        for bi in range(_CB):
            out_v[bi, pl.ds(752, _E)] = zero16

        def fire(t, rows_v, sem):
            for s in range(13):
                pltpu.async_copy(
                    tbl_hbm.at[idx_v.at[t].at[pl.ds(s * 8, 8)]],
                    rows_v.at[pl.ds(s * 8, 8)],
                    sem,
                )

        def drain(rows_v, sem):
            pltpu.make_async_copy(
                tbl_hbm.at[pl.ds(0, _GROWS)], rows_v, sem
            ).wait()

        def unpack2(words):
            lo = plsc.bitcast(words << 16, jnp.float32)
            hi = plsc.bitcast(words & hi_mask, jnp.float32)
            return lo, hi

        def compute(ck, rows_v):
            def ebody(bi, carry):
                base = bi * _FIELDS
                bi_vec = jnp.full((_E,), bi, jnp.int32)
                for g in range(13):
                    words = plsc.load_gather(rows_v, [rr_v[g, :] + base, rc_v[g, :]])
                    lo, hi = unpack2(words)
                    ocg = oc_v[g, :]
                    plsc.store_scatter(out_v, [bi_vec, ocg], lo)
                    plsc.store_scatter(out_v, [bi_vec, ocg + 1], hi)

                def gbody(g, carry2):
                    ra = par_v[g, :] + base
                    ca = pac_v[g, :]
                    rb = pbr_v[g, :] + base
                    cb = pbc_v[g, :]
                    accs = [zero16, zero16]
                    for w in range(_W):
                        aw = plsc.load_gather(rows_v, [ra, ca + w])
                        bw = plsc.load_gather(rows_v, [rb, cb + w])
                        alo, ahi = unpack2(aw)
                        blo, bhi = unpack2(bw)
                        accs[w % 2] = accs[w % 2] + alo * blo + ahi * bhi
                    out_v[bi, pl.ds(_RAW + g * _E, _E)] = accs[0] + accs[1]
                    return carry2

                lax.fori_loop(0, _NGROUP, gbody, 0)
                return carry

            lax.fori_loop(0, _CB, ebody, 0)
            pltpu.sync_copy(out_v, out_hbm.at[pl.ds(ck * _CB, _CB)])

        half = per_tile // 2
        fire(0, rows_v0, sem0)

        def body(o, carry):
            t0 = 2 * o
            fire(t0 + 1, rows_v1, sem1)
            drain(rows_v0, sem0)
            compute(cbase + t0, rows_v0)

            @pl.when(o < half - 1)
            def _fire_next():
                fire(t0 + 2, rows_v0, sem0)

            drain(rows_v1, sem1)
            compute(cbase + t0 + 1, rows_v1)
            return carry

        lax.fori_loop(0, half, body, 0)

    return k(tables_vt, idx_chunks, pa_r, pa_c, pb_r, pb_c, rr, rc, oc)


def _tc_mlp(feats, w1p, b1, w2, b2, w3p, b3p):
    bb = 512

    def body(x_ref, w1_ref, b1_ref, w2_ref, b2_ref, w3_ref, b3_ref, o_ref):
        h = jnp.dot(x_ref[...], w1_ref[...], preferred_element_type=jnp.float32)
        h = jnp.maximum((h + b1_ref[...]) * _INV, 0.0)
        h = jnp.dot(h, w2_ref[...], preferred_element_type=jnp.float32)
        h = jnp.maximum((h + b2_ref[...]) * _INV, 0.0)
        o = jnp.dot(h, w3_ref[...], preferred_element_type=jnp.float32)
        o_ref[...] = jax.nn.sigmoid(o + b3_ref[...])

    return pl.pallas_call(
        body,
        grid=(_B // bb,),
        in_specs=[
            pl.BlockSpec((bb, _OUTD), lambda i: (i, 0)),
            pl.BlockSpec((_OUTD, 128), lambda i: (0, 0)),
            pl.BlockSpec((1, 128), lambda i: (0, 0)),
            pl.BlockSpec((128, 64), lambda i: (0, 0)),
            pl.BlockSpec((1, 64), lambda i: (0, 0)),
            pl.BlockSpec((64, 128), lambda i: (0, 0)),
            pl.BlockSpec((1, 128), lambda i: (0, 0)),
        ],
        out_specs=pl.BlockSpec((bb, 128), lambda i: (i, 0)),
        out_shape=jax.ShapeDtypeStruct((_B, 128), jnp.float32),
    )(feats, w1p, b1, w2, b2, w3p, b3p)


def kernel(x, tables, W1, b1, W2, b2, W3, b3):
    xi = x + jnp.asarray(_OFFS)[None, :]
    idx_chunks = xi.reshape(_B // _CB, _GROWS)
    tvt = tables.astype(jnp.bfloat16).transpose(1, 0, 2).reshape(_VOCAB, _D)
    tbits = jax.lax.bitcast_convert_type(
        tvt.reshape(_VOCAB, _DW, 2), jnp.int32
    )

    pa_r, pa_c, pb_r, pb_c = _pair_rows()
    rr, rc, oc = _raw_rows()
    feats = _sc_features(
        tbits,
        idx_chunks,
        jnp.asarray(pa_r),
        jnp.asarray(pa_c),
        jnp.asarray(pb_r),
        jnp.asarray(pb_c),
        jnp.asarray(rr),
        jnp.asarray(rc),
        jnp.asarray(oc),
    )

    w1p = jnp.zeros((_OUTD, 128), jnp.float32).at[: W1.shape[0]].set(W1)
    w3p = jnp.zeros((64, 128), jnp.float32).at[:, :1].set(W3)
    b3p = jnp.broadcast_to(b3.reshape(1, 1), (1, 128))
    out = _tc_mlp(
        feats, w1p, b1.reshape(1, 128), W2, b2.reshape(1, 64), w3p, b3p
    )
    return out[:, :1]

# --- scband reference (transcript-rebuilt; emitter-appended) ---
"""Pipeline reference for scband-onn-87359634800800 (READ-ONLY COPY).

The authoritative reference and input builder live on the scoring server;
editing this copy changes nothing except your own understanding.
"""

import jax, jax.numpy as jnp
import numpy as np

FIELDS = [1000] * 26
NUM_FIELDS = 26
EMBED_DIM = 16
TOTAL_VOCAB = sum(FIELDS)
BATCH = 4096
OFFSETS = np.concatenate(([0], np.cumsum(FIELDS)[:-1])).astype(np.int32)
IN_DIM = EMBED_DIM * NUM_FIELDS + NUM_FIELDS * (NUM_FIELDS - 1) // 2


def setup_inputs(seed: int = 0):
    key = jax.random.key(seed)
    ks = jax.random.split(key, 6)
    x = jax.random.randint(ks[0], (BATCH, NUM_FIELDS), 0, 1000, dtype=jnp.int32)
    # ONN keeps one full-vocab embedding table per field (operation-aware): [F, V, E]
    tables = jax.random.normal(ks[1], (NUM_FIELDS, TOTAL_VOCAB, EMBED_DIM), dtype=jnp.float32) * 0.05
    W1 = jax.random.normal(ks[2], (IN_DIM, 128), jnp.float32) * (1.0 / np.sqrt(IN_DIM))
    b1 = jnp.zeros((128,), jnp.float32)
    W2 = jax.random.normal(ks[3], (128, 64), jnp.float32) * (1.0 / np.sqrt(128.0))
    b2 = jnp.zeros((64,), jnp.float32)
    W3 = jax.random.normal(ks[4], (64, 1), jnp.float32) * (1.0 / np.sqrt(64.0))
    b3 = jnp.zeros((1,), jnp.float32)
    return {"x": x, "tables": tables, "W1": W1, "b1": b1, "W2": W2, "b2": b2, "W3": W3, "b3": b3}


def reference(x, tables, W1, b1, W2, b2, W3, b3):
    xi = x + jnp.asarray(OFFSETS)[None, :]
    # field-aware embeddings: one gather per operation/table -> [F, B, F, E]
    embs = jax.vmap(lambda tbl: jnp.take(tbl, xi, axis=0))(tables)
    raw = embs[-1].reshape(x.shape[0], NUM_FIELDS * EMBED_DIM)
    inter = []
    for i in range(NUM_FIELDS - 1):
        for j in range(i + 1, NUM_FIELDS):
            t_ij = embs[j - 1][:, i, :]
            t_ji = embs[i][:, j, :]
            inter.append(jnp.sum(t_ij * t_ji, axis=1, keepdims=True))
    ffm_out = jnp.concatenate(inter, axis=1)
    dnn_in = jnp.concatenate([raw, ffm_out], axis=1)
    eps = 1e-3
    # BatchNorm in inference mode with fresh stats: (h - 0)/sqrt(1 + eps)
    h = dnn_in @ W1 + b1
    h = jax.nn.relu(h / jnp.sqrt(1.0 + eps))
    h = h @ W2 + b2
    h = jax.nn.relu(h / jnp.sqrt(1.0 + eps))
    out = jax.nn.sigmoid(h @ W3 + b3)
    return out

if __name__ == "__main__":
    import jax
    _d = setup_inputs()
    print(jax.jit(kernel)(*tuple(_d.values())))

</pallas_src>

<mosaic_0001>
#map = affine_map<(d0, d1) -> (0, 0)>
module attributes {stable_mosaic.version = 14 : i64} {
  func.func @k(%arg0: i32, %arg1: i32, %arg2: memref<26000x208xi32, #tpu.memory_space<hbm>>, %arg3: memref<1024x104xi32, #tpu.memory_space<hbm>>, %arg4: memref<21x16xi32, #tpu.memory_space<hbm>>, %arg5: memref<21x16xi32, #tpu.memory_space<hbm>>, %arg6: memref<21x16xi32, #tpu.memory_space<hbm>>, %arg7: memref<21x16xi32, #tpu.memory_space<hbm>>, %arg8: memref<13x16xi32, #tpu.memory_space<hbm>>, %arg9: memref<13x16xi32, #tpu.memory_space<hbm>>, %arg10: memref<13x16xi32, #tpu.memory_space<hbm>>, %arg11: memref<4096x768xf32, #tpu.memory_space<hbm>>, %arg12: memref<32x104xi32, #tpu.memory_space<vmem>>, %arg13: memref<104x208xi32, #tpu.memory_space<vmem>>, %arg14: memref<104x208xi32, #tpu.memory_space<vmem>>, %arg15: memref<4x768xf32, #tpu.memory_space<vmem>>, %arg16: memref<21x16xi32, #tpu.memory_space<vmem>>, %arg17: memref<21x16xi32, #tpu.memory_space<vmem>>, %arg18: memref<21x16xi32, #tpu.memory_space<vmem>>, %arg19: memref<21x16xi32, #tpu.memory_space<vmem>>, %arg20: memref<13x16xi32, #tpu.memory_space<vmem>>, %arg21: memref<13x16xi32, #tpu.memory_space<vmem>>, %arg22: memref<13x16xi32, #tpu.memory_space<vmem>>, %arg23: memref<!tpu.dma_semaphore, #tpu.memory_space<semaphore_mem>>, %arg24: memref<!tpu.dma_semaphore, #tpu.memory_space<semaphore_mem>>) attributes {dimension_semantics = [#tpu.dimension_semantics<core_parallel>, #tpu.dimension_semantics<subcore_parallel>], iteration_bounds = array<i64: 2, 16>, scalar_prefetch = 0 : i64, scratch_operands = 13 : i64, tpu.core_type = #tpu.core_type<sc_vector_subcore>, window_params = [{transform_indices = #map}, {transform_indices = #map}, {transform_indices = #map}, {transform_indices = #map}, {transform_indices = #map}, {transform_indices = #map}, {transform_indices = #map}, {transform_indices = #map}, {transform_indices = #map}, {transform_indices = #map}]} {
    %mul3A = arith.constant 2 : i32
    %mul3A_0 = arith.muli %arg1, %mul3A : i32
    %add3A = arith.addi %mul3A_0, %arg0 : i32
    %mul3A_1 = arith.constant 32 : i32
    %mul3A_2 = arith.muli %add3A, %mul3A_1 : i32
    %broadcast_in_dim3A = arith.constant 0.000000e+00 : f32
    %broadcast_in_dim3A_3 = vector.broadcast %broadcast_in_dim3A : f32 to vector<16xf32>
    %broadcast_in_dim3A_4 = arith.constant -65536 : i32
    %broadcast_in_dim3A_5 = vector.broadcast %broadcast_in_dim3A_4 : i32 to vector<16xi32>
    "tpu.region"() ({
      %run_scoped3A = tpu.sem_alloc : memref<!tpu.dma_semaphore, #tpu.memory_space<semaphore_mem>>
      tpu.enqueue_dma source(%arg4 : memref<21x16xi32, #tpu.memory_space<hbm>>) target(%arg16 : memref<21x16xi32, #tpu.memory_space<vmem>>) target_semaphore(%run_scoped3A : memref<!tpu.dma_semaphore, #tpu.memory_space<semaphore_mem>>)
      tpu.wait_dma2 semaphore(%run_scoped3A : memref<!tpu.dma_semaphore, #tpu.memory_space<semaphore_mem>>) src(%arg4 : memref<21x16xi32, #tpu.memory_space<hbm>>) dst(%arg16 : memref<21x16xi32, #tpu.memory_space<vmem>>)
      tpu.yield
    }) : () -> ()
    "tpu.region"() ({
      %run_scoped3A = tpu.sem_alloc : memref<!tpu.dma_semaphore, #tpu.memory_space<semaphore_mem>>
      tpu.enqueue_dma source(%arg5 : memref<21x16xi32, #tpu.memory_space<hbm>>) target(%arg17 : memref<21x16xi32, #tpu.memory_space<vmem>>) target_semaphore(%run_scoped3A : memref<!tpu.dma_semaphore, #tpu.memory_space<semaphore_mem>>)
      tpu.wait_dma2 semaphore(%run_scoped3A : memref<!tpu.dma_semaphore, #tpu.memory_space<semaphore_mem>>) src(%arg5 : memref<21x16xi32, #tpu.memory_space<hbm>>) dst(%arg17 : memref<21x16xi32, #tpu.memory_space<vmem>>)
      tpu.yield
    }) : () -> ()
    "tpu.region"() ({
      %run_scoped3A = tpu.sem_alloc : memref<!tpu.dma_semaphore, #tpu.memory_space<semaphore_mem>>
      tpu.enqueue_dma source(%arg6 : memref<21x16xi32, #tpu.memory_space<hbm>>) target(%arg18 : memref<21x16xi32, #tpu.memory_space<vmem>>) target_semaphore(%run_scoped3A : memref<!tpu.dma_semaphore, #tpu.memory_space<semaphore_mem>>)
      tpu.wait_dma2 semaphore(%run_scoped3A : memref<!tpu.dma_semaphore, #tpu.memory_space<semaphore_mem>>) src(%arg6 : memref<21x16xi32, #tpu.memory_space<hbm>>) dst(%arg18 : memref<21x16xi32, #tpu.memory_space<vmem>>)
      tpu.yield
    }) : () -> ()
    "tpu.region"() ({
      %run_scoped3A = tpu.sem_alloc : memref<!tpu.dma_semaphore, #tpu.memory_space<semaphore_mem>>
      tpu.enqueue_dma source(%arg7 : memref<21x16xi32, #tpu.memory_space<hbm>>) target(%arg19 : memref<21x16xi32, #tpu.memory_space<vmem>>) target_semaphore(%run_scoped3A : memref<!tpu.dma_semaphore, #tpu.memory_space<semaphore_mem>>)
      tpu.wait_dma2 semaphore(%run_scoped3A : memref<!tpu.dma_semaphore, #tpu.memory_space<semaphore_mem>>) src(%arg7 : memref<21x16xi32, #tpu.memory_space<hbm>>) dst(%arg19 : memref<21x16xi32, #tpu.memory_space<vmem>>)
      tpu.yield
    }) : () -> ()
    "tpu.region"() ({
      %run_scoped3A = tpu.sem_alloc : memref<!tpu.dma_semaphore, #tpu.memory_space<semaphore_mem>>
      tpu.enqueue_dma source(%arg8 : memref<13x16xi32, #tpu.memory_space<hbm>>) target(%arg20 : memref<13x16xi32, #tpu.memory_space<vmem>>) target_semaphore(%run_scoped3A : memref<!tpu.dma_semaphore, #tpu.memory_space<semaphore_mem>>)
      tpu.wait_dma2 semaphore(%run_scoped3A : memref<!tpu.dma_semaphore, #tpu.memory_space<semaphore_mem>>) src(%arg8 : memref<13x16xi32, #tpu.memory_space<hbm>>) dst(%arg20 : memref<13x16xi32, #tpu.memory_space<vmem>>)
      tpu.yield
    }) : () -> ()
    "tpu.region"() ({
      %run_scoped3A = tpu.sem_alloc : memref<!tpu.dma_semaphore, #tpu.memory_space<semaphore_mem>>
      tpu.enqueue_dma source(%arg9 : memref<13x16xi32, #tpu.memory_space<hbm>>) target(%arg21 : memref<13x16xi32, #tpu.memory_space<vmem>>) target_semaphore(%run_scoped3A : memref<!tpu.dma_semaphore, #tpu.memory_space<semaphore_mem>>)
      tpu.wait_dma2 semaphore(%run_scoped3A : memref<!tpu.dma_semaphore, #tpu.memory_space<semaphore_mem>>) src(%arg9 : memref<13x16xi32, #tpu.memory_space<hbm>>) dst(%arg21 : memref<13x16xi32, #tpu.memory_space<vmem>>)
      tpu.yield
    }) : () -> ()
    "tpu.region"() ({
      %run_scoped3A = tpu.sem_alloc : memref<!tpu.dma_semaphore, #tpu.memory_space<semaphore_mem>>
      tpu.enqueue_dma source(%arg10 : memref<13x16xi32, #tpu.memory_space<hbm>>) target(%arg22 : memref<13x16xi32, #tpu.memory_space<vmem>>) target_semaphore(%run_scoped3A : memref<!tpu.dma_semaphore, #tpu.memory_space<semaphore_mem>>)
      tpu.wait_dma2 semaphore(%run_scoped3A : memref<!tpu.dma_semaphore, #tpu.memory_space<semaphore_mem>>) src(%arg10 : memref<13x16xi32, #tpu.memory_space<hbm>>) dst(%arg22 : memref<13x16xi32, #tpu.memory_space<vmem>>)
      tpu.yield
    }) : () -> ()
    "tpu.region"() ({
      %run_scoped3A = tpu.sem_alloc : memref<!tpu.dma_semaphore, #tpu.memory_space<semaphore_mem>>
      %dma_start3A_181 = arith.constant 0 : i32
      %dma_start3A_182 = tpu.memref_slice %arg3[%mul3A_2, %dma_start3A_181] : memref<1024x104xi32, #tpu.memory_space<hbm>> -> memref<32x104xi32, #tpu.memory_space<hbm>>
      %dma_start3A_183 = arith.constant 0 : i32
      %dma_start3A_184 = tpu.memref_slice %arg3[%mul3A_2, %dma_start3A_183] : memref<1024x104xi32, #tpu.memory_space<hbm>> -> memref<32x104xi32, #tpu.memory_space<hbm>>
      tpu.enqueue_dma source(%dma_start3A_184 : memref<32x104xi32, #tpu.memory_space<hbm>>) target(%arg12 : memref<32x104xi32, #tpu.memory_space<vmem>>) target_semaphore(%run_scoped3A : memref<!tpu.dma_semaphore, #tpu.memory_space<semaphore_mem>>)
      %dma_wait3A = arith.constant 0 : i32
      %dma_wait3A_185 = tpu.memref_slice %arg3[%mul3A_2, %dma_wait3A] : memref<1024x104xi32, #tpu.memory_space<hbm>> -> memref<32x104xi32, #tpu.memory_space<hbm>>
      %dma_wait3A_186 = arith.constant 0 : i32
      %dma_wait3A_187 = tpu.memref_slice %arg3[%mul3A_2, %dma_wait3A_186] : memref<1024x104xi32, #tpu.memory_space<hbm>> -> memref<32x104xi32, #tpu.memory_space<hbm>>
      tpu.wait_dma2 semaphore(%run_scoped3A : memref<!tpu.dma_semaphore, #tpu.memory_space<semaphore_mem>>) src(%dma_wait3A_187 : memref<32x104xi32, #tpu.memory_space<hbm>>) dst(%arg12 : memref<32x104xi32, #tpu.memory_space<vmem>>)
      tpu.yield
    }) : () -> ()
    %swap3A = arith.constant 0 : i32
    %swap3A_6 = arith.index_cast %swap3A : i32 to index
    %swap3A_7 = arith.constant 752 : index
    %swap3A_8 = tpu.vector_load %arg15[%swap3A_6, %swap3A_7] {strides = array<i32>} : memref<4x768xf32, #tpu.memory_space<vmem>>, vector<16xf32>,
    tpu.vector_store %arg15[%swap3A_6, %swap3A_7], %broadcast_in_dim3A_3 {strides = array<i32>} : memref<4x768xf32, #tpu.memory_space<vmem>>, vector<16xf32>,
    %swap3A_9 = arith.constant 1 : i32
    %swap3A_10 = arith.index_cast %swap3A_9 : i32 to index
    %swap3A_11 = arith.constant 752 : index
    %swap3A_12 = tpu.vector_load %arg15[%swap3A_10, %swap3A_11] {strides = array<i32>} : memref<4x768xf32, #tpu.memory_space<vmem>>, vector<16xf32>,
    tpu.vector_store %arg15[%swap3A_10, %swap3A_11], %broadcast_in_dim3A_3 {strides = array<i32>} : memref<4x768xf32, #tpu.memory_space<vmem>>, vector<16xf32>,
    %swap3A_13 = arith.constant 2 : i32
    %swap3A_14 = arith.index_cast %swap3A_13 : i32 to index
    %swap3A_15 = arith.constant 752 : index
    %swap3A_16 = tpu.vector_load %arg15[%swap3A_14, %swap3A_15] {strides = array<i32>} : memref<4x768xf32, #tpu.memory_space<vmem>>, vector<16xf32>,
    tpu.vector_store %arg15[%swap3A_14, %swap3A_15], %broadcast_in_dim3A_3 {strides = array<i32>} : memref<4x768xf32, #tpu.memory_space<vmem>>, vector<16xf32>,
    %swap3A_17 = arith.constant 3 : i32
    %swap3A_18 = arith.index_cast %swap3A_17 : i32 to index
    %swap3A_19 = arith.constant 752 : index
    %swap3A_20 = tpu.vector_load %arg15[%swap3A_18, %swap3A_19] {strides = array<i32>} : memref<4x768xf32, #tpu.memory_space<vmem>>, vector<16xf32>,
    tpu.vector_store %arg15[%swap3A_18, %swap3A_19], %broadcast_in_dim3A_3 {strides = array<i32>} : memref<4x768xf32, #tpu.memory_space<vmem>>, vector<16xf32>,
    %dma_start3A = arith.constant 0 : i32
    %dma_start3A_21 = arith.constant 0 : i32
    %dma_start3A_22 = arith.constant 0 : i32
    %dma_start3A_23 = tpu.memref_slice %arg13[%dma_start3A_21, %dma_start3A_22] : memref<104x208xi32, #tpu.memory_space<vmem>> -> memref<8x208xi32, #tpu.memory_space<vmem>>
    %dma_start3A_24 = arith.constant 0 : i32
    %dma_start3A_25 = tpu.memref_slice %arg12[%dma_start3A, %dma_start3A_24] : memref<32x104xi32, #tpu.memory_space<vmem>> -> memref<1x104xi32, #tpu.memory_space<vmem>>
    %dma_start3A_26 = tpu.memref_squeeze %dma_start3A_25 : memref<1x104xi32, #tpu.memory_space<vmem>> -> memref<104xi32, #tpu.memory_space<vmem>>
    %dma_start3A_27 = arith.constant 0 : i32
    %dma_start3A_28 = tpu.memref_slice %dma_start3A_26[%dma_start3A_27] : memref<104xi32, #tpu.memory_space<vmem>> -> memref<8xi32, #tpu.memory_space<vmem>>
    %dma_start3A_29 = arith.constant 0 : i32
    %dma_start3A_30 = arith.constant 0 : i32
    %dma_start3A_31 = tpu.memref_slice %arg2[%dma_start3A_29, %dma_start3A_30] : memref<26000x208xi32, #tpu.memory_space<hbm>> -> memref<26000x208xi32, #tpu.memory_space<hbm>>
    tpu.enqueue_indirect_dma source(%dma_start3A_31 : memref<26000x208xi32, #tpu.memory_space<hbm>>) target(%dma_start3A_23 : memref<8x208xi32, #tpu.memory_space<vmem>>) offsets(%dma_start3A_28 : memref<8xi32, #tpu.memory_space<vmem>>) semaphore(%arg23 : memref<!tpu.dma_semaphore, #tpu.memory_space<semaphore_mem>>)
    %dma_start3A_32 = arith.constant 0 : i32
    %dma_start3A_33 = arith.constant 8 : i32
    %dma_start3A_34 = arith.constant 0 : i32
    %dma_start3A_35 = tpu.memref_slice %arg13[%dma_start3A_33, %dma_start3A_34] : memref<104x208xi32, #tpu.memory_space<vmem>> -> memref<8x208xi32, #tpu.memory_space<vmem>>
    %dma_start3A_36 = arith.constant 0 : i32
    %dma_start3A_37 = tpu.memref_slice %arg12[%dma_start3A_32, %dma_start3A_36] : memref<32x104xi32, #tpu.memory_space<vmem>> -> memref<1x104xi32, #tpu.memory_space<vmem>>
    %dma_start3A_38 = tpu.memref_squeeze %dma_start3A_37 : memref<1x104xi32, #tpu.memory_space<vmem>> -> memref<104xi32, #tpu.memory_space<vmem>>
    %dma_start3A_39 = arith.constant 8 : i32
    %dma_start3A_40 = tpu.memref_slice %dma_start3A_38[%dma_start3A_39] : memref<104xi32, #tpu.memory_space<vmem>> -> memref<8xi32, #tpu.memory_space<vmem>>
    %dma_start3A_41 = arith.constant 0 : i32
    %dma_start3A_42 = arith.constant 0 : i32
    %dma_start3A_43 = tpu.memref_slice %arg2[%dma_start3A_41, %dma_start3A_42] : memref<26000x208xi32, #tpu.memory_space<hbm>> -> memref<26000x208xi32, #tpu.memory_space<hbm>>
    tpu.enqueue_indirect_dma source(%dma_start3A_43 : memref<26000x208xi32, #tpu.memory_space<hbm>>) target(%dma_start3A_35 : memref<8x208xi32, #tpu.memory_space<vmem>>) offsets(%dma_start3A_40 : memref<8xi32, #tpu.memory_space<vmem>>) semaphore(%arg23 : memref<!tpu.dma_semaphore, #tpu.memory_space<semaphore_mem>>)
    %dma_start3A_44 = arith.constant 0 : i32
    %dma_start3A_45 = arith.constant 16 : i32
    %dma_start3A_46 = arith.constant 0 : i32
    %dma_start3A_47 = tpu.memref_slice %arg13[%dma_start3A_45, %dma_start3A_46] : memref<104x208xi32, #tpu.memory_space<vmem>> -> memref<8x208xi32, #tpu.memory_space<vmem>>
    %dma_start3A_48 = arith.constant 0 : i32
    %dma_start3A_49 = tpu.memref_slice %arg12[%dma_start3A_44, %dma_start3A_48] : memref<32x104xi32, #tpu.memory_space<vmem>> -> memref<1x104xi32, #tpu.memory_space<vmem>>
    %dma_start3A_50 = tpu.memref_squeeze %dma_start3A_49 : memref<1x104xi32, #tpu.memory_space<vmem>> -> memref<104xi32, #tpu.memory_space<vmem>>
    %dma_start3A_51 = arith.constant 16 : i32
    %dma_start3A_52 = tpu.memref_slice %dma_start3A_50[%dma_start3A_51] : memref<104xi32, #tpu.memory_space<vmem>> -> memref<8xi32, #tpu.memory_space<vmem>>
    %dma_start3A_53 = arith.constant 0 : i32
    %dma_start3A_54 = arith.constant 0 : i32
    %dma_start3A_55 = tpu.memref_slice %arg2[%dma_start3A_53, %dma_start3A_54] : memref<26000x208xi32, #tpu.memory_space<hbm>> -> memref<26000x208xi32, #tpu.memory_space<hbm>>
    tpu.enqueue_indirect_dma source(%dma_start3A_55 : memref<26000x208xi32, #tpu.memory_space<hbm>>) target(%dma_start3A_47 : memref<8x208xi32, #tpu.memory_space<vmem>>) offsets(%dma_start3A_52 : memref<8xi32, #tpu.memory_space<vmem>>) semaphore(%arg23 : memref<!tpu.dma_semaphore, #tpu.memory_space<semaphore_mem>>)
    %dma_start3A_56 = arith.constant 0 : i32
    %dma_start3A_57 = arith.constant 24 : i32
    %dma_start3A_58 = arith.constant 0 : i32
    %dma_start3A_59 = tpu.memref_slice %arg13[%dma_start3A_57, %dma_start3A_58] : memref<104x208xi32, #tpu.memory_space<vmem>> -> memref<8x208xi32, #tpu.memory_space<vmem>>
    %dma_start3A_60 = arith.constant 0 : i32
    %dma_start3A_61 = tpu.memref_slice %arg12[%dma_start3A_56, %dma_start3A_60] : memref<32x104xi32, #tpu.memory_space<vmem>> -> memref<1x104xi32, #tpu.memory_space<vmem>>
    %dma_start3A_62 = tpu.memref_squeeze %dma_start3A_61 : memref<1x104xi32, #tpu.memory_space<vmem>> -> memref<104xi32, #tpu.memory_space<vmem>>
    %dma_start3A_63 = arith.constant 24 : i32
    %dma_start3A_64 = tpu.memref_slice %dma_start3A_62[%dma_start3A_63] : memref<104xi32, #tpu.memory_space<vmem>> -> memref<8xi32, #tpu.memory_space<vmem>>
    %dma_start3A_65 = arith.constant 0 : i32
    %dma_start3A_66 = arith.constant 0 : i32
    %dma_start3A_67 = tpu.memref_slice %arg2[%dma_start3A_65, %dma_start3A_66] : memref<26000x208xi32, #tpu.memory_space<hbm>> -> memref<26000x208xi32, #tpu.memory_space<hbm>>
    tpu.enqueue_indirect_dma source(%dma_start3A_67 : memref<26000x208xi32, #tpu.memory_space<hbm>>) target(%dma_start3A_59 : memref<8x208xi32, #tpu.memory_space<vmem>>) offsets(%dma_start3A_64 : memref<8xi32, #tpu.memory_space<vmem>>) semaphore(%arg23 : memref<!tpu.dma_semaphore, #tpu.memory_space<semaphore_mem>>)
    %dma_start3A_68 = arith.constant 0 : i32
    %dma_start3A_69 = arith.constant 32 : i32
    %dma_start3A_70 = arith.constant 0 : i32
    %dma_start3A_71 = tpu.memref_slice %arg13[%dma_start3A_69, %dma_start3A_70] : memref<104x208xi32, #tpu.memory_space<vmem>> -> memref<8x208xi32, #tpu.memory_space<vmem>>
    %dma_start3A_72 = arith.constant 0 : i32
    %dma_start3A_73 = tpu.memref_slice %arg12[%dma_start3A_68, %dma_start3A_72] : memref<32x104xi32, #tpu.memory_space<vmem>> -> memref<1x104xi32, #tpu.memory_space<vmem>>
    %dma_start3A_74 = tpu.memref_squeeze %dma_start3A_73 : memref<1x104xi32, #tpu.memory_space<vmem>> -> memref<104xi32, #tpu.memory_space<vmem>>
    %dma_start3A_75 = arith.constant 32 : i32
    %dma_start3A_76 = tpu.memref_slice %dma_start3A_74[%dma_start3A_75] : memref<104xi32, #tpu.memory_space<vmem>> -> memref<8xi32, #tpu.memory_space<vmem>>
    %dma_start3A_77 = arith.constant 0 : i32
    %dma_start3A_78 = arith.constant 0 : i32
    %dma_start3A_79 = tpu.memref_slice %arg2[%dma_start3A_77, %dma_start3A_78] : memref<26000x208xi32, #tpu.memory_space<hbm>> -> memref<26000x208xi32, #tpu.memory_space<hbm>>
    tpu.enqueue_indirect_dma source(%dma_start3A_79 : memref<26000x208xi32, #tpu.memory_space<hbm>>) target(%dma_start3A_71 : memref<8x208xi32, #tpu.memory_space<vmem>>) offsets(%dma_start3A_76 : memref<8xi32, #tpu.memory_space<vmem>>) semaphore(%arg23 : memref<!tpu.dma_semaphore, #tpu.memory_space<semaphore_mem>>)
    %dma_start3A_80 = arith.constant 0 : i32
    %dma_start3A_81 = arith.constant 40 : i32
    %dma_start3A_82 = arith.constant 0 : i32
    %dma_start3A_83 = tpu.memref_slice %arg13[%dma_start3A_81, %dma_start3A_82] : memref<104x208xi32, #tpu.memory_space<vmem>> -> memref<8x208xi32, #tpu.memory_space<vmem>>
    %dma_start3A_84 = arith.constant 0 : i32
    %dma_start3A_85 = tpu.memref_slice %arg12[%dma_start3A_80, %dma_start3A_84] : memref<32x104xi32, #tpu.memory_space<vmem>> -> memref<1x104xi32, #tpu.memory_space<vmem>>
    %dma_start3A_86 = tpu.memref_squeeze %dma_start3A_85 : memref<1x104xi32, #tpu.memory_space<vmem>> -> memref<104xi32, #tpu.memory_space<vmem>>
    %dma_start3A_87 = arith.constant 40 : i32
    %dma_start3A_88 = tpu.memref_slice %dma_start3A_86[%dma_start3A_87] : memref<104xi32, #tpu.memory_space<vmem>> -> memref<8xi32, #tpu.memory_space<vmem>>
    %dma_start3A_89 = arith.constant 0 : i32
    %dma_start3A_90 = arith.constant 0 : i32
    %dma_start3A_91 = tpu.memref_slice %arg2[%dma_start3A_89, %dma_start3A_90] : memref<26000x208xi32, #tpu.memory_space<hbm>> -> memref<26000x208xi32, #tpu.memory_space<hbm>>
    tpu.enqueue_indirect_dma source(%dma_start3A_91 : memref<26000x208xi32, #tpu.memory_space<hbm>>) target(%dma_start3A_83 : memref<8x208xi32, #tpu.memory_space<vmem>>) offsets(%dma_start3A_88 : memref<8xi32, #tpu.memory_space<vmem>>) semaphore(%arg23 : memref<!tpu.dma_semaphore, #tpu.memory_space<semaphore_mem>>)
    %dma_start3A_92 = arith.constant 0 : i32
    %dma_start3A_93 = arith.constant 48 : i32
    %dma_start3A_94 = arith.constant 0 : i32
    %dma_start3A_95 = tpu.memref_slice %arg13[%dma_start3A_93, %dma_start3A_94] : memref<104x208xi32, #tpu.memory_space<vmem>> -> memref<8x208xi32, #tpu.memory_space<vmem>>
    %dma_start3A_96 = arith.constant 0 : i32
    %dma_start3A_97 = tpu.memref_slice %arg12[%dma_start3A_92, %dma_start3A_96] : memref<32x104xi32, #tpu.memory_space<vmem>> -> memref<1x104xi32, #tpu.memory_space<vmem>>
    %dma_start3A_98 = tpu.memref_squeeze %dma_start3A_97 : memref<1x104xi32, #tpu.memory_space<vmem>> -> memref<104xi32, #tpu.memory_space<vmem>>
    %dma_start3A_99 = arith.constant 48 : i32
    %dma_start3A_100 = tpu.memref_slice %dma_start3A_98[%dma_start3A_99] : memref<104xi32, #tpu.memory_space<vmem>> -> memref<8xi32, #tpu.memory_space<vmem>>
    %dma_start3A_101 = arith.constant 0 : i32
    %dma_start3A_102 = arith.constant 0 : i32
    %dma_start3A_103 = tpu.memref_slice %arg2[%dma_start3A_101, %dma_start3A_102] : memref<26000x208xi32, #tpu.memory_space<hbm>> -> memref<26000x208xi32, #tpu.memory_space<hbm>>
    tpu.enqueue_indirect_dma source(%dma_start3A_103 : memref<26000x208xi32, #tpu.memory_space<hbm>>) target(%dma_start3A_95 : memref<8x208xi32, #tpu.memory_space<vmem>>) offsets(%dma_start3A_100 : memref<8xi32, #tpu.memory_space<vmem>>) semaphore(%arg23 : memref<!tpu.dma_semaphore, #tpu.memory_space<semaphore_mem>>)
    %dma_start3A_104 = arith.constant 0 : i32
    %dma_start3A_105 = arith.constant 56 : i32
    %dma_start3A_106 = arith.constant 0 : i32
    %dma_start3A_107 = tpu.memref_slice %arg13[%dma_start3A_105, %dma_start3A_106] : memref<104x208xi32, #tpu.memory_space<vmem>> -> memref<8x208xi32, #tpu.memory_space<vmem>>
    %dma_start3A_108 = arith.constant 0 : i32
    %dma_start3A_109 = tpu.memref_slice %arg12[%dma_start3A_104, %dma_start3A_108] : memref<32x104xi32, #tpu.memory_space<vmem>> -> memref<1x104xi32, #tpu.memory_space<vmem>>
    %dma_start3A_110 = tpu.memref_squeeze %dma_start3A_109 : memref<1x104xi32, #tpu.memory_space<vmem>> -> memref<104xi32, #tpu.memory_space<vmem>>
    %dma_start3A_111 = arith.constant 56 : i32
    %dma_start3A_112 = tpu.memref_slice %dma_start3A_110[%dma_start3A_111] : memref<104xi32, #tpu.memory_space<vmem>> -> memref<8xi32, #tpu.memory_space<vmem>>
    %dma_start3A_113 = arith.constant 0 : i32
    %dma_start3A_114 = arith.constant 0 : i32
    %dma_start3A_115 = tpu.memref_slice %arg2[%dma_start3A_113, %dma_start3A_114] : memref<26000x208xi32, #tpu.memory_space<hbm>> -> memref<26000x208xi32, #tpu.memory_space<hbm>>
    tpu.enqueue_indirect_dma source(%dma_start3A_115 : memref<26000x208xi32, #tpu.memory_space<hbm>>) target(%dma_start3A_107 : memref<8x208xi32, #tpu.memory_space<vmem>>) offsets(%dma_start3A_112 : memref<8xi32, #tpu.memory_space<vmem>>) semaphore(%arg23 : memref<!tpu.dma_semaphore, #tpu.memory_space<semaphore_mem>>)
    %dma_start3A_116 = arith.constant 0 : i32
    %dma_start3A_117 = arith.constant 64 : i32
    %dma_start3A_118 = arith.constant 0 : i32
    %dma_start3A_119 = tpu.memref_slice %arg13[%dma_start3A_117, %dma_start3A_118] : memref<104x208xi32, #tpu.memory_space<vmem>> -> memref<8x208xi32, #tpu.memory_space<vmem>>
    %dma_start3A_120 = arith.constant 0 : i32
    %dma_start3A_121 = tpu.memref_slice %arg12[%dma_start3A_116, %dma_start3A_120] : memref<32x104xi32, #tpu.memory_space<vmem>> -> memref<1x104xi32, #tpu.memory_space<vmem>>
    %dma_start3A_122 = tpu.memref_squeeze %dma_start3A_121 : memref<1x104xi32, #tpu.memory_space<vmem>> -> memref<104xi32, #tpu.memory_space<vmem>>
    %dma_start3A_123 = arith.constant 64 : i32
    %dma_start3A_124 = tpu.memref_slice %dma_start3A_122[%dma_start3A_123] : memref<104xi32, #tpu.memory_space<vmem>> -> memref<8xi32, #tpu.memory_space<vmem>>
    %dma_start3A_125 = arith.constant 0 : i32
    %dma_start3A_126 = arith.constant 0 : i32
    %dma_start3A_127 = tpu.memref_slice %arg2[%dma_start3A_125, %dma_start3A_126] : memref<26000x208xi32, #tpu.memory_space<hbm>> -> memref<26000x208xi32, #tpu.memory_space<hbm>>
    tpu.enqueue_indirect_dma source(%dma_start3A_127 : memref<26000x208xi32, #tpu.memory_space<hbm>>) target(%dma_start3A_119 : memref<8x208xi32, #tpu.memory_space<vmem>>) offsets(%dma_start3A_124 : memref<8xi32, #tpu.memory_space<vmem>>) semaphore(%arg23 : memref<!tpu.dma_semaphore, #tpu.memory_space<semaphore_mem>>)
    %dma_start3A_128 = arith.constant 0 : i32
    %dma_start3A_129 = arith.constant 72 : i32
    %dma_start3A_130 = arith.constant 0 : i32
    %dma_start3A_131 = tpu.memref_slice %arg13[%dma_start3A_129, %dma_start3A_130] : memref<104x208xi32, #tpu.memory_space<vmem>> -> memref<8x208xi32, #tpu.memory_space<vmem>>
    %dma_start3A_132 = arith.constant 0 : i32
    %dma_start3A_133 = tpu.memref_slice %arg12[%dma_start3A_128, %dma_start3A_132] : memref<32x104xi32, #tpu.memory_space<vmem>> -> memref<1x104xi32, #tpu.memory_space<vmem>>
    %dma_start3A_134 = tpu.memref_squeeze %dma_start3A_133 : memref<1x104xi32, #tpu.memory_space<vmem>> -> memref<104xi32, #tpu.memory_space<vmem>>
    %dma_start3A_135 = arith.constant 72 : i32
    %dma_start3A_136 = tpu.memref_slice %dma_start3A_134[%dma_start3A_135] : memref<104xi32, #tpu.memory_space<vmem>> -> memref<8xi32, #tpu.memory_space<vmem>>
    %dma_start3A_137 = arith.constant 0 : i32
    %dma_start3A_138 = arith.constant 0 : i32
    %dma_start3A_139 = tpu.memref_slice %arg2[%dma_start3A_137, %dma_start3A_138] : memref<26000x208xi32, #tpu.memory_space<hbm>> -> memref<26000x208xi32, #tpu.memory_space<hbm>>
    tpu.enqueue_indirect_dma source(%dma_start3A_139 : memref<26000x208xi32, #tpu.memory_space<hbm>>) target(%dma_start3A_131 : memref<8x208xi32, #tpu.memory_space<vmem>>) offsets(%dma_start3A_136 : memref<8xi32, #tpu.memory_space<vmem>>) semaphore(%arg23 : memref<!tpu.dma_semaphore, #tpu.memory_space<semaphore_mem>>)
    %dma_start3A_140 = arith.constant 0 : i32
    %dma_start3A_141 = arith.constant 80 : i32
    %dma_start3A_142 = arith.constant 0 : i32
    %dma_start3A_143 = tpu.memref_slice %arg13[%dma_start3A_141, %dma_start3A_142] : memref<104x208xi32, #tpu.memory_space<vmem>> -> memref<8x208xi32, #tpu.memory_space<vmem>>
    %dma_start3A_144 = arith.constant 0 : i32
    %dma_start3A_145 = tpu.memref_slice %arg12[%dma_start3A_140, %dma_start3A_144] : memref<32x104xi32, #tpu.memory_space<vmem>> -> memref<1x104xi32, #tpu.memory_space<vmem>>
    %dma_start3A_146 = tpu.memref_squeeze %dma_start3A_145 : memref<1x104xi32, #tpu.memory_space<vmem>> -> memref<104xi32, #tpu.memory_space<vmem>>
    %dma_start3A_147 = arith.constant 80 : i32
    %dma_start3A_148 = tpu.memref_slice %dma_start3A_146[%dma_start3A_147] : memref<104xi32, #tpu.memory_space<vmem>> -> memref<8xi32, #tpu.memory_space<vmem>>
    %dma_start3A_149 = arith.constant 0 : i32
    %dma_start3A_150 = arith.constant 0 : i32
    %dma_start3A_151 = tpu.memref_slice %arg2[%dma_start3A_149, %dma_start3A_150] : memref<26000x208xi32, #tpu.memory_space<hbm>> -> memref<26000x208xi32, #tpu.memory_space<hbm>>
    tpu.enqueue_indirect_dma source(%dma_start3A_151 : memref<26000x208xi32, #tpu.memory_space<hbm>>) target(%dma_start3A_143 : memref<8x208xi32, #tpu.memory_space<vmem>>) offsets(%dma_start3A_148 : memref<8xi32, #tpu.memory_space<vmem>>) semaphore(%arg23 : memref<!tpu.dma_semaphore, #tpu.memory_space<semaphore_mem>>)
    %dma_start3A_152 = arith.constant 0 : i32
    %dma_start3A_153 = arith.constant 88 : i32
    %dma_start3A_154 = arith.constant 0 : i32
    %dma_start3A_155 = tpu.memref_slice %arg13[%dma_start3A_153, %dma_start3A_154] : memref<104x208xi32, #tpu.memory_space<vmem>> -> memref<8x208xi32, #tpu.memory_space<vmem>>
    %dma_start3A_156 = arith.constant 0 : i32
    %dma_start3A_157 = tpu.memref_slice %arg12[%dma_start3A_152, %dma_start3A_156] : memref<32x104xi32, #tpu.memory_space<vmem>> -> memref<1x104xi32, #tpu.memory_space<vmem>>
    %dma_start3A_158 = tpu.memref_squeeze %dma_start3A_157 : memref<1x104xi32, #tpu.memory_space<vmem>> -> memref<104xi32, #tpu.memory_space<vmem>>
    %dma_start3A_159 = arith.constant 88 : i32
    %dma_start3A_160 = tpu.memref_slice %dma_start3A_158[%dma_start3A_159] : memref<104xi32, #tpu.memory_space<vmem>> -> memref<8xi32, #tpu.memory_space<vmem>>
    %dma_start3A_161 = arith.constant 0 : i32
    %dma_start3A_162 = arith.constant 0 : i32
    %dma_start3A_163 = tpu.memref_slice %arg2[%dma_start3A_161, %dma_start3A_162] : memref<26000x208xi32, #tpu.memory_space<hbm>> -> memref<26000x208xi32, #tpu.memory_space<hbm>>
    tpu.enqueue_indirect_dma source(%dma_start3A_163 : memref<26000x208xi32, #tpu.memory_space<hbm>>) target(%dma_start3A_155 : memref<8x208xi32, #tpu.memory_space<vmem>>) offsets(%dma_start3A_160 : memref<8xi32, #tpu.memory_space<vmem>>) semaphore(%arg23 : memref<!tpu.dma_semaphore, #tpu.memory_space<semaphore_mem>>)
    %dma_start3A_164 = arith.constant 0 : i32
    %dma_start3A_165 = arith.constant 96 : i32
    %dma_start3A_166 = arith.constant 0 : i32
    %dma_start3A_167 = tpu.memref_slice %arg13[%dma_start3A_165, %dma_start3A_166] : memref<104x208xi32, #tpu.memory_space<vmem>> -> memref<8x208xi32, #tpu.memory_space<vmem>>
    %dma_start3A_168 = arith.constant 0 : i32
    %dma_start3A_169 = tpu.memref_slice %arg12[%dma_start3A_164, %dma_start3A_168] : memref<32x104xi32, #tpu.memory_space<vmem>> -> memref<1x104xi32, #tpu.memory_space<vmem>>
    %dma_start3A_170 = tpu.memref_squeeze %dma_start3A_169 : memref<1x104xi32, #tpu.memory_space<vmem>> -> memref<104xi32, #tpu.memory_space<vmem>>
    %dma_start3A_171 = arith.constant 96 : i32
    %dma_start3A_172 = tpu.memref_slice %dma_start3A_170[%dma_start3A_171] : memref<104xi32, #tpu.memory_space<vmem>> -> memref<8xi32, #tpu.memory_space<vmem>>
    %dma_start3A_173 = arith.constant 0 : i32
    %dma_start3A_174 = arith.constant 0 : i32
    %dma_start3A_175 = tpu.memref_slice %arg2[%dma_start3A_173, %dma_start3A_174] : memref<26000x208xi32, #tpu.memory_space<hbm>> -> memref<26000x208xi32, #tpu.memory_space<hbm>>
    tpu.enqueue_indirect_dma source(%dma_start3A_175 : memref<26000x208xi32, #tpu.memory_space<hbm>>) target(%dma_start3A_167 : memref<8x208xi32, #tpu.memory_space<vmem>>) offsets(%dma_start3A_172 : memref<8xi32, #tpu.memory_space<vmem>>) semaphore(%arg23 : memref<!tpu.dma_semaphore, #tpu.memory_space<semaphore_mem>>)
    %scan3A = arith.constant 0 : i32
    %scan3A_176 = arith.constant 0 : i32
    %scan3A_177 = arith.constant 16 : i32
    %scan3A_178 = arith.addi %scan3A_176, %scan3A_177 : i32
    %scan3A_179 = arith.constant 1 : i32
    scf.for %scan3A_181 = %scan3A_176 to %scan3A_178 step %scan3A_179  : i32 {
      %mul3A_182 = arith.constant 2 : i32
      %mul3A_183 = arith.muli %mul3A_182, %scan3A_181 : i32
      %add3A_184 = arith.constant 1 : i32
      %add3A_185 = arith.addi %mul3A_183, %add3A_184 : i32
      %dma_start3A_186 = arith.constant 0 : i32
      %dma_start3A_187 = arith.constant 0 : i32
      %dma_start3A_188 = tpu.memref_slice %arg14[%dma_start3A_186, %dma_start3A_187] : memref<104x208xi32, #tpu.memory_space<vmem>> -> memref<8x208xi32, #tpu.memory_space<vmem>>
      %dma_start3A_189 = arith.constant 0 : i32
      %dma_start3A_190 = tpu.memref_slice %arg12[%add3A_185, %dma_start3A_189] : memref<32x104xi32, #tpu.memory_space<vmem>> -> memref<1x104xi32, #tpu.memory_space<vmem>>
      %dma_start3A_191 = tpu.memref_squeeze %dma_start3A_190 : memref<1x104xi32, #tpu.memory_space<vmem>> -> memref<104xi32, #tpu.memory_space<vmem>>
      %dma_start3A_192 = arith.constant 0 : i32
      %dma_start3A_193 = tpu.memref_slice %dma_start3A_191[%dma_start3A_192] : memref<104xi32, #tpu.memory_space<vmem>> -> memref<8xi32, #tpu.memory_space<vmem>>
      %dma_start3A_194 = arith.constant 0 : i32
      %dma_start3A_195 = arith.constant 0 : i32
      %dma_start3A_196 = tpu.memref_slice %arg2[%dma_start3A_194, %dma_start3A_195] : memref<26000x208xi32, #tpu.memory_space<hbm>> -> memref<26000x208xi32, #tpu.memory_space<hbm>>
      tpu.enqueue_indirect_dma source(%dma_start3A_196 : memref<26000x208xi32, #tpu.memory_space<hbm>>) target(%dma_start3A_188 : memref<8x208xi32, #tpu.memory_space<vmem>>) offsets(%dma_start3A_193 : memref<8xi32, #tpu.memory_space<vmem>>) semaphore(%arg24 : memref<!tpu.dma_semaphore, #tpu.memory_space<semaphore_mem>>)
      %dma_start3A_197 = arith.constant 8 : i32
      %dma_start3A_198 = arith.constant 0 : i32
      %dma_start3A_199 = tpu.memref_slice %arg14[%dma_start3A_197, %dma_start3A_198] : memref<104x208xi32, #tpu.memory_space<vmem>> -> memref<8x208xi32, #tpu.memory_space<vmem>>
      %dma_start3A_200 = arith.constant 0 : i32
      %dma_start3A_201 = tpu.memref_slice %arg12[%add3A_185, %dma_start3A_200] : memref<32x104xi32, #tpu.memory_space<vmem>> -> memref<1x104xi32, #tpu.memory_space<vmem>>
      %dma_start3A_202 = tpu.memref_squeeze %dma_start3A_201 : memref<1x104xi32, #tpu.memory_space<vmem>> -> memref<104xi32, #tpu.memory_space<vmem>>
      %dma_start3A_203 = arith.constant 8 : i32
      %dma_start3A_204 = tpu.memref_slice %dma_start3A_202[%dma_start3A_203] : memref<104xi32, #tpu.memory_space<vmem>> -> memref<8xi32, #tpu.memory_space<vmem>>
      %dma_start3A_205 = arith.constant 0 : i32
      %dma_start3A_206 = arith.constant 0 : i32
      %dma_start3A_207 = tpu.memref_slice %arg2[%dma_start3A_205, %dma_start3A_206] : memref<26000x208xi32, #tpu.memory_space<hbm>> -> memref<26000x208xi32, #tpu.memory_space<hbm>>
      tpu.enqueue_indirect_dma source(%dma_start3A_207 : memref<26000x208xi32, #tpu.memory_space<hbm>>) target(%dma_start3A_199 : memref<8x208xi32, #tpu.memory_space<vmem>>) offsets(%dma_start3A_204 : memref<8xi32, #tpu.memory_space<vmem>>) semaphore(%arg24 : memref<!tpu.dma_semaphore, #tpu.memory_space<semaphore_mem>>)
      %dma_start3A_208 = arith.constant 16 : i32
      %dma_start3A_209 = arith.constant 0 : i32
      %dma_start3A_210 = tpu.memref_slice %arg14[%dma_start3A_208, %dma_start3A_209] : memref<104x208xi32, #tpu.memory_space<vmem>> -> memref<8x208xi32, #tpu.memory_space<vmem>>
      %dma_start3A_211 = arith.constant 0 : i32
      %dma_start3A_212 = tpu.memref_slice %arg12[%add3A_185, %dma_start3A_211] : memref<32x104xi32, #tpu.memory_space<vmem>> -> memref<1x104xi32, #tpu.memory_space<vmem>>
      %dma_start3A_213 = tpu.memref_squeeze %dma_start3A_212 : memref<1x104xi32, #tpu.memory_space<vmem>> -> memref<104xi32, #tpu.memory_space<vmem>>
      %dma_start3A_214 = arith.constant 16 : i32
      %dma_start3A_215 = tpu.memref_slice %dma_start3A_213[%dma_start3A_214] : memref<104xi32, #tpu.memory_space<vmem>> -> memref<8xi32, #tpu.memory_space<vmem>>
      %dma_start3A_216 = arith.constant 0 : i32
      %dma_start3A_217 = arith.constant 0 : i32
      %dma_start3A_218 = tpu.memref_slice %arg2[%dma_start3A_216, %dma_start3A_217] : memref<26000x208xi32, #tpu.memory_space<hbm>> -> memref<26000x208xi32, #tpu.memory_space<hbm>>
      tpu.enqueue_indirect_dma source(%dma_start3A_218 : memref<26000x208xi32, #tpu.memory_space<hbm>>) target(%dma_start3A_210 : memref<8x208xi32, #tpu.memory_space<vmem>>) offsets(%dma_start3A_215 : memref<8xi32, #tpu.memory_space<vmem>>) semaphore(%arg24 : memref<!tpu.dma_semaphore, #tpu.memory_space<semaphore_mem>>)
      %dma_start3A_219 = arith.constant 24 : i32
      %dma_start3A_220 = arith.constant 0 : i32
      %dma_start3A_221 = tpu.memref_slice %arg14[%dma_start3A_219, %dma_start3A_220] : memref<104x208xi32, #tpu.memory_space<vmem>> -> memref<8x208xi32, #tpu.memory_space<vmem>>
      %dma_start3A_222 = arith.constant 0 : i32
      %dma_start3A_223 = tpu.memref_slice %arg12[%add3A_185, %dma_start3A_222] : memref<32x104xi32, #tpu.memory_space<vmem>> -> memref<1x104xi32, #tpu.memory_space<vmem>>
      %dma_start3A_224 = tpu.memref_squeeze %dma_start3A_223 : memref<1x104xi32, #tpu.memory_space<vmem>> -> memref<104xi32, #tpu.memory_space<vmem>>
      %dma_start3A_225 = arith.constant 24 : i32
      %dma_start3A_226 = tpu.memref_slice %dma_start3A_224[%dma_start3A_225] : memref<104xi32, #tpu.memory_space<vmem>> -> memref<8xi32, #tpu.memory_space<vmem>>
      %dma_start3A_227 = arith.constant 0 : i32
      %dma_start3A_228 = arith.constant 0 : i32
      %dma_start3A_229 = tpu.memref_slice %arg2[%dma_start3A_227, %dma_start3A_228] : memref<26000x208xi32, #tpu.memory_space<hbm>> -> memref<26000x208xi32, #tpu.memory_space<hbm>>
      tpu.enqueue_indirect_dma source(%dma_start3A_229 : memref<26000x208xi32, #tpu.memory_space<hbm>>) target(%dma_start3A_221 : memref<8x208xi32, #tpu.memory_space<vmem>>) offsets(%dma_start3A_226 : memref<8xi32, #tpu.memory_space<vmem>>) semaphore(%arg24 : memref<!tpu.dma_semaphore, #tpu.memory_space<semaphore_mem>>)
      %dma_start3A_230 = arith.constant 32 : i32
      %dma_start3A_231 = arith.constant 0 : i32
      %dma_start3A_232 = tpu.memref_slice %arg14[%dma_start3A_230, %dma_start3A_231] : memref<104x208xi32, #tpu.memory_space<vmem>> -> memref<8x208xi32, #tpu.memory_space<vmem>>
      %dma_start3A_233 = arith.constant 0 : i32
      %dma_start3A_234 = tpu.memref_slice %arg12[%add3A_185, %dma_start3A_233] : memref<32x104xi32, #tpu.memory_space<vmem>> -> memref<1x104xi32, #tpu.memory_space<vmem>>
      %dma_start3A_235 = tpu.memref_squeeze %dma_start3A_234 : memref<1x104xi32, #tpu.memory_space<vmem>> -> memref<104xi32, #tpu.memory_space<vmem>>
      %dma_start3A_236 = arith.constant 32 : i32
      %dma_start3A_237 = tpu.memref_slice %dma_start3A_235[%dma_start3A_236] : memref<104xi32, #tpu.memory_space<vmem>> -> memref<8xi32, #tpu.memory_space<vmem>>
      %dma_start3A_238 = arith.constant 0 : i32
      %dma_start3A_239 = arith.constant 0 : i32
      %dma_start3A_240 = tpu.memref_slice %arg2[%dma_start3A_238, %dma_start3A_239] : memref<26000x208xi32, #tpu.memory_space<hbm>> -> memref<26000x208xi32, #tpu.memory_space<hbm>>
      tpu.enqueue_indirect_dma source(%dma_start3A_240 : memref<26000x208xi32, #tpu.memory_space<hbm>>) target(%dma_start3A_232 : memref<8x208xi32, #tpu.memory_space<vmem>>) offsets(%dma_start3A_237 : memref<8xi32, #tpu.memory_space<vmem>>) semaphore(%arg24 : memref<!tpu.dma_semaphore, #tpu.memory_space<semaphore_mem>>)
      %dma_start3A_241 = arith.constant 40 : i32
      %dma_start3A_242 = arith.constant 0 : i32
      %dma_start3A_243 = tpu.memref_slice %arg14[%dma_start3A_241, %dma_start3A_242] : memref<104x208xi32, #tpu.memory_space<vmem>> -> memref<8x208xi32, #tpu.memory_space<vmem>>
      %dma_start3A_244 = arith.constant 0 : i32
      %dma_start3A_245 = tpu.memref_slice %arg12[%add3A_185, %dma_start3A_244] : memref<32x104xi32, #tpu.memory_space<vmem>> -> memref<1x104xi32, #tpu.memory_space<vmem>>
      %dma_start3A_246 = tpu.memref_squeeze %dma_start3A_245 : memref<1x104xi32, #tpu.memory_space<vmem>> -> memref<104xi32, #tpu.memory_space<vmem>>
      %dma_start3A_247 = arith.constant 40 : i32
      %dma_start3A_248 = tpu.memref_slice %dma_start3A_246[%dma_start3A_247] : memref<104xi32, #tpu.memory_space<vmem>> -> memref<8xi32, #tpu.memory_space<vmem>>
      %dma_start3A_249 = arith.constant 0 : i32
      %dma_start3A_250 = arith.constant 0 : i32
      %dma_start3A_251 = tpu.memref_slice %arg2[%dma_start3A_249, %dma_start3A_250] : memref<26000x208xi32, #tpu.memory_space<hbm>> -> memref<26000x208xi32, #tpu.memory_space<hbm>>
      tpu.enqueue_indirect_dma source(%dma_start3A_251 : memref<26000x208xi32, #tpu.memory_space<hbm>>) target(%dma_start3A_243 : memref<8x208xi32, #tpu.memory_space<vmem>>) offsets(%dma_start3A_248 : memref<8xi32, #tpu.memory_space<vmem>>) semaphore(%arg24 : memref<!tpu.dma_semaphore, #tpu.memory_space<semaphore_mem>>)
      %dma_start3A_252 = arith.constant 48 : i32
      %dma_start3A_253 = arith.constant 0 : i32
      %dma_start3A_254 = tpu.memref_slice %arg14[%dma_start3A_252, %dma_start3A_253] : memref<104x208xi32, #tpu.memory_space<vmem>> -> memref<8x208xi32, #tpu.memory_space<vmem>>
      %dma_start3A_255 = arith.constant 0 : i32
      %dma_start3A_256 = tpu.memref_slice %arg12[%add3A_185, %dma_start3A_255] : memref<32x104xi32, #tpu.memory_space<vmem>> -> memref<1x104xi32, #tpu.memory_space<vmem>>
      %dma_start3A_257 = tpu.memref_squeeze %dma_start3A_256 : memref<1x104xi32, #tpu.memory_space<vmem>> -> memref<104xi32, #tpu.memory_space<vmem>>
      %dma_start3A_258 = arith.constant 48 : i32
      %dma_start3A_259 = tpu.memref_slice %dma_start3A_257[%dma_start3A_258] : memref<104xi32, #tpu.memory_space<vmem>> -> memref<8xi32, #tpu.memory_space<vmem>>
      %dma_start3A_260 = arith.constant 0 : i32
      %dma_start3A_261 = arith.constant 0 : i32
      %dma_start3A_262 = tpu.memref_slice %arg2[%dma_start3A_260, %dma_start3A_261] : memref<26000x208xi32, #tpu.memory_space<hbm>> -> memref<26000x208xi32, #tpu.memory_space<hbm>>
      tpu.enqueue_indirect_dma source(%dma_start3A_262 : memref<26000x208xi32, #tpu.memory_space<hbm>>) target(%dma_start3A_254 : memref<8x208xi32, #tpu.memory_space<vmem>>) offsets(%dma_start3A_259 : memref<8xi32, #tpu.memory_space<vmem>>) semaphore(%arg24 : memref<!tpu.dma_semaphore, #tpu.memory_space<semaphore_mem>>)
      %dma_start3A_263 = arith.constant 56 : i32
      %dma_start3A_264 = arith.constant 0 : i32
      %dma_start3A_265 = tpu.memref_slice %arg14[%dma_start3A_263, %dma_start3A_264] : memref<104x208xi32, #tpu.memory_space<vmem>> -> memref<8x208xi32, #tpu.memory_space<vmem>>
      %dma_start3A_266 = arith.constant 0 : i32
      %dma_start3A_267 = tpu.memref_slice %arg12[%add3A_185, %dma_start3A_266] : memref<32x104xi32, #tpu.memory_space<vmem>> -> memref<1x104xi32, #tpu.memory_space<vmem>>
      %dma_start3A_268 = tpu.memref_squeeze %dma_start3A_267 : memref<1x104xi32, #tpu.memory_space<vmem>> -> memref<104xi32, #tpu.memory_space<vmem>>
      %dma_start3A_269 = arith.constant 56 : i32
      %dma_start3A_270 = tpu.memref_slice %dma_start3A_268[%dma_start3A_269] : memref<104xi32, #tpu.memory_space<vmem>> -> memref<8xi32, #tpu.memory_space<vmem>>
      %dma_start3A_271 = arith.constant 0 : i32
      %dma_start3A_272 = arith.constant 0 : i32
      %dma_start3A_273 = tpu.memref_slice %arg2[%dma_start3A_271, %dma_start3A_272] : memref<26000x208xi32, #tpu.memory_space<hbm>> -> memref<26000x208xi32, #tpu.memory_space<hbm>>
      tpu.enqueue_indirect_dma source(%dma_start3A_273 : memref<26000x208xi32, #tpu.memory_space<hbm>>) target(%dma_start3A_265 : memref<8x208xi32, #tpu.memory_space<vmem>>) offsets(%dma_start3A_270 : memref<8xi32, #tpu.memory_space<vmem>>) semaphore(%arg24 : memref<!tpu.dma_semaphore, #tpu.memory_space<semaphore_mem>>)
      %dma_start3A_274 = arith.constant 64 : i32
      %dma_start3A_275 = arith.constant 0 : i32
      %dma_start3A_276 = tpu.memref_slice %arg14[%dma_start3A_274, %dma_start3A_275] : memref<104x208xi32, #tpu.memory_space<vmem>> -> memref<8x208xi32, #tpu.memory_space<vmem>>
      %dma_start3A_277 = arith.constant 0 : i32
      %dma_start3A_278 = tpu.memref_slice %arg12[%add3A_185, %dma_start3A_277] : memref<32x104xi32, #tpu.memory_space<vmem>> -> memref<1x104xi32, #tpu.memory_space<vmem>>
      %dma_start3A_279 = tpu.memref_squeeze %dma_start3A_278 : memref<1x104xi32, #tpu.memory_space<vmem>> -> memref<104xi32, #tpu.memory_space<vmem>>
      %dma_start3A_280 = arith.constant 64 : i32
      %dma_start3A_281 = tpu.memref_slice %dma_start3A_279[%dma_start3A_280] : memref<104xi32, #tpu.memory_space<vmem>> -> memref<8xi32, #tpu.memory_space<vmem>>
      %dma_start3A_282 = arith.constant 0 : i32
      %dma_start3A_283 = arith.constant 0 : i32
      %dma_start3A_284 = tpu.memref_slice %arg2[%dma_start3A_282, %dma_start3A_283] : memref<26000x208xi32, #tpu.memory_space<hbm>> -> memref<26000x208xi32, #tpu.memory_space<hbm>>
      tpu.enqueue_indirect_dma source(%dma_start3A_284 : memref<26000x208xi32, #tpu.memory_space<hbm>>) target(%dma_start3A_276 : memref<8x208xi32, #tpu.memory_space<vmem>>) offsets(%dma_start3A_281 : memref<8xi32, #tpu.memory_space<vmem>>) semaphore(%arg24 : memref<!tpu.dma_semaphore, #tpu.memory_space<semaphore_mem>>)
      %dma_start3A_285 = arith.constant 72 : i32
      %dma_start3A_286 = arith.constant 0 : i32
      %dma_start3A_287 = tpu.memref_slice %arg14[%dma_start3A_285, %dma_start3A_286] : memref<104x208xi32, #tpu.memory_space<vmem>> -> memref<8x208xi32, #tpu.memory_space<vmem>>
      %dma_start3A_288 = arith.constant 0 : i32
      %dma_start3A_289 = tpu.memref_slice %arg12[%add3A_185, %dma_start3A_288] : memref<32x104xi32, #tpu.memory_space<vmem>> -> memref<1x104xi32, #tpu.memory_space<vmem>>
      %dma_start3A_290 = tpu.memref_squeeze %dma_start3A_289 : memref<1x104xi32, #tpu.memory_space<vmem>> -> memref<104xi32, #tpu.memory_space<vmem>>
      %dma_start3A_291 = arith.constant 72 : i32
      %dma_start3A_292 = tpu.memref_slice %dma_start3A_290[%dma_start3A_291] : memref<104xi32, #tpu.memory_space<vmem>> -> memref<8xi32, #tpu.memory_space<vmem>>
      %dma_start3A_293 = arith.constant 0 : i32
      %dma_start3A_294 = arith.constant 0 : i32
      %dma_start3A_295 = tpu.memref_slice %arg2[%dma_start3A_293, %dma_start3A_294] : memref<26000x208xi32, #tpu.memory_space<hbm>> -> memref<26000x208xi32, #tpu.memory_space<hbm>>
      tpu.enqueue_indirect_dma source(%dma_start3A_295 : memref<26000x208xi32, #tpu.memory_space<hbm>>) target(%dma_start3A_287 : memref<8x208xi32, #tpu.memory_space<vmem>>) offsets(%dma_start3A_292 : memref<8xi32, #tpu.memory_space<vmem>>) semaphore(%arg24 : memref<!tpu.dma_semaphore, #tpu.memory_space<semaphore_mem>>)
      %dma_start3A_296 = arith.constant 80 : i32
      %dma_start3A_297 = arith.constant 0 : i32
      %dma_start3A_298 = tpu.memref_slice %arg14[%dma_start3A_296, %dma_start3A_297] : memref<104x208xi32, #tpu.memory_space<vmem>> -> memref<8x208xi32, #tpu.memory_space<vmem>>
      %dma_start3A_299 = arith.constant 0 : i32
      %dma_start3A_300 = tpu.memref_slice %arg12[%add3A_185, %dma_start3A_299] : memref<32x104xi32, #tpu.memory_space<vmem>> -> memref<1x104xi32, #tpu.memory_space<vmem>>
      %dma_start3A_301 = tpu.memref_squeeze %dma_start3A_300 : memref<1x104xi32, #tpu.memory_space<vmem>> -> memref<104xi32, #tpu.memory_space<vmem>>
      %dma_start3A_302 = arith.constant 80 : i32
      %dma_start3A_303 = tpu.memref_slice %dma_start3A_301[%dma_start3A_302] : memref<104xi32, #tpu.memory_space<vmem>> -> memref<8xi32, #tpu.memory_space<vmem>>
      %dma_start3A_304 = arith.constant 0 : i32
      %dma_start3A_305 = arith.constant 0 : i32
      %dma_start3A_306 = tpu.memref_slice %arg2[%dma_start3A_304, %dma_start3A_305] : memref<26000x208xi32, #tpu.memory_space<hbm>> -> memref<26000x208xi32, #tpu.memory_space<hbm>>
      tpu.enqueue_indirect_dma source(%dma_start3A_306 : memref<26000x208xi32, #tpu.memory_space<hbm>>) target(%dma_start3A_298 : memref<8x208xi32, #tpu.memory_space<vmem>>) offsets(%dma_start3A_303 : memref<8xi32, #tpu.memory_space<vmem>>) semaphore(%arg24 : memref<!tpu.dma_semaphore, #tpu.memory_space<semaphore_mem>>)
      %dma_start3A_307 = arith.constant 88 : i32
      %dma_start3A_308 = arith.constant 0 : i32
      %dma_start3A_309 = tpu.memref_slice %arg14[%dma_start3A_307, %dma_start3A_308] : memref<104x208xi32, #tpu.memory_space<vmem>> -> memref<8x208xi32, #tpu.memory_space<vmem>>
      %dma_start3A_310 = arith.constant 0 : i32
      %dma_start3A_311 = tpu.memref_slice %arg12[%add3A_185, %dma_start3A_310] : memref<32x104xi32, #tpu.memory_space<vmem>> -> memref<1x104xi32, #tpu.memory_space<vmem>>
      %dma_start3A_312 = tpu.memref_squeeze %dma_start3A_311 : memref<1x104xi32, #tpu.memory_space<vmem>> -> memref<104xi32, #tpu.memory_space<vmem>>
      %dma_start3A_313 = arith.constant 88 : i32
      %dma_start3A_314 = tpu.memref_slice %dma_start3A_312[%dma_start3A_313] : memref<104xi32, #tpu.memory_space<vmem>> -> memref<8xi32, #tpu.memory_space<vmem>>
      %dma_start3A_315 = arith.constant 0 : i32
      %dma_start3A_316 = arith.constant 0 : i32
      %dma_start3A_317 = tpu.memref_slice %arg2[%dma_start3A_315, %dma_start3A_316] : memref<26000x208xi32, #tpu.memory_space<hbm>> -> memref<26000x208xi32, #tpu.memory_space<hbm>>
      tpu.enqueue_indirect_dma source(%dma_start3A_317 : memref<26000x208xi32, #tpu.memory_space<hbm>>) target(%dma_start3A_309 : memref<8x208xi32, #tpu.memory_space<vmem>>) offsets(%dma_start3A_314 : memref<8xi32, #tpu.memory_space<vmem>>) semaphore(%arg24 : memref<!tpu.dma_semaphore, #tpu.memory_space<semaphore_mem>>)
      %dma_start3A_318 = arith.constant 96 : i32
      %dma_start3A_319 = arith.constant 0 : i32
      %dma_start3A_320 = tpu.memref_slice %arg14[%dma_start3A_318, %dma_start3A_319] : memref<104x208xi32, #tpu.memory_space<vmem>> -> memref<8x208xi32, #tpu.memory_space<vmem>>
      %dma_start3A_321 = arith.constant 0 : i32
      %dma_start3A_322 = tpu.memref_slice %arg12[%add3A_185, %dma_start3A_321] : memref<32x104xi32, #tpu.memory_space<vmem>> -> memref<1x104xi32, #tpu.memory_space<vmem>>
      %dma_start3A_323 = tpu.memref_squeeze %dma_start3A_322 : memref<1x104xi32, #tpu.memory_space<vmem>> -> memref<104xi32, #tpu.memory_space<vmem>>
      %dma_start3A_324 = arith.constant 96 : i32
      %dma_start3A_325 = tpu.memref_slice %dma_start3A_323[%dma_start3A_324] : memref<104xi32, #tpu.memory_space<vmem>> -> memref<8xi32, #tpu.memory_space<vmem>>
      %dma_start3A_326 = arith.constant 0 : i32
      %dma_start3A_327 = arith.constant 0 : i32
      %dma_start3A_328 = tpu.memref_slice %arg2[%dma_start3A_326, %dma_start3A_327] : memref<26000x208xi32, #tpu.memory_space<hbm>> -> memref<26000x208xi32, #tpu.memory_space<hbm>>
      tpu.enqueue_indirect_dma source(%dma_start3A_328 : memref<26000x208xi32, #tpu.memory_space<hbm>>) target(%dma_start3A_320 : memref<8x208xi32, #tpu.memory_space<vmem>>) offsets(%dma_start3A_325 : memref<8xi32, #tpu.memory_space<vmem>>) semaphore(%arg24 : memref<!tpu.dma_semaphore, #tpu.memory_space<semaphore_mem>>)
      %dma_wait3A = arith.constant 0 : i32
      %dma_wait3A_329 = arith.constant 0 : i32
      %dma_wait3A_330 = tpu.memref_slice %arg2[%dma_wait3A, %dma_wait3A_329] : memref<26000x208xi32, #tpu.memory_space<hbm>> -> memref<104x208xi32, #tpu.memory_space<hbm>>
      %dma_wait3A_331 = arith.constant 0 : i32
      %dma_wait3A_332 = arith.constant 0 : i32
      %dma_wait3A_333 = tpu.memref_slice %arg2[%dma_wait3A_331, %dma_wait3A_332] : memref<26000x208xi32, #tpu.memory_space<hbm>> -> memref<104x208xi32, #tpu.memory_space<hbm>>
      tpu.wait_dma2 semaphore(%arg23 : memref<!tpu.dma_semaphore, #tpu.memory_space<semaphore_mem>>) src(%dma_wait3A_333 : memref<104x208xi32, #tpu.memory_space<hbm>>) dst(%arg13 : memref<104x208xi32, #tpu.memory_space<vmem>>)
      %add3A_334 = arith.addi %mul3A_2, %mul3A_183 : i32
      %scan3A_335 = arith.constant 0 : i32
      %scan3A_336 = arith.constant 0 : i32
      %scan3A_337 = arith.constant 4 : i32
      %scan3A_338 = arith.addi %scan3A_336, %scan3A_337 : i32
      %scan3A_339 = arith.constant 1 : i32
      scf.for %scan3A_362 = %scan3A_336 to %scan3A_338 step %scan3A_339  : i32 {
        %mul3A_363 = arith.constant 26 : i32
        %mul3A_364 = arith.muli %scan3A_362, %mul3A_363 : i32
        %broadcast_in_dim3A_365 = vector.broadcast %scan3A_362 : i32 to vector<16xi32>
        %get3A = arith.constant 0 : i32
        %get3A_366 = arith.index_cast %get3A : i32 to index
        %get3A_367 = arith.constant 0 : index
        %get3A_368 = tpu.vector_load %arg20[%get3A_366, %get3A_367] {strides = array<i32>} : memref<13x16xi32, #tpu.memory_space<vmem>>, vector<16xi32>,
        %add3A_369 = vector.broadcast %mul3A_364 : i32 to vector<16xi32>
        %add3A_370 = arith.addi %get3A_368, %add3A_369 : vector<16xi32>
        %get3A_371 = arith.constant 0 : i32
        %get3A_372 = arith.index_cast %get3A_371 : i32 to index
        %get3A_373 = arith.constant 0 : index
        %get3A_374 = tpu.vector_load %arg21[%get3A_372, %get3A_373] {strides = array<i32>} : memref<13x16xi32, #tpu.memory_space<vmem>>, vector<16xi32>,
        %gather3A = tpu.vector_load_idx %arg13[%add3A_370, %get3A_374] : memref<104x208xi32, #tpu.memory_space<vmem>>[vector<16xi32>, vector<16xi32>], vector<16xi32>,
        %shift_left3A = arith.constant 16 : i32
        %shift_left3A_375 = vector.broadcast %shift_left3A : i32 to vector<16xi32>
        %shift_left3A_376 = arith.shli %gather3A, %shift_left3A_375 : vector<16xi32>
        %bitcast3A = vector.bitcast %shift_left3A_376 : vector<16xi32> to vector<16xf32>
        %and3A = arith.andi %gather3A, %broadcast_in_dim3A_5 : vector<16xi32>
        %bitcast3A_377 = vector.bitcast %and3A : vector<16xi32> to vector<16xf32>
        %get3A_378 = arith.constant 0 : i32
        %get3A_379 = arith.index_cast %get3A_378 : i32 to index
        %get3A_380 = arith.constant 0 : index
        %get3A_381 = tpu.vector_load %arg22[%get3A_379, %get3A_380] {strides = array<i32>} : memref<13x16xi32, #tpu.memory_space<vmem>>, vector<16xi32>,
        tpu.vector_store_idx %arg15[%broadcast_in_dim3A_365, %get3A_381], %bitcast3A : memref<4x768xf32, #tpu.memory_space<vmem>>[vector<16xi32>, vector<16xi32>], vector<16xf32>,
        %add3A_382 = arith.constant 1 : i32
        %add3A_383 = vector.broadcast %add3A_382 : i32 to vector<16xi32>
        %add3A_384 = arith.addi %get3A_381, %add3A_383 : vector<16xi32>
        tpu.vector_store_idx %arg15[%broadcast_in_dim3A_365, %add3A_384], %bitcast3A_377 : memref<4x768xf32, #tpu.memory_space<vmem>>[vector<16xi32>, vector<16xi32>], vector<16xf32>,
        %get3A_385 = arith.constant 1 : i32
        %get3A_386 = arith.index_cast %get3A_385 : i32 to index
        %get3A_387 = arith.constant 0 : index
        %get3A_388 = tpu.vector_load %arg20[%get3A_386, %get3A_387] {strides = array<i32>} : memref<13x16xi32, #tpu.memory_space<vmem>>, vector<16xi32>,
        %add3A_389 = vector.broadcast %mul3A_364 : i32 to vector<16xi32>
        %add3A_390 = arith.addi %get3A_388, %add3A_389 : vector<16xi32>
        %get3A_391 = arith.constant 1 : i32
        %get3A_392 = arith.index_cast %get3A_391 : i32 to index
        %get3A_393 = arith.constant 0 : index
        %get3A_394 = tpu.vector_load %arg21[%get3A_392, %get3A_393] {strides = array<i32>} : memref<13x16xi32, #tpu.memory_space<vmem>>, vector<16xi32>,
        %gather3A_395 = tpu.vector_load_idx %arg13[%add3A_390, %get3A_394] : memref<104x208xi32, #tpu.memory_space<vmem>>[vector<16xi32>, vector<16xi32>], vector<16xi32>,
        %shift_left3A_396 = arith.constant 16 : i32
        %shift_left3A_397 = vector.broadcast %shift_left3A_396 : i32 to vector<16xi32>
        %shift_left3A_398 = arith.shli %gather3A_395, %shift_left3A_397 : vector<16xi32>
        %bitcast3A_399 = vector.bitcast %shift_left3A_398 : vector<16xi32> to vector<16xf32>
        %and3A_400 = arith.andi %gather3A_395, %broadcast_in_dim3A_5 : vector<16xi32>
        %bitcast3A_401 = vector.bitcast %and3A_400 : vector<16xi32> to vector<16xf32>
        %get3A_402 = arith.constant 1 : i32
        %get3A_403 = arith.index_cast %get3A_402 : i32 to index
        %get3A_404 = arith.constant 0 : index
        %get3A_405 = tpu.vector_load %arg22[%get3A_403, %get3A_404] {strides = array<i32>} : memref<13x16xi32, #tpu.memory_space<vmem>>, vector<16xi32>,
        tpu.vector_store_idx %arg15[%broadcast_in_dim3A_365, %get3A_405], %bitcast3A_399 : memref<4x768xf32, #tpu.memory_space<vmem>>[vector<16xi32>, vector<16xi32>], vector<16xf32>,
        %add3A_406 = arith.constant 1 : i32
        %add3A_407 = vector.broadcast %add3A_406 : i32 to vector<16xi32>
        %add3A_408 = arith.addi %get3A_405, %add3A_407 : vector<16xi32>
        tpu.vector_store_idx %arg15[%broadcast_in_dim3A_365, %add3A_408], %bitcast3A_401 : memref<4x768xf32, #tpu.memory_space<vmem>>[vector<16xi32>, vector<16xi32>], vector<16xf32>,
        %get3A_409 = arith.constant 2 : i32
        %get3A_410 = arith.index_cast %get3A_409 : i32 to index
        %get3A_411 = arith.constant 0 : index
        %get3A_412 = tpu.vector_load %arg20[%get3A_410, %get3A_411] {strides = array<i32>} : memref<13x16xi32, #tpu.memory_space<vmem>>, vector<16xi32>,
        %add3A_413 = vector.broadcast %mul3A_364 : i32 to vector<16xi32>
        %add3A_414 = arith.addi %get3A_412, %add3A_413 : vector<16xi32>
        %get3A_415 = arith.constant 2 : i32
        %get3A_416 = arith.index_cast %get3A_415 : i32 to index
        %get3A_417 = arith.constant 0 : index
        %get3A_418 = tpu.vector_load %arg21[%get3A_416, %get3A_417] {strides = array<i32>} : memref<13x16xi32, #tpu.memory_space<vmem>>, vector<16xi32>,
        %gather3A_419 = tpu.vector_load_idx %arg13[%add3A_414, %get3A_418] : memref<104x208xi32, #tpu.memory_space<vmem>>[vector<16xi32>, vector<16xi32>], vector<16xi32>,
        %shift_left3A_420 = arith.constant 16 : i32
        %shift_left3A_421 = vector.broadcast %shift_left3A_420 : i32 to vector<16xi32>
        %shift_left3A_422 = arith.shli %gather3A_419, %shift_left3A_421 : vector<16xi32>
        %bitcast3A_423 = vector.bitcast %shift_left3A_422 : vector<16xi32> to vector<16xf32>
        %and3A_424 = arith.andi %gather3A_419, %broadcast_in_dim3A_5 : vector<16xi32>
        %bitcast3A_425 = vector.bitcast %and3A_424 : vector<16xi32> to vector<16xf32>
        %get3A_426 = arith.constant 2 : i32
        %get3A_427 = arith.index_cast %get3A_426 : i32 to index
        %get3A_428 = arith.constant 0 : index
        %get3A_429 = tpu.vector_load %arg22[%get3A_427, %get3A_428] {strides = array<i32>} : memref<13x16xi32, #tpu.memory_space<vmem>>, vector<16xi32>,
        tpu.vector_store_idx %arg15[%broadcast_in_dim3A_365, %get3A_429], %bitcast3A_423 : memref<4x768xf32, #tpu.memory_space<vmem>>[vector<16xi32>, vector<16xi32>], vector<16xf32>,
        %add3A_430 = arith.constant 1 : i32
        %add3A_431 = vector.broadcast %add3A_430 : i32 to vector<16xi32>
        %add3A_432 = arith.addi %get3A_429, %add3A_431 : vector<16xi32>
        tpu.vector_store_idx %arg15[%broadcast_in_dim3A_365, %add3A_432], %bitcast3A_425 : memref<4x768xf32, #tpu.memory_space<vmem>>[vector<16xi32>, vector<16xi32>], vector<16xf32>,
        %get3A_433 = arith.constant 3 : i32
        %get3A_434 = arith.index_cast %get3A_433 : i32 to index
        %get3A_435 = arith.constant 0 : index
        %get3A_436 = tpu.vector_load %arg20[%get3A_434, %get3A_435] {strides = array<i32>} : memref<13x16xi32, #tpu.memory_space<vmem>>, vector<16xi32>,
        %add3A_437 = vector.broadcast %mul3A_364 : i32 to vector<16xi32>
        %add3A_438 = arith.addi %get3A_436, %add3A_437 : vector<16xi32>
        %get3A_439 = arith.constant 3 : i32
        %get3A_440 = arith.index_cast %get3A_439 : i32 to index
        %get3A_441 = arith.constant 0 : index
        %get3A_442 = tpu.vector_load %arg21[%get3A_440, %get3A_441] {strides = array<i32>} : memref<13x16xi32, #tpu.memory_space<vmem>>, vector<16xi32>,
        %gather3A_443 = tpu.vector_load_idx %arg13[%add3A_438, %get3A_442] : memref<104x208xi32, #tpu.memory_space<vmem>>[vector<16xi32>, vector<16xi32>], vector<16xi32>,
        %shift_left3A_444 = arith.constant 16 : i32
        %shift_left3A_445 = vector.broadcast %shift_left3A_444 : i32 to vector<16xi32>
        %shift_left3A_446 = arith.shli %gather3A_443, %shift_left3A_445 : vector<16xi32>
        %bitcast3A_447 = vector.bitcast %shift_left3A_446 : vector<16xi32> to vector<16xf32>
        %and3A_448 = arith.andi %gather3A_443, %broadcast_in_dim3A_5 : vector<16xi32>
        %bitcast3A_449 = vector.bitcast %and3A_448 : vector<16xi32> to vector<16xf32>
        %get3A_450 = arith.constant 3 : i32
        %get3A_451 = arith.index_cast %get3A_450 : i32 to index
        %get3A_452 = arith.constant 0 : index
        %get3A_453 = tpu.vector_load %arg22[%get3A_451, %get3A_452] {strides = array<i32>} : memref<13x16xi32, #tpu.memory_space<vmem>>, vector<16xi32>,
        tpu.vector_store_idx %arg15[%broadcast_in_dim3A_365, %get3A_453], %bitcast3A_447 : memref<4x768xf32, #tpu.memory_space<vmem>>[vector<16xi32>, vector<16xi32>], vector<16xf32>,
        %add3A_454 = arith.constant 1 : i32
        %add3A_455 = vector.broadcast %add3A_454 : i32 to vector<16xi32>
        %add3A_456 = arith.addi %get3A_453, %add3A_455 : vector<16xi32>
        tpu.vector_store_idx %arg15[%broadcast_in_dim3A_365, %add3A_456], %bitcast3A_449 : memref<4x768xf32, #tpu.memory_space<vmem>>[vector<16xi32>, vector<16xi32>], vector<16xf32>,
        %get3A_457 = arith.constant 4 : i32
        %get3A_458 = arith.index_cast %get3A_457 : i32 to index
        %get3A_459 = arith.constant 0 : index
        %get3A_460 = tpu.vector_load %arg20[%get3A_458, %get3A_459] {strides = array<i32>} : memref<13x16xi32, #tpu.memory_space<vmem>>, vector<16xi32>,
        %add3A_461 = vector.broadcast %mul3A_364 : i32 to vector<16xi32>
        %add3A_462 = arith.addi %get3A_460, %add3A_461 : vector<16xi32>
        %get3A_463 = arith.constant 4 : i32
        %get3A_464 = arith.index_cast %get3A_463 : i32 to index
        %get3A_465 = arith.constant 0 : index
        %get3A_466 = tpu.vector_load %arg21[%get3A_464, %get3A_465] {strides = array<i32>} : memref<13x16xi32, #tpu.memory_space<vmem>>, vector<16xi32>,
        %gather3A_467 = tpu.vector_load_idx %arg13[%add3A_462, %get3A_466] : memref<104x208xi32, #tpu.memory_space<vmem>>[vector<16xi32>, vector<16xi32>], vector<16xi32>,
        %shift_left3A_468 = arith.constant 16 : i32
        %shift_left3A_469 = vector.broadcast %shift_left3A_468 : i32 to vector<16xi32>
        %shift_left3A_470 = arith.shli %gather3A_467, %shift_left3A_469 : vector<16xi32>
        %bitcast3A_471 = vector.bitcast %shift_left3A_470 : vector<16xi32> to vector<16xf32>
        %and3A_472 = arith.andi %gather3A_467, %broadcast_in_dim3A_5 : vector<16xi32>
        %bitcast3A_473 = vector.bitcast %and3A_472 : vector<16xi32> to vector<16xf32>
        %get3A_474 = arith.constant 4 : i32
        %get3A_475 = arith.index_cast %get3A_474 : i32 to index
        %get3A_476 = arith.constant 0 : index
        %get3A_477 = tpu.vector_load %arg22[%get3A_475, %get3A_476] {strides = array<i32>} : memref<13x16xi32, #tpu.memory_space<vmem>>, vector<16xi32>,
        tpu.vector_store_idx %arg15[%broadcast_in_dim3A_365, %get3A_477], %bitcast3A_471 : memref<4x768xf32, #tpu.memory_space<vmem>>[vector<16xi32>, vector<16xi32>], vector<16xf32>,
        %add3A_478 = arith.constant 1 : i32
        %add3A_479 = vector.broadcast %add3A_478 : i32 to vector<16xi32>
        %add3A_480 = arith.addi %get3A_477, %add3A_479 : vector<16xi32>
        tpu.vector_store_idx %arg15[%broadcast_in_dim3A_365, %add3A_480], %bitcast3A_473 : memref<4x768xf32, #tpu.memory_space<vmem>>[vector<16xi32>, vector<16xi32>], vector<16xf32>,
        %get3A_481 = arith.constant 5 : i32
        %get3A_482 = arith.index_cast %get3A_481 : i32 to index
        %get3A_483 = arith.constant 0 : index
        %get3A_484 = tpu.vector_load %arg20[%get3A_482, %get3A_483] {strides = array<i32>} : memref<13x16xi32, #tpu.memory_space<vmem>>, vector<16xi32>,
        %add3A_485 = vector.broadcast %mul3A_364 : i32 to vector<16xi32>
        %add3A_486 = arith.addi %get3A_484, %add3A_485 : vector<16xi32>
        %get3A_487 = arith.constant 5 : i32
        %get3A_488 = arith.index_cast %get3A_487 : i32 to index
        %get3A_489 = arith.constant 0 : index
        %get3A_490 = tpu.vector_load %arg21[%get3A_488, %get3A_489] {strides = array<i32>} : memref<13x16xi32, #tpu.memory_space<vmem>>, vector<16xi32>,
        %gather3A_491 = tpu.vector_load_idx %arg13[%add3A_486, %get3A_490] : memref<104x208xi32, #tpu.memory_space<vmem>>[vector<16xi32>, vector<16xi32>], vector<16xi32>,
        %shift_left3A_492 = arith.constant 16 : i32
        %shift_left3A_493 = vector.broadcast %shift_left3A_492 : i32 to vector<16xi32>
        %shift_left3A_494 = arith.shli %gather3A_491, %shift_left3A_493 : vector<16xi32>
        %bitcast3A_495 = vector.bitcast %shift_left3A_494 : vector<16xi32> to vector<16xf32>
        %and3A_496 = arith.andi %gather3A_491, %broadcast_in_dim3A_5 : vector<16xi32>
        %bitcast3A_497 = vector.bitcast %and3A_496 : vector<16xi32> to vector<16xf32>
        %get3A_498 = arith.constant 5 : i32
        %get3A_499 = arith.index_cast %get3A_498 : i32 to index
        %get3A_500 = arith.constant 0 : index
        %get3A_501 = tpu.vector_load %arg22[%get3A_499, %get3A_500] {strides = array<i32>} : memref<13x16xi32, #tpu.memory_space<vmem>>, vector<16xi32>,
        tpu.vector_store_idx %arg15[%broadcast_in_dim3A_365, %get3A_501], %bitcast3A_495 : memref<4x768xf32, #tpu.memory_space<vmem>>[vector<16xi32>, vector<16xi32>], vector<16xf32>,
        %add3A_502 = arith.constant 1 : i32
        %add3A_503 = vector.broadcast %add3A_502 : i32 to vector<16xi32>
        %add3A_504 = arith.addi %get3A_501, %add3A_503 : vector<16xi32>
        tpu.vector_store_idx %arg15[%broadcast_in_dim3A_365, %add3A_504], %bitcast3A_497 : memref<4x768xf32, #tpu.memory_space<vmem>>[vector<16xi32>, vector<16xi32>], vector<16xf32>,
        %get3A_505 = arith.constant 6 : i32
        %get3A_506 = arith.index_cast %get3A_505 : i32 to index
        %get3A_507 = arith.constant 0 : index
        %get3A_508 = tpu.vector_load %arg20[%get3A_506, %get3A_507] {strides = array<i32>} : memref<13x16xi32, #tpu.memory_space<vmem>>, vector<16xi32>,
        %add3A_509 = vector.broadcast %mul3A_364 : i32 to vector<16xi32>
        %add3A_510 = arith.addi %get3A_508, %add3A_509 : vector<16xi32>
        %get3A_511 = arith.constant 6 : i32
        %get3A_512 = arith.index_cast %get3A_511 : i32 to index
        %get3A_513 = arith.constant 0 : index
        %get3A_514 = tpu.vector_load %arg21[%get3A_512, %get3A_513] {strides = array<i32>} : memref<13x16xi32, #tpu.memory_space<vmem>>, vector<16xi32>,
        %gather3A_515 = tpu.vector_load_idx %arg13[%add3A_510, %get3A_514] : memref<104x208xi32, #tpu.memory_space<vmem>>[vector<16xi32>, vector<16xi32>], vector<16xi32>,
        %shift_left3A_516 = arith.constant 16 : i32
        %shift_left3A_517 = vector.broadcast %shift_left3A_516 : i32 to vector<16xi32>
        %shift_left3A_518 = arith.shli %gather3A_515, %shift_left3A_517 : vector<16xi32>
        %bitcast3A_519 = vector.bitcast %shift_left3A_518 : vector<16xi32> to vector<16xf32>
        %and3A_520 = arith.andi %gather3A_515, %broadcast_in_dim3A_5 : vector<16xi32>
        %bitcast3A_521 = vector.bitcast %and3A_520 : vector<16xi32> to vector<16xf32>
        %get3A_522 = arith.constant 6 : i32
        %get3A_523 = arith.index_cast %get3A_522 : i32 to index
        %get3A_524 = arith.constant 0 : index
        %get3A_525 = tpu.vector_load %arg22[%get3A_523, %get3A_524] {strides = array<i32>} : memref<13x16xi32, #tpu.memory_space<vmem>>, vector<16xi32>,
        tpu.vector_store_idx %arg15[%broadcast_in_dim3A_365, %get3A_525], %bitcast3A_519 : memref<4x768xf32, #tpu.memory_space<vmem>>[vector<16xi32>, vector<16xi32>], vector<16xf32>,
        %add3A_526 = arith.constant 1 : i32
        %add3A_527 = vector.broadcast %add3A_526 : i32 to vector<16xi32>
        %add3A_528 = arith.addi %get3A_525, %add3A_527 : vector<16xi32>
        tpu.vector_store_idx %arg15[%broadcast_in_dim3A_365, %add3A_528], %bitcast3A_521 : memref<4x768xf32, #tpu.memory_space<vmem>>[vector<16xi32>, vector<16xi32>], vector<16xf32>,
        %get3A_529 = arith.constant 7 : i32
        %get3A_530 = arith.index_cast %get3A_529 : i32 to index
        %get3A_531 = arith.constant 0 : index
        %get3A_532 = tpu.vector_load %arg20[%get3A_530, %get3A_531] {strides = array<i32>} : memref<13x16xi32, #tpu.memory_space<vmem>>, vector<16xi32>,
        %add3A_533 = vector.broadcast %mul3A_364 : i32 to vector<16xi32>
        %add3A_534 = arith.addi %get3A_532, %add3A_533 : vector<16xi32>
        %get3A_535 = arith.constant 7 : i32
        %get3A_536 = arith.index_cast %get3A_535 : i32 to index
        %get3A_537 = arith.constant 0 : index
        %get3A_538 = tpu.vector_load %arg21[%get3A_536, %get3A_537] {strides = array<i32>} : memref<13x16xi32, #tpu.memory_space<vmem>>, vector<16xi32>,
        %gather3A_539 = tpu.vector_load_idx %arg13[%add3A_534, %get3A_538] : memref<104x208xi32, #tpu.memory_space<vmem>>[vector<16xi32>, vector<16xi32>], vector<16xi32>,
        %shift_left3A_540 = arith.constant 16 : i32
        %shift_left3A_541 = vector.broadcast %shift_left3A_540 : i32 to vector<16xi32>
        %shift_left3A_542 = arith.shli %gather3A_539, %shift_left3A_541 : vector<16xi32>
        %bitcast3A_543 = vector.bitcast %shift_left3A_542 : vector<16xi32> to vector<16xf32>
        %and3A_544 = arith.andi %gather3A_539, %broadcast_in_dim3A_5 : vector<16xi32>
        %bitcast3A_545 = vector.bitcast %and3A_544 : vector<16xi32> to vector<16xf32>
        %get3A_546 = arith.constant 7 : i32
        %get3A_547 = arith.index_cast %get3A_546 : i32 to index
        %get3A_548 = arith.constant 0 : index
        %get3A_549 = tpu.vector_load %arg22[%get3A_547, %get3A_548] {strides = array<i32>} : memref<13x16xi32, #tpu.memory_space<vmem>>, vector<16xi32>,
        tpu.vector_store_idx %arg15[%broadcast_in_dim3A_365, %get3A_549], %bitcast3A_543 : memref<4x768xf32, #tpu.memory_space<vmem>>[vector<16xi32>, vector<16xi32>], vector<16xf32>,
        %add3A_550 = arith.constant 1 : i32
        %add3A_551 = vector.broadcast %add3A_550 : i32 to vector<16xi32>
        %add3A_552 = arith.addi %get3A_549, %add3A_551 : vector<16xi32>
        tpu.vector_store_idx %arg15[%broadcast_in_dim3A_365, %add3A_552], %bitcast3A_545 : memref<4x768xf32, #tpu.memory_space<vmem>>[vector<16xi32>, vector<16xi32>], vector<16xf32>,
        %get3A_553 = arith.constant 8 : i32
        %get3A_554 = arith.index_cast %get3A_553 : i32 to index
        %get3A_555 = arith.constant 0 : index
        %get3A_556 = tpu.vector_load %arg20[%get3A_554, %get3A_555] {strides = array<i32>} : memref<13x16xi32, #tpu.memory_space<vmem>>, vector<16xi32>,
        %add3A_557 = vector.broadcast %mul3A_364 : i32 to vector<16xi32>
        %add3A_558 = arith.addi %get3A_556, %add3A_557 : vector<16xi32>
        %get3A_559 = arith.constant 8 : i32
        %get3A_560 = arith.index_cast %get3A_559 : i32 to index
        %get3A_561 = arith.constant 0 : index
        %get3A_562 = tpu.vector_load %arg21[%get3A_560, %get3A_561] {strides = array<i32>} : memref<13x16xi32, #tpu.memory_space<vmem>>, vector<16xi32>,
        %gather3A_563 = tpu.vector_load_idx %arg13[%add3A_558, %get3A_562] : memref<104x208xi32, #tpu.memory_space<vmem>>[vector<16xi32>, vector<16xi32>], vector<16xi32>,
        %shift_left3A_564 = arith.constant 16 : i32
        %shift_left3A_565 = vector.broadcast %shift_left3A_564 : i32 to vector<16xi32>
        %shift_left3A_566 = arith.shli %gather3A_563, %shift_left3A_565 : vector<16xi32>
        %bitcast3A_567 = vector.bitcast %shift_left3A_566 : vector<16xi32> to vector<16xf32>
        %and3A_568 = arith.andi %gather3A_563, %broadcast_in_dim3A_5 : vector<16xi32>
        %bitcast3A_569 = vector.bitcast %and3A_568 : vector<16xi32> to vector<16xf32>
        %get3A_570 = arith.constant 8 : i32
        %get3A_571 = arith.index_cast %get3A_570 : i32 to index
        %get3A_572 = arith.constant 0 : index
        %get3A_573 = tpu.vector_load %arg22[%get3A_571, %get3A_572] {strides = array<i32>} : memref<13x16xi32, #tpu.memory_space<vmem>>, vector<16xi32>,
        tpu.vector_store_idx %arg15[%broadcast_in_dim3A_365, %get3A_573], %bitcast3A_567 : memref<4x768xf32, #tpu.memory_space<vmem>>[vector<16xi32>, vector<16xi32>], vector<16xf32>,
        %add3A_574 = arith.constant 1 : i32
        %add3A_575 = vector.broadcast %add3A_574 : i32 to vector<16xi32>
        %add3A_576 = arith.addi %get3A_573, %add3A_575 : vector<16xi32>
        tpu.vector_store_idx %arg15[%broadcast_in_dim3A_365, %add3A_576], %bitcast3A_569 : memref<4x768xf32, #tpu.memory_space<vmem>>[vector<16xi32>, vector<16xi32>], vector<16xf32>,
        %get3A_577 = arith.constant 9 : i32
        %get3A_578 = arith.index_cast %get3A_577 : i32 to index
        %get3A_579 = arith.constant 0 : index
        %get3A_580 = tpu.vector_load %arg20[%get3A_578, %get3A_579] {strides = array<i32>} : memref<13x16xi32, #tpu.memory_space<vmem>>, vector<16xi32>,
        %add3A_581 = vector.broadcast %mul3A_364 : i32 to vector<16xi32>
        %add3A_582 = arith.addi %get3A_580, %add3A_581 : vector<16xi32>
        %get3A_583 = arith.constant 9 : i32
        %get3A_584 = arith.index_cast %get3A_583 : i32 to index
        %get3A_585 = arith.constant 0 : index
        %get3A_586 = tpu.vector_load %arg21[%get3A_584, %get3A_585] {strides = array<i32>} : memref<13x16xi32, #tpu.memory_space<vmem>>, vector<16xi32>,
        %gather3A_587 = tpu.vector_load_idx %arg13[%add3A_582, %get3A_586] : memref<104x208xi32, #tpu.memory_space<vmem>>[vector<16xi32>, vector<16xi32>], vector<16xi32>,
        %shift_left3A_588 = arith.constant 16 : i32
        %shift_left3A_589 = vector.broadcast %shift_left3A_588 : i32 to vector<16xi32>
        %shift_left3A_590 = arith.shli %gather3A_587, %shift_left3A_589 : vector<16xi32>
        %bitcast3A_591 = vector.bitcast %shift_left3A_590 : vector<16xi32> to vector<16xf32>
        %and3A_592 = arith.andi %gather3A_587, %broadcast_in_dim3A_5 : vector<16xi32>
        %bitcast3A_593 = vector.bitcast %and3A_592 : vector<16xi32> to vector<16xf32>
        %get3A_594 = arith.constant 9 : i32
        %get3A_595 = arith.index_cast %get3A_594 : i32 to index
        %get3A_596 = arith.constant 0 : index
        %get3A_597 = tpu.vector_load %arg22[%get3A_595, %get3A_596] {strides = array<i32>} : memref<13x16xi32, #tpu.memory_space<vmem>>, vector<16xi32>,
        tpu.vector_store_idx %arg15[%broadcast_in_dim3A_365, %get3A_597], %bitcast3A_591 : memref<4x768xf32, #tpu.memory_space<vmem>>[vector<16xi32>, vector<16xi32>], vector<16xf32>,
        %add3A_598 = arith.constant 1 : i32
        %add3A_599 = vector.broadcast %add3A_598 : i32 to vector<16xi32>
        %add3A_600 = arith.addi %get3A_597, %add3A_599 : vector<16xi32>
        tpu.vector_store_idx %arg15[%broadcast_in_dim3A_365, %add3A_600], %bitcast3A_593 : memref<4x768xf32, #tpu.memory_space<vmem>>[vector<16xi32>, vector<16xi32>], vector<16xf32>,
        %get3A_601 = arith.constant 10 : i32
        %get3A_602 = arith.index_cast %get3A_601 : i32 to index
        %get3A_603 = arith.constant 0 : index
        %get3A_604 = tpu.vector_load %arg20[%get3A_602, %get3A_603] {strides = array<i32>} : memref<13x16xi32, #tpu.memory_space<vmem>>, vector<16xi32>,
        %add3A_605 = vector.broadcast %mul3A_364 : i32 to vector<16xi32>
        %add3A_606 = arith.addi %get3A_604, %add3A_605 : vector<16xi32>
        %get3A_607 = arith.constant 10 : i32
        %get3A_608 = arith.index_cast %get3A_607 : i32 to index
        %get3A_609 = arith.constant 0 : index
        %get3A_610 = tpu.vector_load %arg21[%get3A_608, %get3A_609] {strides = array<i32>} : memref<13x16xi32, #tpu.memory_space<vmem>>, vector<16xi32>,
        %gather3A_611 = tpu.vector_load_idx %arg13[%add3A_606, %get3A_610] : memref<104x208xi32, #tpu.memory_space<vmem>>[vector<16xi32>, vector<16xi32>], vector<16xi32>,
        %shift_left3A_612 = arith.constant 16 : i32
        %shift_left3A_613 = vector.broadcast %shift_left3A_612 : i32 to vector<16xi32>
        %shift_left3A_614 = arith.shli %gather3A_611, %shift_left3A_613 : vector<16xi32>
        %bitcast3A_615 = vector.bitcast %shift_left3A_614 : vector<16xi32> to vector<16xf32>
        %and3A_616 = arith.andi %gather3A_611, %broadcast_in_dim3A_5 : vector<16xi32>
        %bitcast3A_617 = vector.bitcast %and3A_616 : vector<16xi32> to vector<16xf32>
        %get3A_618 = arith.constant 10 : i32
        %get3A_619 = arith.index_cast %get3A_618 : i32 to index
        %get3A_620 = arith.constant 0 : index
        %get3A_621 = tpu.vector_load %arg22[%get3A_619, %get3A_620] {strides = array<i32>} : memref<13x16xi32, #tpu.memory_space<vmem>>, vector<16xi32>,
        tpu.vector_store_idx %arg15[%broadcast_in_dim3A_365, %get3A_621], %bitcast3A_615 : memref<4x768xf32, #tpu.memory_space<vmem>>[vector<16xi32>, vector<16xi32>], vector<16xf32>,
        %add3A_622 = arith.constant 1 : i32
        %add3A_623 = vector.broadcast %add3A_622 : i32 to vector<16xi32>
        %add3A_624 = arith.addi %get3A_621, %add3A_623 : vector<16xi32>
        tpu.vector_store_idx %arg15[%broadcast_in_dim3A_365, %add3A_624], %bitcast3A_617 : memref<4x768xf32, #tpu.memory_space<vmem>>[vector<16xi32>, vector<16xi32>], vector<16xf32>,
        %get3A_625 = arith.constant 11 : i32
        %get3A_626 = arith.index_cast %get3A_625 : i32 to index
        %get3A_627 = arith.constant 0 : index
        %get3A_628 = tpu.vector_load %arg20[%get3A_626, %get3A_627] {strides = array<i32>} : memref<13x16xi32, #tpu.memory_space<vmem>>, vector<16xi32>,
        %add3A_629 = vector.broadcast %mul3A_364 : i32 to vector<16xi32>
        %add3A_630 = arith.addi %get3A_628, %add3A_629 : vector<16xi32>
        %get3A_631 = arith.constant 11 : i32
        %get3A_632 = arith.index_cast %get3A_631 : i32 to index
        %get3A_633 = arith.constant 0 : index
        %get3A_634 = tpu.vector_load %arg21[%get3A_632, %get3A_633] {strides = array<i32>} : memref<13x16xi32, #tpu.memory_space<vmem>>, vector<16xi32>,
        %gather3A_635 = tpu.vector_load_idx %arg13[%add3A_630, %get3A_634] : memref<104x208xi32, #tpu.memory_space<vmem>>[vector<16xi32>, vector<16xi32>], vector<16xi32>,
        %shift_left3A_636 = arith.constant 16 : i32
        %shift_left3A_637 = vector.broadcast %shift_left3A_636 : i32 to vector<16xi32>
        %shift_left3A_638 = arith.shli %gather3A_635, %shift_left3A_637 : vector<16xi32>
        %bitcast3A_639 = vector.bitcast %shift_left3A_638 : vector<16xi32> to vector<16xf32>
        %and3A_640 = arith.andi %gather3A_635, %broadcast_in_dim3A_5 : vector<16xi32>
        %bitcast3A_641 = vector.bitcast %and3A_640 : vector<16xi32> to vector<16xf32>
        %get3A_642 = arith.constant 11 : i32
        %get3A_643 = arith.index_cast %get3A_642 : i32 to index
        %get3A_644 = arith.constant 0 : index
        %get3A_645 = tpu.vector_load %arg22[%get3A_643, %get3A_644] {strides = array<i32>} : memref<13x16xi32, #tpu.memory_space<vmem>>, vector<16xi32>,
        tpu.vector_store_idx %arg15[%broadcast_in_dim3A_365, %get3A_645], %bitcast3A_639 : memref<4x768xf32, #tpu.memory_space<vmem>>[vector<16xi32>, vector<16xi32>], vector<16xf32>,
        %add3A_646 = arith.constant 1 : i32
        %add3A_647 = vector.broadcast %add3A_646 : i32 to vector<16xi32>
        %add3A_648 = arith.addi %get3A_645, %add3A_647 : vector<16xi32>
        tpu.vector_store_idx %arg15[%broadcast_in_dim3A_365, %add3A_648], %bitcast3A_641 : memref<4x768xf32, #tpu.memory_space<vmem>>[vector<16xi32>, vector<16xi32>], vector<16xf32>,
        %get3A_649 = arith.constant 12 : i32
        %get3A_650 = arith.index_cast %get3A_649 : i32 to index
        %get3A_651 = arith.constant 0 : index
        %get3A_652 = tpu.vector_load %arg20[%get3A_650, %get3A_651] {strides = array<i32>} : memref<13x16xi32, #tpu.memory_space<vmem>>, vector<16xi32>,
        %add3A_653 = vector.broadcast %mul3A_364 : i32 to vector<16xi32>
        %add3A_654 = arith.addi %get3A_652, %add3A_653 : vector<16xi32>
        %get3A_655 = arith.constant 12 : i32
        %get3A_656 = arith.index_cast %get3A_655 : i32 to index
        %get3A_657 = arith.constant 0 : index
        %get3A_658 = tpu.vector_load %arg21[%get3A_656, %get3A_657] {strides = array<i32>} : memref<13x16xi32, #tpu.memory_space<vmem>>, vector<16xi32>,
        %gather3A_659 = tpu.vector_load_idx %arg13[%add3A_654, %get3A_658] : memref<104x208xi32, #tpu.memory_space<vmem>>[vector<16xi32>, vector<16xi32>], vector<16xi32>,
        %shift_left3A_660 = arith.constant 16 : i32
        %shift_left3A_661 = vector.broadcast %shift_left3A_660 : i32 to vector<16xi32>
        %shift_left3A_662 = arith.shli %gather3A_659, %shift_left3A_661 : vector<16xi32>
        %bitcast3A_663 = vector.bitcast %shift_left3A_662 : vector<16xi32> to vector<16xf32>
        %and3A_664 = arith.andi %gather3A_659, %broadcast_in_dim3A_5 : vector<16xi32>
        %bitcast3A_665 = vector.bitcast %and3A_664 : vector<16xi32> to vector<16xf32>
        %get3A_666 = arith.constant 12 : i32
        %get3A_667 = arith.index_cast %get3A_666 : i32 to index
        %get3A_668 = arith.constant 0 : index
        %get3A_669 = tpu.vector_load %arg22[%get3A_667, %get3A_668] {strides = array<i32>} : memref<13x16xi32, #tpu.memory_space<vmem>>, vector<16xi32>,
        tpu.vector_store_idx %arg15[%broadcast_in_dim3A_365, %get3A_669], %bitcast3A_663 : memref<4x768xf32, #tpu.memory_space<vmem>>[vector<16xi32>, vector<16xi32>], vector<16xf32>,
        %add3A_670 = arith.constant 1 : i32
        %add3A_671 = vector.broadcast %add3A_670 : i32 to vector<16xi32>
        %add3A_672 = arith.addi %get3A_669, %add3A_671 : vector<16xi32>
        tpu.vector_store_idx %arg15[%broadcast_in_dim3A_365, %add3A_672], %bitcast3A_665 : memref<4x768xf32, #tpu.memory_space<vmem>>[vector<16xi32>, vector<16xi32>], vector<16xf32>,
        %scan3A_673 = arith.constant 0 : i32
        %scan3A_674 = arith.constant 0 : i32
        %scan3A_675 = arith.constant 21 : i32
        %scan3A_676 = arith.addi %scan3A_674, %scan3A_675 : i32
        %scan3A_677 = arith.constant 1 : i32
        scf.for %scan3A_679 = %scan3A_674 to %scan3A_676 step %scan3A_677  : i32 {
          %get3A_680 = arith.index_cast %scan3A_679 : i32 to index
          %get3A_681 = arith.constant 0 : index
          %get3A_682 = tpu.vector_load %arg16[%get3A_680, %get3A_681] {strides = array<i32>} : memref<21x16xi32, #tpu.memory_space<vmem>>, vector<16xi32>,
          %add3A_683 = vector.broadcast %mul3A_364 : i32 to vector<16xi32>
          %add3A_684 = arith.addi %get3A_682, %add3A_683 : vector<16xi32>
          %get3A_685 = arith.index_cast %scan3A_679 : i32 to index
          %get3A_686 = arith.constant 0 : index
          %get3A_687 = tpu.vector_load %arg17[%get3A_685, %get3A_686] {strides = array<i32>} : memref<21x16xi32, #tpu.memory_space<vmem>>, vector<16xi32>,
          %get3A_688 = arith.index_cast %scan3A_679 : i32 to index
          %get3A_689 = arith.constant 0 : index
          %get3A_690 = tpu.vector_load %arg18[%get3A_688, %get3A_689] {strides = array<i32>} : memref<21x16xi32, #tpu.memory_space<vmem>>, vector<16xi32>,
          %add3A_691 = vector.broadcast %mul3A_364 : i32 to vector<16xi32>
          %add3A_692 = arith.addi %get3A_690, %add3A_691 : vector<16xi32>
          %get3A_693 = arith.index_cast %scan3A_679 : i32 to index
          %get3A_694 = arith.constant 0 : index
          %get3A_695 = tpu.vector_load %arg19[%get3A_693, %get3A_694] {strides = array<i32>} : memref<21x16xi32, #tpu.memory_space<vmem>>, vector<16xi32>,
          %add3A_696 = arith.constant 0 : i32
          %add3A_697 = vector.broadcast %add3A_696 : i32 to vector<16xi32>
          %add3A_698 = arith.addi %get3A_687, %add3A_697 : vector<16xi32>
          %gather3A_699 = tpu.vector_load_idx %arg13[%add3A_684, %add3A_698] : memref<104x208xi32, #tpu.memory_space<vmem>>[vector<16xi32>, vector<16xi32>], vector<16xi32>,
          %add3A_700 = arith.constant 0 : i32
          %add3A_701 = vector.broadcast %add3A_700 : i32 to vector<16xi32>
          %add3A_702 = arith.addi %get3A_695, %add3A_701 : vector<16xi32>
          %gather3A_703 = tpu.vector_load_idx %arg13[%add3A_692, %add3A_702] : memref<104x208xi32, #tpu.memory_space<vmem>>[vector<16xi32>, vector<16xi32>], vector<16xi32>,
          %shift_left3A_704 = arith.constant 16 : i32
          %shift_left3A_705 = vector.broadcast %shift_left3A_704 : i32 to vector<16xi32>
          %shift_left3A_706 = arith.shli %gather3A_699, %shift_left3A_705 : vector<16xi32>
          %bitcast3A_707 = vector.bitcast %shift_left3A_706 : vector<16xi32> to vector<16xf32>
          %and3A_708 = arith.andi %gather3A_699, %broadcast_in_dim3A_5 : vector<16xi32>
          %bitcast3A_709 = vector.bitcast %and3A_708 : vector<16xi32> to vector<16xf32>
          %shift_left3A_710 = arith.constant 16 : i32
          %shift_left3A_711 = vector.broadcast %shift_left3A_710 : i32 to vector<16xi32>
          %shift_left3A_712 = arith.shli %gather3A_703, %shift_left3A_711 : vector<16xi32>
          %bitcast3A_713 = vector.bitcast %shift_left3A_712 : vector<16xi32> to vector<16xf32>
          %and3A_714 = arith.andi %gather3A_703, %broadcast_in_dim3A_5 : vector<16xi32>
          %bitcast3A_715 = vector.bitcast %and3A_714 : vector<16xi32> to vector<16xf32>
          %mul3A_716 = arith.mulf %bitcast3A_707, %bitcast3A_713 : vector<16xf32>
          %add3A_717 = arith.addf %broadcast_in_dim3A_3, %mul3A_716 : vector<16xf32>
          %mul3A_718 = arith.mulf %bitcast3A_709, %bitcast3A_715 : vector<16xf32>
          %add3A_719 = arith.addf %add3A_717, %mul3A_718 : vector<16xf32>
          %add3A_720 = arith.constant 1 : i32
          %add3A_721 = vector.broadcast %add3A_720 : i32 to vector<16xi32>
          %add3A_722 = arith.addi %get3A_687, %add3A_721 : vector<16xi32>
          %gather3A_723 = tpu.vector_load_idx %arg13[%add3A_684, %add3A_722] : memref<104x208xi32, #tpu.memory_space<vmem>>[vector<16xi32>, vector<16xi32>], vector<16xi32>,
          %add3A_724 = arith.constant 1 : i32
          %add3A_725 = vector.broadcast %add3A_724 : i32 to vector<16xi32>
          %add3A_726 = arith.addi %get3A_695, %add3A_725 : vector<16xi32>
          %gather3A_727 = tpu.vector_load_idx %arg13[%add3A_692, %add3A_726] : memref<104x208xi32, #tpu.memory_space<vmem>>[vector<16xi32>, vector<16xi32>], vector<16xi32>,
          %shift_left3A_728 = arith.constant 16 : i32
          %shift_left3A_729 = vector.broadcast %shift_left3A_728 : i32 to vector<16xi32>
          %shift_left3A_730 = arith.shli %gather3A_723, %shift_left3A_729 : vector<16xi32>
          %bitcast3A_731 = vector.bitcast %shift_left3A_730 : vector<16xi32> to vector<16xf32>
          %and3A_732 = arith.andi %gather3A_723, %broadcast_in_dim3A_5 : vector<16xi32>
          %bitcast3A_733 = vector.bitcast %and3A_732 : vector<16xi32> to vector<16xf32>
          %shift_left3A_734 = arith.constant 16 : i32
          %shift_left3A_735 = vector.broadcast %shift_left3A_734 : i32 to vector<16xi32>
          %shift_left3A_736 = arith.shli %gather3A_727, %shift_left3A_735 : vector<16xi32>
          %bitcast3A_737 = vector.bitcast %shift_left3A_736 : vector<16xi32> to vector<16xf32>
          %and3A_738 = arith.andi %gather3A_727, %broadcast_in_dim3A_5 : vector<16xi32>
          %bitcast3A_739 = vector.bitcast %and3A_738 : vector<16xi32> to vector<16xf32>
          %mul3A_740 = arith.mulf %bitcast3A_731, %bitcast3A_737 : vector<16xf32>
          %add3A_741 = arith.addf %broadcast_in_dim3A_3, %mul3A_740 : vector<16xf32>
          %mul3A_742 = arith.mulf %bitcast3A_733, %bitcast3A_739 : vector<16xf32>
          %add3A_743 = arith.addf %add3A_741, %mul3A_742 : vector<16xf32>
          %add3A_744 = arith.constant 2 : i32
          %add3A_745 = vector.broadcast %add3A_744 : i32 to vector<16xi32>
          %add3A_746 = arith.addi %get3A_687, %add3A_745 : vector<16xi32>
          %gather3A_747 = tpu.vector_load_idx %arg13[%add3A_684, %add3A_746] : memref<104x208xi32, #tpu.memory_space<vmem>>[vector<16xi32>, vector<16xi32>], vector<16xi32>,
          %add3A_748 = arith.constant 2 : i32
          %add3A_749 = vector.broadcast %add3A_748 : i32 to vector<16xi32>
          %add3A_750 = arith.addi %get3A_695, %add3A_749 : vector<16xi32>
          %gather3A_751 = tpu.vector_load_idx %arg13[%add3A_692, %add3A_750] : memref<104x208xi32, #tpu.memory_space<vmem>>[vector<16xi32>, vector<16xi32>], vector<16xi32>,
          %shift_left3A_752 = arith.constant 16 : i32
          %shift_left3A_753 = vector.broadcast %shift_left3A_752 : i32 to vector<16xi32>
          %shift_left3A_754 = arith.shli %gather3A_747, %shift_left3A_753 : vector<16xi32>
          %bitcast3A_755 = vector.bitcast %shift_left3A_754 : vector<16xi32> to vector<16xf32>
          %and3A_756 = arith.andi %gather3A_747, %broadcast_in_dim3A_5 : vector<16xi32>
          %bitcast3A_757 = vector.bitcast %and3A_756 : vector<16xi32> to vector<16xf32>
          %shift_left3A_758 = arith.constant 16 : i32
          %shift_left3A_759 = vector.broadcast %shift_left3A_758 : i32 to vector<16xi32>
          %shift_left3A_760 = arith.shli %gather3A_751, %shift_left3A_759 : vector<16xi32>
          %bitcast3A_761 = vector.bitcast %shift_left3A_760 : vector<16xi32> to vector<16xf32>
          %and3A_762 = arith.andi %gather3A_751, %broadcast_in_dim3A_5 : vector<16xi32>
          %bitcast3A_763 = vector.bitcast %and3A_762 : vector<16xi32> to vector<16xf32>
          %mul3A_764 = arith.mulf %bitcast3A_755, %bitcast3A_761 : vector<16xf32>
          %add3A_765 = arith.addf %add3A_719, %mul3A_764 : vector<16xf32>
          %mul3A_766 = arith.mulf %bitcast3A_757, %bitcast3A_763 : vector<16xf32>
          %add3A_767 = arith.addf %add3A_765, %mul3A_766 : vector<16xf32>
          %add3A_768 = arith.constant 3 : i32
          %add3A_769 = vector.broadcast %add3A_768 : i32 to vector<16xi32>
          %add3A_770 = arith.addi %get3A_687, %add3A_769 : vector<16xi32>
          %gather3A_771 = tpu.vector_load_idx %arg13[%add3A_684, %add3A_770] : memref<104x208xi32, #tpu.memory_space<vmem>>[vector<16xi32>, vector<16xi32>], vector<16xi32>,
          %add3A_772 = arith.constant 3 : i32
          %add3A_773 = vector.broadcast %add3A_772 : i32 to vector<16xi32>
          %add3A_774 = arith.addi %get3A_695, %add3A_773 : vector<16xi32>
          %gather3A_775 = tpu.vector_load_idx %arg13[%add3A_692, %add3A_774] : memref<104x208xi32, #tpu.memory_space<vmem>>[vector<16xi32>, vector<16xi32>], vector<16xi32>,
          %shift_left3A_776 = arith.constant 16 : i32
          %shift_left3A_777 = vector.broadcast %shift_left3A_776 : i32 to vector<16xi32>
          %shift_left3A_778 = arith.shli %gather3A_771, %shift_left3A_777 : vector<16xi32>
          %bitcast3A_779 = vector.bitcast %shift_left3A_778 : vector<16xi32> to vector<16xf32>
          %and3A_780 = arith.andi %gather3A_771, %broadcast_in_dim3A_5 : vector<16xi32>
          %bitcast3A_781 = vector.bitcast %and3A_780 : vector<16xi32> to vector<16xf32>
          %shift_left3A_782 = arith.constant 16 : i32
          %shift_left3A_783 = vector.broadcast %shift_left3A_782 : i32 to vector<16xi32>
          %shift_left3A_784 = arith.shli %gather3A_775, %shift_left3A_783 : vector<16xi32>
          %bitcast3A_785 = vector.bitcast %shift_left3A_784 : vector<16xi32> to vector<16xf32>
          %and3A_786 = arith.andi %gather3A_775, %broadcast_in_dim3A_5 : vector<16xi32>
          %bitcast3A_787 = vector.bitcast %and3A_786 : vector<16xi32> to vector<16xf32>
          %mul3A_788 = arith.mulf %bitcast3A_779, %bitcast3A_785 : vector<16xf32>
          %add3A_789 = arith.addf %add3A_743, %mul3A_788 : vector<16xf32>
          %mul3A_790 = arith.mulf %bitcast3A_781, %bitcast3A_787 : vector<16xf32>
          %add3A_791 = arith.addf %add3A_789, %mul3A_790 : vector<16xf32>
          %add3A_792 = arith.constant 4 : i32
          %add3A_793 = vector.broadcast %add3A_792 : i32 to vector<16xi32>
          %add3A_794 = arith.addi %get3A_687, %add3A_793 : vector<16xi32>
          %gather3A_795 = tpu.vector_load_idx %arg13[%add3A_684, %add3A_794] : memref<104x208xi32, #tpu.memory_space<vmem>>[vector<16xi32>, vector<16xi32>], vector<16xi32>,
          %add3A_796 = arith.constant 4 : i32
          %add3A_797 = vector.broadcast %add3A_796 : i32 to vector<16xi32>
          %add3A_798 = arith.addi %get3A_695, %add3A_797 : vector<16xi32>
          %gather3A_799 = tpu.vector_load_idx %arg13[%add3A_692, %add3A_798] : memref<104x208xi32, #tpu.memory_space<vmem>>[vector<16xi32>, vector<16xi32>], vector<16xi32>,
          %shift_left3A_800 = arith.constant 16 : i32
          %shift_left3A_801 = vector.broadcast %shift_left3A_800 : i32 to vector<16xi32>
          %shift_left3A_802 = arith.shli %gather3A_795, %shift_left3A_801 : vector<16xi32>
          %bitcast3A_803 = vector.bitcast %shift_left3A_802 : vector<16xi32> to vector<16xf32>
          %and3A_804 = arith.andi %gather3A_795, %broadcast_in_dim3A_5 : vector<16xi32>
          %bitcast3A_805 = vector.bitcast %and3A_804 : vector<16xi32> to vector<16xf32>
          %shift_left3A_806 = arith.constant 16 : i32
          %shift_left3A_807 = vector.broadcast %shift_left3A_806 : i32 to vector<16xi32>
          %shift_left3A_808 = arith.shli %gather3A_799, %shift_left3A_807 : vector<16xi32>
          %bitcast3A_809 = vector.bitcast %shift_left3A_808 : vector<16xi32> to vector<16xf32>
          %and3A_810 = arith.andi %gather3A_799, %broadcast_in_dim3A_5 : vector<16xi32>
          %bitcast3A_811 = vector.bitcast %and3A_810 : vector<16xi32> to vector<16xf32>
          %mul3A_812 = arith.mulf %bitcast3A_803, %bitcast3A_809 : vector<16xf32>
          %add3A_813 = arith.addf %add3A_767, %mul3A_812 : vector<16xf32>
          %mul3A_814 = arith.mulf %bitcast3A_805, %bitcast3A_811 : vector<16xf32>
          %add3A_815 = arith.addf %add3A_813, %mul3A_814 : vector<16xf32>
          %add3A_816 = arith.constant 5 : i32
          %add3A_817 = vector.broadcast %add3A_816 : i32 to vector<16xi32>
          %add3A_818 = arith.addi %get3A_687, %add3A_817 : vector<16xi32>
          %gather3A_819 = tpu.vector_load_idx %arg13[%add3A_684, %add3A_818] : memref<104x208xi32, #tpu.memory_space<vmem>>[vector<16xi32>, vector<16xi32>], vector<16xi32>,
          %add3A_820 = arith.constant 5 : i32
          %add3A_821 = vector.broadcast %add3A_820 : i32 to vector<16xi32>
          %add3A_822 = arith.addi %get3A_695, %add3A_821 : vector<16xi32>
          %gather3A_823 = tpu.vector_load_idx %arg13[%add3A_692, %add3A_822] : memref<104x208xi32, #tpu.memory_space<vmem>>[vector<16xi32>, vector<16xi32>], vector<16xi32>,
          %shift_left3A_824 = arith.constant 16 : i32
          %shift_left3A_825 = vector.broadcast %shift_left3A_824 : i32 to vector<16xi32>
          %shift_left3A_826 = arith.shli %gather3A_819, %shift_left3A_825 : vector<16xi32>
          %bitcast3A_827 = vector.bitcast %shift_left3A_826 : vector<16xi32> to vector<16xf32>
          %and3A_828 = arith.andi %gather3A_819, %broadcast_in_dim3A_5 : vector<16xi32>
          %bitcast3A_829 = vector.bitcast %and3A_828 : vector<16xi32> to vector<16xf32>
          %shift_left3A_830 = arith.constant 16 : i32
          %shift_left3A_831 = vector.broadcast %shift_left3A_830 : i32 to vector<16xi32>
          %shift_left3A_832 = arith.shli %gather3A_823, %shift_left3A_831 : vector<16xi32>
          %bitcast3A_833 = vector.bitcast %shift_left3A_832 : vector<16xi32> to vector<16xf32>
          %and3A_834 = arith.andi %gather3A_823, %broadcast_in_dim3A_5 : vector<16xi32>
          %bitcast3A_835 = vector.bitcast %and3A_834 : vector<16xi32> to vector<16xf32>
          %mul3A_836 = arith.mulf %bitcast3A_827, %bitcast3A_833 : vector<16xf32>
          %add3A_837 = arith.addf %add3A_791, %mul3A_836 : vector<16xf32>
          %mul3A_838 = arith.mulf %bitcast3A_829, %bitcast3A_835 : vector<16xf32>
          %add3A_839 = arith.addf %add3A_837, %mul3A_838 : vector<16xf32>
          %add3A_840 = arith.constant 6 : i32
          %add3A_841 = vector.broadcast %add3A_840 : i32 to vector<16xi32>
          %add3A_842 = arith.addi %get3A_687, %add3A_841 : vector<16xi32>
          %gather3A_843 = tpu.vector_load_idx %arg13[%add3A_684, %add3A_842] : memref<104x208xi32, #tpu.memory_space<vmem>>[vector<16xi32>, vector<16xi32>], vector<16xi32>,
          %add3A_844 = arith.constant 6 : i32
          %add3A_845 = vector.broadcast %add3A_844 : i32 to vector<16xi32>
          %add3A_846 = arith.addi %get3A_695, %add3A_845 : vector<16xi32>
          %gather3A_847 = tpu.vector_load_idx %arg13[%add3A_692, %add3A_846] : memref<104x208xi32, #tpu.memory_space<vmem>>[vector<16xi32>, vector<16xi32>], vector<16xi32>,
          %shift_left3A_848 = arith.constant 16 : i32
          %shift_left3A_849 = vector.broadcast %shift_left3A_848 : i32 to vector<16xi32>
          %shift_left3A_850 = arith.shli %gather3A_843, %shift_left3A_849 : vector<16xi32>
          %bitcast3A_851 = vector.bitcast %shift_left3A_850 : vector<16xi32> to vector<16xf32>
          %and3A_852 = arith.andi %gather3A_843, %broadcast_in_dim3A_5 : vector<16xi32>
          %bitcast3A_853 = vector.bitcast %and3A_852 : vector<16xi32> to vector<16xf32>
          %shift_left3A_854 = arith.constant 16 : i32
          %shift_left3A_855 = vector.broadcast %shift_left3A_854 : i32 to vector<16xi32>
          %shift_left3A_856 = arith.shli %gather3A_847, %shift_left3A_855 : vector<16xi32>
          %bitcast3A_857 = vector.bitcast %shift_left3A_856 : vector<16xi32> to vector<16xf32>
          %and3A_858 = arith.andi %gather3A_847, %broadcast_in_dim3A_5 : vector<16xi32>
          %bitcast3A_859 = vector.bitcast %and3A_858 : vector<16xi32> to vector<16xf32>
          %mul3A_860 = arith.mulf %bitcast3A_851, %bitcast3A_857 : vector<16xf32>
          %add3A_861 = arith.addf %add3A_815, %mul3A_860 : vector<16xf32>
          %mul3A_862 = arith.mulf %bitcast3A_853, %bitcast3A_859 : vector<16xf32>
          %add3A_863 = arith.addf %add3A_861, %mul3A_862 : vector<16xf32>
          %add3A_864 = arith.constant 7 : i32
          %add3A_865 = vector.broadcast %add3A_864 : i32 to vector<16xi32>
          %add3A_866 = arith.addi %get3A_687, %add3A_865 : vector<16xi32>
          %gather3A_867 = tpu.vector_load_idx %arg13[%add3A_684, %add3A_866] : memref<104x208xi32, #tpu.memory_space<vmem>>[vector<16xi32>, vector<16xi32>], vector<16xi32>,
          %add3A_868 = arith.constant 7 : i32
          %add3A_869 = vector.broadcast %add3A_868 : i32 to vector<16xi32>
          %add3A_870 = arith.addi %get3A_695, %add3A_869 : vector<16xi32>
          %gather3A_871 = tpu.vector_load_idx %arg13[%add3A_692, %add3A_870] : memref<104x208xi32, #tpu.memory_space<vmem>>[vector<16xi32>, vector<16xi32>], vector<16xi32>,
          %shift_left3A_872 = arith.constant 16 : i32
          %shift_left3A_873 = vector.broadcast %shift_left3A_872 : i32 to vector<16xi32>
          %shift_left3A_874 = arith.shli %gather3A_867, %shift_left3A_873 : vector<16xi32>
          %bitcast3A_875 = vector.bitcast %shift_left3A_874 : vector<16xi32> to vector<16xf32>
          %and3A_876 = arith.andi %gather3A_867, %broadcast_in_dim3A_5 : vector<16xi32>
          %bitcast3A_877 = vector.bitcast %and3A_876 : vector<16xi32> to vector<16xf32>
          %shift_left3A_878 = arith.constant 16 : i32
          %shift_left3A_879 = vector.broadcast %shift_left3A_878 : i32 to vector<16xi32>
          %shift_left3A_880 = arith.shli %gather3A_871, %shift_left3A_879 : vector<16xi32>
          %bitcast3A_881 = vector.bitcast %shift_left3A_880 : vector<16xi32> to vector<16xf32>
          %and3A_882 = arith.andi %gather3A_871, %broadcast_in_dim3A_5 : vector<16xi32>
          %bitcast3A_883 = vector.bitcast %and3A_882 : vector<16xi32> to vector<16xf32>
          %mul3A_884 = arith.mulf %bitcast3A_875, %bitcast3A_881 : vector<16xf32>
          %add3A_885 = arith.addf %add3A_839, %mul3A_884 : vector<16xf32>
          %mul3A_886 = arith.mulf %bitcast3A_877, %bitcast3A_883 : vector<16xf32>
          %add3A_887 = arith.addf %add3A_885, %mul3A_886 : vector<16xf32>
          %add3A_888 = arith.addf %add3A_863, %add3A_887 : vector<16xf32>
          %mul3A_889 = arith.constant 16 : i32
          %mul3A_890 = arith.muli %scan3A_679, %mul3A_889 : i32
          %add3A_891 = arith.constant 416 : i32
          %add3A_892 = arith.addi %add3A_891, %mul3A_890 : i32
          %swap3A_893 = arith.index_cast %scan3A_362 : i32 to index
          %swap3A_894 = arith.index_cast %add3A_892 : i32 to index
          %swap3A_895 = tpu.vector_load %arg15[%swap3A_893, %swap3A_894] {strides = array<i32>} : memref<4x768xf32, #tpu.memory_space<vmem>>, vector<16xf32>,
          tpu.vector_store %arg15[%swap3A_893, %swap3A_894], %add3A_888 {strides = array<i32>} : memref<4x768xf32, #tpu.memory_space<vmem>>, vector<16xf32>,
        }
        %scan3A_678 = arith.constant 21 : i32
      }
      %scan3A_340 = arith.constant 4 : i32
      %mul3A_341 = arith.constant 4 : i32
      %mul3A_342 = arith.muli %add3A_334, %mul3A_341 : i32
      "tpu.region"() ({
        %run_scoped3A = tpu.sem_alloc : memref<!tpu.dma_semaphore, #tpu.memory_space<semaphore_mem>>
        %dma_start3A_362 = arith.constant 0 : i32
        %dma_start3A_363 = tpu.memref_slice %arg11[%mul3A_342, %dma_start3A_362] : memref<4096x768xf32, #tpu.memory_space<hbm>> -> memref<4x768xf32, #tpu.memory_space<hbm>>
        %dma_start3A_364 = arith.constant 0 : i32
        %dma_start3A_365 = tpu.memref_slice %arg11[%mul3A_342, %dma_start3A_364] : memref<4096x768xf32, #tpu.memory_space<hbm>> -> memref<4x768xf32, #tpu.memory_space<hbm>>
        tpu.enqueue_dma source(%arg15 : memref<4x768xf32, #tpu.memory_space<vmem>>) target(%dma_start3A_365 : memref<4x768xf32, #tpu.memory_space<hbm>>) target_semaphore(%run_scoped3A : memref<!tpu.dma_semaphore, #tpu.memory_space<semaphore_mem>>)
        %dma_wait3A_366 = arith.constant 0 : i32
        %dma_wait3A_367 = tpu.memref_slice %arg11[%mul3A_342, %dma_wait3A_366] : memref<4096x768xf32, #tpu.memory_space<hbm>> -> memref<4x768xf32, #tpu.memory_space<hbm>>
        %dma_wait3A_368 = arith.constant 0 : i32
        %dma_wait3A_369 = tpu.memref_slice %arg11[%mul3A_342, %dma_wait3A_368] : memref<4096x768xf32, #tpu.memory_space<hbm>> -> memref<4x768xf32, #tpu.memory_space<hbm>>
        tpu.wait_dma2 semaphore(%run_scoped3A : memref<!tpu.dma_semaphore, #tpu.memory_space<semaphore_mem>>) src(%arg15 : memref<4x768xf32, #tpu.memory_space<vmem>>) dst(%dma_wait3A_369 : memref<4x768xf32, #tpu.memory_space<hbm>>)
        tpu.yield
      }) : () -> ()
      %lt3A = arith.constant 15 : i32
      %lt3A_343 = arith.cmpi slt, %scan3A_181, %lt3A : i32
      %convert_element_type3A = arith.extui %lt3A_343 : i1 to i32
      %cond3A = arith.constant 0 : i32
      %cond3A_344 = arith.cmpi ne, %convert_element_type3A, %cond3A : i32
      scf.if %cond3A_344 {
        %add3A_362 = arith.constant 2 : i32
        %add3A_363 = arith.addi %mul3A_183, %add3A_362 : i32
        %dma_start3A_364 = arith.constant 0 : i32
        %dma_start3A_365 = arith.constant 0 : i32
        %dma_start3A_366 = tpu.memref_slice %arg13[%dma_start3A_364, %dma_start3A_365] : memref<104x208xi32, #tpu.memory_space<vmem>> -> memref<8x208xi32, #tpu.memory_space<vmem>>
        %dma_start3A_367 = arith.constant 0 : i32
        %dma_start3A_368 = tpu.memref_slice %arg12[%add3A_363, %dma_start3A_367] : memref<32x104xi32, #tpu.memory_space<vmem>> -> memref<1x104xi32, #tpu.memory_space<vmem>>
        %dma_start3A_369 = tpu.memref_squeeze %dma_start3A_368 : memref<1x104xi32, #tpu.memory_space<vmem>> -> memref<104xi32, #tpu.memory_space<vmem>>
        %dma_start3A_370 = arith.constant 0 : i32
        %dma_start3A_371 = tpu.memref_slice %dma_start3A_369[%dma_start3A_370] : memref<104xi32, #tpu.memory_space<vmem>> -> memref<8xi32, #tpu.memory_space<vmem>>
        %dma_start3A_372 = arith.constant 0 : i32
        %dma_start3A_373 = arith.constant 0 : i32
        %dma_start3A_374 = tpu.memref_slice %arg2[%dma_start3A_372, %dma_start3A_373] : memref<26000x208xi32, #tpu.memory_space<hbm>> -> memref<26000x208xi32, #tpu.memory_space<hbm>>
        tpu.enqueue_indirect_dma source(%dma_start3A_374 : memref<26000x208xi32, #tpu.memory_space<hbm>>) target(%dma_start3A_366 : memref<8x208xi32, #tpu.memory_space<vmem>>) offsets(%dma_start3A_371 : memref<8xi32, #tpu.memory_space<vmem>>) semaphore(%arg23 : memref<!tpu.dma_semaphore, #tpu.memory_space<semaphore_mem>>)
        %dma_start3A_375 = arith.constant 8 : i32
        %dma_start3A_376 = arith.constant 0 : i32
        %dma_start3A_377 = tpu.memref_slice %arg13[%dma_start3A_375, %dma_start3A_376] : memref<104x208xi32, #tpu.memory_space<vmem>> -> memref<8x208xi32, #tpu.memory_space<vmem>>
        %dma_start3A_378 = arith.constant 0 : i32
        %dma_start3A_379 = tpu.memref_slice %arg12[%add3A_363, %dma_start3A_378] : memref<32x104xi32, #tpu.memory_space<vmem>> -> memref<1x104xi32, #tpu.memory_space<vmem>>
        %dma_start3A_380 = tpu.memref_squeeze %dma_start3A_379 : memref<1x104xi32, #tpu.memory_space<vmem>> -> memref<104xi32, #tpu.memory_space<vmem>>
        %dma_start3A_381 = arith.constant 8 : i32
        %dma_start3A_382 = tpu.memref_slice %dma_start3A_380[%dma_start3A_381] : memref<104xi32, #tpu.memory_space<vmem>> -> memref<8xi32, #tpu.memory_space<vmem>>
        %dma_start3A_383 = arith.constant 0 : i32
        %dma_start3A_384 = arith.constant 0 : i32
        %dma_start3A_385 = tpu.memref_slice %arg2[%dma_start3A_383, %dma_start3A_384] : memref<26000x208xi32, #tpu.memory_space<hbm>> -> memref<26000x208xi32, #tpu.memory_space<hbm>>
        tpu.enqueue_indirect_dma source(%dma_start3A_385 : memref<26000x208xi32, #tpu.memory_space<hbm>>) target(%dma_start3A_377 : memref<8x208xi32, #tpu.memory_space<vmem>>) offsets(%dma_start3A_382 : memref<8xi32, #tpu.memory_space<vmem>>) semaphore(%arg23 : memref<!tpu.dma_semaphore, #tpu.memory_space<semaphore_mem>>)
        %dma_start3A_386 = arith.constant 16 : i32
        %dma_start3A_387 = arith.constant 0 : i32
        %dma_start3A_388 = tpu.memref_slice %arg13[%dma_start3A_386, %dma_start3A_387] : memref<104x208xi32, #tpu.memory_space<vmem>> -> memref<8x208xi32, #tpu.memory_space<vmem>>
        %dma_start3A_389 = arith.constant 0 : i32
        %dma_start3A_390 = tpu.memref_slice %arg12[%add3A_363, %dma_start3A_389] : memref<32x104xi32, #tpu.memory_space<vmem>> -> memref<1x104xi32, #tpu.memory_space<vmem>>
        %dma_start3A_391 = tpu.memref_squeeze %dma_start3A_390 : memref<1x104xi32, #tpu.memory_space<vmem>> -> memref<104xi32, #tpu.memory_space<vmem>>
        %dma_start3A_392 = arith.constant 16 : i32
        %dma_start3A_393 = tpu.memref_slice %dma_start3A_391[%dma_start3A_392] : memref<104xi32, #tpu.memory_space<vmem>> -> memref<8xi32, #tpu.memory_space<vmem>>
        %dma_start3A_394 = arith.constant 0 : i32
        %dma_start3A_395 = arith.constant 0 : i32
        %dma_start3A_396 = tpu.memref_slice %arg2[%dma_start3A_394, %dma_start3A_395] : memref<26000x208xi32, #tpu.memory_space<hbm>> -> memref<26000x208xi32, #tpu.memory_space<hbm>>
        tpu.enqueue_indirect_dma source(%dma_start3A_396 : memref<26000x208xi32, #tpu.memory_space<hbm>>) target(%dma_start3A_388 : memref<8x208xi32, #tpu.memory_space<vmem>>) offsets(%dma_start3A_393 : memref<8xi32, #tpu.memory_space<vmem>>) semaphore(%arg23 : memref<!tpu.dma_semaphore, #tpu.memory_space<semaphore_mem>>)
        %dma_start3A_397 = arith.constant 24 : i32
        %dma_start3A_398 = arith.constant 0 : i32
        %dma_start3A_399 = tpu.memref_slice %arg13[%dma_start3A_397, %dma_start3A_398] : memref<104x208xi32, #tpu.memory_space<vmem>> -> memref<8x208xi32, #tpu.memory_space<vmem>>
        %dma_start3A_400 = arith.constant 0 : i32
        %dma_start3A_401 = tpu.memref_slice %arg12[%add3A_363, %dma_start3A_400] : memref<32x104xi32, #tpu.memory_space<vmem>> -> memref<1x104xi32, #tpu.memory_space<vmem>>
        %dma_start3A_402 = tpu.memref_squeeze %dma_start3A_401 : memref<1x104xi32, #tpu.memory_space<vmem>> -> memref<104xi32, #tpu.memory_space<vmem>>
        %dma_start3A_403 = arith.constant 24 : i32
        %dma_start3A_404 = tpu.memref_slice %dma_start3A_402[%dma_start3A_403] : memref<104xi32, #tpu.memory_space<vmem>> -> memref<8xi32, #tpu.memory_space<vmem>>
        %dma_start3A_405 = arith.constant 0 : i32
        %dma_start3A_406 = arith.constant 0 : i32
        %dma_start3A_407 = tpu.memref_slice %arg2[%dma_start3A_405, %dma_start3A_406] : memref<26000x208xi32, #tpu.memory_space<hbm>> -> memref<26000x208xi32, #tpu.memory_space<hbm>>
        tpu.enqueue_indirect_dma source(%dma_start3A_407 : memref<26000x208xi32, #tpu.memory_space<hbm>>) target(%dma_start3A_399 : memref<8x208xi32, #tpu.memory_space<vmem>>) offsets(%dma_start3A_404 : memref<8xi32, #tpu.memory_space<vmem>>) semaphore(%arg23 : memref<!tpu.dma_semaphore, #tpu.memory_space<semaphore_mem>>)
        %dma_start3A_408 = arith.constant 32 : i32
        %dma_start3A_409 = arith.constant 0 : i32
        %dma_start3A_410 = tpu.memref_slice %arg13[%dma_start3A_408, %dma_start3A_409] : memref<104x208xi32, #tpu.memory_space<vmem>> -> memref<8x208xi32, #tpu.memory_space<vmem>>
        %dma_start3A_411 = arith.constant 0 : i32
        %dma_start3A_412 = tpu.memref_slice %arg12[%add3A_363, %dma_start3A_411] : memref<32x104xi32, #tpu.memory_space<vmem>> -> memref<1x104xi32, #tpu.memory_space<vmem>>
        %dma_start3A_413 = tpu.memref_squeeze %dma_start3A_412 : memref<1x104xi32, #tpu.memory_space<vmem>> -> memref<104xi32, #tpu.memory_space<vmem>>
        %dma_start3A_414 = arith.constant 32 : i32
        %dma_start3A_415 = tpu.memref_slice %dma_start3A_413[%dma_start3A_414] : memref<104xi32, #tpu.memory_space<vmem>> -> memref<8xi32, #tpu.memory_space<vmem>>
        %dma_start3A_416 = arith.constant 0 : i32
        %dma_start3A_417 = arith.constant 0 : i32
        %dma_start3A_418 = tpu.memref_slice %arg2[%dma_start3A_416, %dma_start3A_417] : memref<26000x208xi32, #tpu.memory_space<hbm>> -> memref<26000x208xi32, #tpu.memory_space<hbm>>
        tpu.enqueue_indirect_dma source(%dma_start3A_418 : memref<26000x208xi32, #tpu.memory_space<hbm>>) target(%dma_start3A_410 : memref<8x208xi32, #tpu.memory_space<vmem>>) offsets(%dma_start3A_415 : memref<8xi32, #tpu.memory_space<vmem>>) semaphore(%arg23 : memref<!tpu.dma_semaphore, #tpu.memory_space<semaphore_mem>>)
        %dma_start3A_419 = arith.constant 40 : i32
        %dma_start3A_420 = arith.constant 0 : i32
        %dma_start3A_421 = tpu.memref_slice %arg13[%dma_start3A_419, %dma_start3A_420] : memref<104x208xi32, #tpu.memory_space<vmem>> -> memref<8x208xi32, #tpu.memory_space<vmem>>
        %dma_start3A_422 = arith.constant 0 : i32
        %dma_start3A_423 = tpu.memref_slice %arg12[%add3A_363, %dma_start3A_422] : memref<32x104xi32, #tpu.memory_space<vmem>> -> memref<1x104xi32, #tpu.memory_space<vmem>>
        %dma_start3A_424 = tpu.memref_squeeze %dma_start3A_423 : memref<1x104xi32, #tpu.memory_space<vmem>> -> memref<104xi32, #tpu.memory_space<vmem>>
        %dma_start3A_425 = arith.constant 40 : i32
        %dma_start3A_426 = tpu.memref_slice %dma_start3A_424[%dma_start3A_425] : memref<104xi32, #tpu.memory_space<vmem>> -> memref<8xi32, #tpu.memory_space<vmem>>
        %dma_start3A_427 = arith.constant 0 : i32
        %dma_start3A_428 = arith.constant 0 : i32
        %dma_start3A_429 = tpu.memref_slice %arg2[%dma_start3A_427, %dma_start3A_428] : memref<26000x208xi32, #tpu.memory_space<hbm>> -> memref<26000x208xi32, #tpu.memory_space<hbm>>
        tpu.enqueue_indirect_dma source(%dma_start3A_429 : memref<26000x208xi32, #tpu.memory_space<hbm>>) target(%dma_start3A_421 : memref<8x208xi32, #tpu.memory_space<vmem>>) offsets(%dma_start3A_426 : memref<8xi32, #tpu.memory_space<vmem>>) semaphore(%arg23 : memref<!tpu.dma_semaphore, #tpu.memory_space<semaphore_mem>>)
        %dma_start3A_430 = arith.constant 48 : i32
        %dma_start3A_431 = arith.constant 0 : i32
        %dma_start3A_432 = tpu.memref_slice %arg13[%dma_start3A_430, %dma_start3A_431] : memref<104x208xi32, #tpu.memory_space<vmem>> -> memref<8x208xi32, #tpu.memory_space<vmem>>
        %dma_start3A_433 = arith.constant 0 : i32
        %dma_start3A_434 = tpu.memref_slice %arg12[%add3A_363, %dma_start3A_433] : memref<32x104xi32, #tpu.memory_space<vmem>> -> memref<1x104xi32, #tpu.memory_space<vmem>>
        %dma_start3A_435 = tpu.memref_squeeze %dma_start3A_434 : memref<1x104xi32, #tpu.memory_space<vmem>> -> memref<104xi32, #tpu.memory_space<vmem>>
        %dma_start3A_436 = arith.constant 48 : i32
        %dma_start3A_437 = tpu.memref_slice %dma_start3A_435[%dma_start3A_436] : memref<104xi32, #tpu.memory_space<vmem>> -> memref<8xi32, #tpu.memory_space<vmem>>
        %dma_start3A_438 = arith.constant 0 : i32
        %dma_start3A_439 = arith.constant 0 : i32
        %dma_start3A_440 = tpu.memref_slice %arg2[%dma_start3A_438, %dma_start3A_439] : memref<26000x208xi32, #tpu.memory_space<hbm>> -> memref<26000x208xi32, #tpu.memory_space<hbm>>
        tpu.enqueue_indirect_dma source(%dma_start3A_440 : memref<26000x208xi32, #tpu.memory_space<hbm>>) target(%dma_start3A_432 : memref<8x208xi32, #tpu.memory_space<vmem>>) offsets(%dma_start3A_437 : memref<8xi32, #tpu.memory_space<vmem>>) semaphore(%arg23 : memref<!tpu.dma_semaphore, #tpu.memory_space<semaphore_mem>>)
        %dma_start3A_441 = arith.constant 56 : i32
        %dma_start3A_442 = arith.constant 0 : i32
        %dma_start3A_443 = tpu.memref_slice %arg13[%dma_start3A_441, %dma_start3A_442] : memref<104x208xi32, #tpu.memory_space<vmem>> -> memref<8x208xi32, #tpu.memory_space<vmem>>
        %dma_start3A_444 = arith.constant 0 : i32
        %dma_start3A_445 = tpu.memref_slice %arg12[%add3A_363, %dma_start3A_444] : memref<32x104xi32, #tpu.memory_space<vmem>> -> memref<1x104xi32, #tpu.memory_space<vmem>>
        %dma_start3A_446 = tpu.memref_squeeze %dma_start3A_445 : memref<1x104xi32, #tpu.memory_space<vmem>> -> memref<104xi32, #tpu.memory_space<vmem>>
        %dma_start3A_447 = arith.constant 56 : i32
        %dma_start3A_448 = tpu.memref_slice %dma_start3A_446[%dma_start3A_447] : memref<104xi32, #tpu.memory_space<vmem>> -> memref<8xi32, #tpu.memory_space<vmem>>
        %dma_start3A_449 = arith.constant 0 : i32
        %dma_start3A_450 = arith.constant 0 : i32
        %dma_start3A_451 = tpu.memref_slice %arg2[%dma_start3A_449, %dma_start3A_450] : memref<26000x208xi32, #tpu.memory_space<hbm>> -> memref<26000x208xi32, #tpu.memory_space<hbm>>
        tpu.enqueue_indirect_dma source(%dma_start3A_451 : memref<26000x208xi32, #tpu.memory_space<hbm>>) target(%dma_start3A_443 : memref<8x208xi32, #tpu.memory_space<vmem>>) offsets(%dma_start3A_448 : memref<8xi32, #tpu.memory_space<vmem>>) semaphore(%arg23 : memref<!tpu.dma_semaphore, #tpu.memory_space<semaphore_mem>>)
        %dma_start3A_452 = arith.constant 64 : i32
        %dma_start3A_453 = arith.constant 0 : i32
        %dma_start3A_454 = tpu.memref_slice %arg13[%dma_start3A_452, %dma_start3A_453] : memref<104x208xi32, #tpu.memory_space<vmem>> -> memref<8x208xi32, #tpu.memory_space<vmem>>
        %dma_start3A_455 = arith.constant 0 : i32
        %dma_start3A_456 = tpu.memref_slice %arg12[%add3A_363, %dma_start3A_455] : memref<32x104xi32, #tpu.memory_space<vmem>> -> memref<1x104xi32, #tpu.memory_space<vmem>>
        %dma_start3A_457 = tpu.memref_squeeze %dma_start3A_456 : memref<1x104xi32, #tpu.memory_space<vmem>> -> memref<104xi32, #tpu.memory_space<vmem>>
        %dma_start3A_458 = arith.constant 64 : i32
        %dma_start3A_459 = tpu.memref_slice %dma_start3A_457[%dma_start3A_458] : memref<104xi32, #tpu.memory_space<vmem>> -> memref<8xi32, #tpu.memory_space<vmem>>
        %dma_start3A_460 = arith.constant 0 : i32
        %dma_start3A_461 = arith.constant 0 : i32
        %dma_start3A_462 = tpu.memref_slice %arg2[%dma_start3A_460, %dma_start3A_461] : memref<26000x208xi32, #tpu.memory_space<hbm>> -> memref<26000x208xi32, #tpu.memory_space<hbm>>
        tpu.enqueue_indirect_dma source(%dma_start3A_462 : memref<26000x208xi32, #tpu.memory_space<hbm>>) target(%dma_start3A_454 : memref<8x208xi32, #tpu.memory_space<vmem>>) offsets(%dma_start3A_459 : memref<8xi32, #tpu.memory_space<vmem>>) semaphore(%arg23 : memref<!tpu.dma_semaphore, #tpu.memory_space<semaphore_mem>>)
        %dma_start3A_463 = arith.constant 72 : i32
        %dma_start3A_464 = arith.constant 0 : i32
        %dma_start3A_465 = tpu.memref_slice %arg13[%dma_start3A_463, %dma_start3A_464] : memref<104x208xi32, #tpu.memory_space<vmem>> -> memref<8x208xi32, #tpu.memory_space<vmem>>
        %dma_start3A_466 = arith.constant 0 : i32
        %dma_start3A_467 = tpu.memref_slice %arg12[%add3A_363, %dma_start3A_466] : memref<32x104xi32, #tpu.memory_space<vmem>> -> memref<1x104xi32, #tpu.memory_space<vmem>>
        %dma_start3A_468 = tpu.memref_squeeze %dma_start3A_467 : memref<1x104xi32, #tpu.memory_space<vmem>> -> memref<104xi32, #tpu.memory_space<vmem>>
        %dma_start3A_469 = arith.constant 72 : i32
        %dma_start3A_470 = tpu.memref_slice %dma_start3A_468[%dma_start3A_469] : memref<104xi32, #tpu.memory_space<vmem>> -> memref<8xi32, #tpu.memory_space<vmem>>
        %dma_start3A_471 = arith.constant 0 : i32
        %dma_start3A_472 = arith.constant 0 : i32
        %dma_start3A_473 = tpu.memref_slice %arg2[%dma_start3A_471, %dma_start3A_472] : memref<26000x208xi32, #tpu.memory_space<hbm>> -> memref<26000x208xi32, #tpu.memory_space<hbm>>
        tpu.enqueue_indirect_dma source(%dma_start3A_473 : memref<26000x208xi32, #tpu.memory_space<hbm>>) target(%dma_start3A_465 : memref<8x208xi32, #tpu.memory_space<vmem>>) offsets(%dma_start3A_470 : memref<8xi32, #tpu.memory_space<vmem>>) semaphore(%arg23 : memref<!tpu.dma_semaphore, #tpu.memory_space<semaphore_mem>>)
        %dma_start3A_474 = arith.constant 80 : i32
        %dma_start3A_475 = arith.constant 0 : i32
        %dma_start3A_476 = tpu.memref_slice %arg13[%dma_start3A_474, %dma_start3A_475] : memref<104x208xi32, #tpu.memory_space<vmem>> -> memref<8x208xi32, #tpu.memory_space<vmem>>
        %dma_start3A_477 = arith.constant 0 : i32
        %dma_start3A_478 = tpu.memref_slice %arg12[%add3A_363, %dma_start3A_477] : memref<32x104xi32, #tpu.memory_space<vmem>> -> memref<1x104xi32, #tpu.memory_space<vmem>>
        %dma_start3A_479 = tpu.memref_squeeze %dma_start3A_478 : memref<1x104xi32, #tpu.memory_space<vmem>> -> memref<104xi32, #tpu.memory_space<vmem>>
        %dma_start3A_480 = arith.constant 80 : i32
        %dma_start3A_481 = tpu.memref_slice %dma_start3A_479[%dma_start3A_480] : memref<104xi32, #tpu.memory_space<vmem>> -> memref<8xi32, #tpu.memory_space<vmem>>
        %dma_start3A_482 = arith.constant 0 : i32
        %dma_start3A_483 = arith.constant 0 : i32
        %dma_start3A_484 = tpu.memref_slice %arg2[%dma_start3A_482, %dma_start3A_483] : memref<26000x208xi32, #tpu.memory_space<hbm>> -> memref<26000x208xi32, #tpu.memory_space<hbm>>
        tpu.enqueue_indirect_dma source(%dma_start3A_484 : memref<26000x208xi32, #tpu.memory_space<hbm>>) target(%dma_start3A_476 : memref<8x208xi32, #tpu.memory_space<vmem>>) offsets(%dma_start3A_481 : memref<8xi32, #tpu.memory_space<vmem>>) semaphore(%arg23 : memref<!tpu.dma_semaphore, #tpu.memory_space<semaphore_mem>>)
        %dma_start3A_485 = arith.constant 88 : i32
        %dma_start3A_486 = arith.constant 0 : i32
        %dma_start3A_487 = tpu.memref_slice %arg13[%dma_start3A_485, %dma_start3A_486] : memref<104x208xi32, #tpu.memory_space<vmem>> -> memref<8x208xi32, #tpu.memory_space<vmem>>
        %dma_start3A_488 = arith.constant 0 : i32
        %dma_start3A_489 = tpu.memref_slice %arg12[%add3A_363, %dma_start3A_488] : memref<32x104xi32, #tpu.memory_space<vmem>> -> memref<1x104xi32, #tpu.memory_space<vmem>>
        %dma_start3A_490 = tpu.memref_squeeze %dma_start3A_489 : memref<1x104xi32, #tpu.memory_space<vmem>> -> memref<104xi32, #tpu.memory_space<vmem>>
        %dma_start3A_491 = arith.constant 88 : i32
        %dma_start3A_492 = tpu.memref_slice %dma_start3A_490[%dma_start3A_491] : memref<104xi32, #tpu.memory_space<vmem>> -> memref<8xi32, #tpu.memory_space<vmem>>
        %dma_start3A_493 = arith.constant 0 : i32
        %dma_start3A_494 = arith.constant 0 : i32
        %dma_start3A_495 = tpu.memref_slice %arg2[%dma_start3A_493, %dma_start3A_494] : memref<26000x208xi32, #tpu.memory_space<hbm>> -> memref<26000x208xi32, #tpu.memory_space<hbm>>
        tpu.enqueue_indirect_dma source(%dma_start3A_495 : memref<26000x208xi32, #tpu.memory_space<hbm>>) target(%dma_start3A_487 : memref<8x208xi32, #tpu.memory_space<vmem>>) offsets(%dma_start3A_492 : memref<8xi32, #tpu.memory_space<vmem>>) semaphore(%arg23 : memref<!tpu.dma_semaphore, #tpu.memory_space<semaphore_mem>>)
        %dma_start3A_496 = arith.constant 96 : i32
        %dma_start3A_497 = arith.constant 0 : i32
        %dma_start3A_498 = tpu.memref_slice %arg13[%dma_start3A_496, %dma_start3A_497] : memref<104x208xi32, #tpu.memory_space<vmem>> -> memref<8x208xi32, #tpu.memory_space<vmem>>
        %dma_start3A_499 = arith.constant 0 : i32
        %dma_start3A_500 = tpu.memref_slice %arg12[%add3A_363, %dma_start3A_499] : memref<32x104xi32, #tpu.memory_space<vmem>> -> memref<1x104xi32, #tpu.memory_space<vmem>>
        %dma_start3A_501 = tpu.memref_squeeze %dma_start3A_500 : memref<1x104xi32, #tpu.memory_space<vmem>> -> memref<104xi32, #tpu.memory_space<vmem>>
        %dma_start3A_502 = arith.constant 96 : i32
        %dma_start3A_503 = tpu.memref_slice %dma_start3A_501[%dma_start3A_502] : memref<104xi32, #tpu.memory_space<vmem>> -> memref<8xi32, #tpu.memory_space<vmem>>
        %dma_start3A_504 = arith.constant 0 : i32
        %dma_start3A_505 = arith.constant 0 : i32
        %dma_start3A_506 = tpu.memref_slice %arg2[%dma_start3A_504, %dma_start3A_505] : memref<26000x208xi32, #tpu.memory_space<hbm>> -> memref<26000x208xi32, #tpu.memory_space<hbm>>
        tpu.enqueue_indirect_dma source(%dma_start3A_506 : memref<26000x208xi32, #tpu.memory_space<hbm>>) target(%dma_start3A_498 : memref<8x208xi32, #tpu.memory_space<vmem>>) offsets(%dma_start3A_503 : memref<8xi32, #tpu.memory_space<vmem>>) semaphore(%arg23 : memref<!tpu.dma_semaphore, #tpu.memory_space<semaphore_mem>>)
      } else {
      }
      %dma_wait3A_345 = arith.constant 0 : i32
      %dma_wait3A_346 = arith.constant 0 : i32
      %dma_wait3A_347 = tpu.memref_slice %arg2[%dma_wait3A_345, %dma_wait3A_346] : memref<26000x208xi32, #tpu.memory_space<hbm>> -> memref<104x208xi32, #tpu.memory_space<hbm>>
      %dma_wait3A_348 = arith.constant 0 : i32
      %dma_wait3A_349 = arith.constant 0 : i32
      %dma_wait3A_350 = tpu.memref_slice %arg2[%dma_wait3A_348, %dma_wait3A_349] : memref<26000x208xi32, #tpu.memory_space<hbm>> -> memref<104x208xi32, #tpu.memory_space<hbm>>
      tpu.wait_dma2 semaphore(%arg24 : memref<!tpu.dma_semaphore, #tpu.memory_space<semaphore_mem>>) src(%dma_wait3A_350 : memref<104x208xi32, #tpu.memory_space<hbm>>) dst(%arg14 : memref<104x208xi32, #tpu.memory_space<vmem>>)
      %add3A_351 = arith.addi %mul3A_2, %mul3A_183 : i32
      %add3A_352 = arith.constant 1 : i32
      %add3A_353 = arith.addi %add3A_351, %add3A_352 : i32
      %scan3A_354 = arith.constant 0 : i32
      %scan3A_355 = arith.constant 0 : i32
      %scan3A_356 = arith.constant 4 : i32
      %scan3A_357 = arith.addi %scan3A_355, %scan3A_356 : i32
      %scan3A_358 = arith.constant 1 : i32
      scf.for %scan3A_362 = %scan3A_355 to %scan3A_357 step %scan3A_358  : i32 {
        %mul3A_363 = arith.constant 26 : i32
        %mul3A_364 = arith.muli %scan3A_362, %mul3A_363 : i32
        %broadcast_in_dim3A_365 = vector.broadcast %scan3A_362 : i32 to vector<16xi32>
        %get3A = arith.constant 0 : i32
        %get3A_366 = arith.index_cast %get3A : i32 to index
        %get3A_367 = arith.constant 0 : index
        %get3A_368 = tpu.vector_load %arg20[%get3A_366, %get3A_367] {strides = array<i32>} : memref<13x16xi32, #tpu.memory_space<vmem>>, vector<16xi32>,
        %add3A_369 = vector.broadcast %mul3A_364 : i32 to vector<16xi32>
        %add3A_370 = arith.addi %get3A_368, %add3A_369 : vector<16xi32>
        %get3A_371 = arith.constant 0 : i32
        %get3A_372 = arith.index_cast %get3A_371 : i32 to index
        %get3A_373 = arith.constant 0 : index
        %get3A_374 = tpu.vector_load %arg21[%get3A_372, %get3A_373] {strides = array<i32>} : memref<13x16xi32, #tpu.memory_space<vmem>>, vector<16xi32>,
        %gather3A = tpu.vector_load_idx %arg14[%add3A_370, %get3A_374] : memref<104x208xi32, #tpu.memory_space<vmem>>[vector<16xi32>, vector<16xi32>], vector<16xi32>,
        %shift_left3A = arith.constant 16 : i32
        %shift_left3A_375 = vector.broadcast %shift_left3A : i32 to vector<16xi32>
        %shift_left3A_376 = arith.shli %gather3A, %shift_left3A_375 : vector<16xi32>
        %bitcast3A = vector.bitcast %shift_left3A_376 : vector<16xi32> to vector<16xf32>
        %and3A = arith.andi %gather3A, %broadcast_in_dim3A_5 : vector<16xi32>
        %bitcast3A_377 = vector.bitcast %and3A : vector<16xi32> to vector<16xf32>
        %get3A_378 = arith.constant 0 : i32
        %get3A_379 = arith.index_cast %get3A_378 : i32 to index
        %get3A_380 = arith.constant 0 : index
        %get3A_381 = tpu.vector_load %arg22[%get3A_379, %get3A_380] {strides = array<i32>} : memref<13x16xi32, #tpu.memory_space<vmem>>, vector<16xi32>,
        tpu.vector_store_idx %arg15[%broadcast_in_dim3A_365, %get3A_381], %bitcast3A : memref<4x768xf32, #tpu.memory_space<vmem>>[vector<16xi32>, vector<16xi32>], vector<16xf32>,
        %add3A_382 = arith.constant 1 : i32
        %add3A_383 = vector.broadcast %add3A_382 : i32 to vector<16xi32>
        %add3A_384 = arith.addi %get3A_381, %add3A_383 : vector<16xi32>
        tpu.vector_store_idx %arg15[%broadcast_in_dim3A_365, %add3A_384], %bitcast3A_377 : memref<4x768xf32, #tpu.memory_space<vmem>>[vector<16xi32>, vector<16xi32>], vector<16xf32>,
        %get3A_385 = arith.constant 1 : i32
        %get3A_386 = arith.index_cast %get3A_385 : i32 to index
        %get3A_387 = arith.constant 0 : index
        %get3A_388 = tpu.vector_load %arg20[%get3A_386, %get3A_387] {strides = array<i32>} : memref<13x16xi32, #tpu.memory_space<vmem>>, vector<16xi32>,
        %add3A_389 = vector.broadcast %mul3A_364 : i32 to vector<16xi32>
        %add3A_390 = arith.addi %get3A_388, %add3A_389 : vector<16xi32>
        %get3A_391 = arith.constant 1 : i32
        %get3A_392 = arith.index_cast %get3A_391 : i32 to index
        %get3A_393 = arith.constant 0 : index
        %get3A_394 = tpu.vector_load %arg21[%get3A_392, %get3A_393] {strides = array<i32>} : memref<13x16xi32, #tpu.memory_space<vmem>>, vector<16xi32>,
        %gather3A_395 = tpu.vector_load_idx %arg14[%add3A_390, %get3A_394] : memref<104x208xi32, #tpu.memory_space<vmem>>[vector<16xi32>, vector<16xi32>], vector<16xi32>,
        %shift_left3A_396 = arith.constant 16 : i32
        %shift_left3A_397 = vector.broadcast %shift_left3A_396 : i32 to vector<16xi32>
        %shift_left3A_398 = arith.shli %gather3A_395, %shift_left3A_397 : vector<16xi32>
        %bitcast3A_399 = vector.bitcast %shift_left3A_398 : vector<16xi32> to vector<16xf32>
        %and3A_400 = arith.andi %gather3A_395, %broadcast_in_dim3A_5 : vector<16xi32>
        %bitcast3A_401 = vector.bitcast %and3A_400 : vector<16xi32> to vector<16xf32>
        %get3A_402 = arith.constant 1 : i32
        %get3A_403 = arith.index_cast %get3A_402 : i32 to index
        %get3A_404 = arith.constant 0 : index
        %get3A_405 = tpu.vector_load %arg22[%get3A_403, %get3A_404] {strides = array<i32>} : memref<13x16xi32, #tpu.memory_space<vmem>>, vector<16xi32>,
        tpu.vector_store_idx %arg15[%broadcast_in_dim3A_365, %get3A_405], %bitcast3A_399 : memref<4x768xf32, #tpu.memory_space<vmem>>[vector<16xi32>, vector<16xi32>], vector<16xf32>,
        %add3A_406 = arith.constant 1 : i32
        %add3A_407 = vector.broadcast %add3A_406 : i32 to vector<16xi32>
        %add3A_408 = arith.addi %get3A_405, %add3A_407 : vector<16xi32>
        tpu.vector_store_idx %arg15[%broadcast_in_dim3A_365, %add3A_408], %bitcast3A_401 : memref<4x768xf32, #tpu.memory_space<vmem>>[vector<16xi32>, vector<16xi32>], vector<16xf32>,
        %get3A_409 = arith.constant 2 : i32
        %get3A_410 = arith.index_cast %get3A_409 : i32 to index
        %get3A_411 = arith.constant 0 : index
        %get3A_412 = tpu.vector_load %arg20[%get3A_410, %get3A_411] {strides = array<i32>} : memref<13x16xi32, #tpu.memory_space<vmem>>, vector<16xi32>,
        %add3A_413 = vector.broadcast %mul3A_364 : i32 to vector<16xi32>
        %add3A_414 = arith.addi %get3A_412, %add3A_413 : vector<16xi32>
        %get3A_415 = arith.constant 2 : i32
        %get3A_416 = arith.index_cast %get3A_415 : i32 to index
        %get3A_417 = arith.constant 0 : index
        %get3A_418 = tpu.vector_load %arg21[%get3A_416, %get3A_417] {strides = array<i32>} : memref<13x16xi32, #tpu.memory_space<vmem>>, vector<16xi32>,
        %gather3A_419 = tpu.vector_load_idx %arg14[%add3A_414, %get3A_418] : memref<104x208xi32, #tpu.memory_space<vmem>>[vector<16xi32>, vector<16xi32>], vector<16xi32>,
        %shift_left3A_420 = arith.constant 16 : i32
        %shift_left3A_421 = vector.broadcast %shift_left3A_420 : i32 to vector<16xi32>
        %shift_left3A_422 = arith.shli %gather3A_419, %shift_left3A_421 : vector<16xi32>
        %bitcast3A_423 = vector.bitcast %shift_left3A_422 : vector<16xi32> to vector<16xf32>
        %and3A_424 = arith.andi %gather3A_419, %broadcast_in_dim3A_5 : vector<16xi32>
        %bitcast3A_425 = vector.bitcast %and3A_424 : vector<16xi32> to vector<16xf32>
        %get3A_426 = arith.constant 2 : i32
        %get3A_427 = arith.index_cast %get3A_426 : i32 to index
        %get3A_428 = arith.constant 0 : index
        %get3A_429 = tpu.vector_load %arg22[%get3A_427, %get3A_428] {strides = array<i32>} : memref<13x16xi32, #tpu.memory_space<vmem>>, vector<16xi32>,
        tpu.vector_store_idx %arg15[%broadcast_in_dim3A_365, %get3A_429], %bitcast3A_423 : memref<4x768xf32, #tpu.memory_space<vmem>>[vector<16xi32>, vector<16xi32>], vector<16xf32>,
        %add3A_430 = arith.constant 1 : i32
        %add3A_431 = vector.broadcast %add3A_430 : i32 to vector<16xi32>
        %add3A_432 = arith.addi %get3A_429, %add3A_431 : vector<16xi32>
        tpu.vector_store_idx %arg15[%broadcast_in_dim3A_365, %add3A_432], %bitcast3A_425 : memref<4x768xf32, #tpu.memory_space<vmem>>[vector<16xi32>, vector<16xi32>], vector<16xf32>,
        %get3A_433 = arith.constant 3 : i32
        %get3A_434 = arith.index_cast %get3A_433 : i32 to index
        %get3A_435 = arith.constant 0 : index
        %get3A_436 = tpu.vector_load %arg20[%get3A_434, %get3A_435] {strides = array<i32>} : memref<13x16xi32, #tpu.memory_space<vmem>>, vector<16xi32>,
        %add3A_437 = vector.broadcast %mul3A_364 : i32 to vector<16xi32>
        %add3A_438 = arith.addi %get3A_436, %add3A_437 : vector<16xi32>
        %get3A_439 = arith.constant 3 : i32
        %get3A_440 = arith.index_cast %get3A_439 : i32 to index
        %get3A_441 = arith.constant 0 : index
        %get3A_442 = tpu.vector_load %arg21[%get3A_440, %get3A_441] {strides = array<i32>} : memref<13x16xi32, #tpu.memory_space<vmem>>, vector<16xi32>,
        %gather3A_443 = tpu.vector_load_idx %arg14[%add3A_438, %get3A_442] : memref<104x208xi32, #tpu.memory_space<vmem>>[vector<16xi32>, vector<16xi32>], vector<16xi32>,
        %shift_left3A_444 = arith.constant 16 : i32
        %shift_left3A_445 = vector.broadcast %shift_left3A_444 : i32 to vector<16xi32>
        %shift_left3A_446 = arith.shli %gather3A_443, %shift_left3A_445 : vector<16xi32>
        %bitcast3A_447 = vector.bitcast %shift_left3A_446 : vector<16xi32> to vector<16xf32>
        %and3A_448 = arith.andi %gather3A_443, %broadcast_in_dim3A_5 : vector<16xi32>
        %bitcast3A_449 = vector.bitcast %and3A_448 : vector<16xi32> to vector<16xf32>
        %get3A_450 = arith.constant 3 : i32
        %get3A_451 = arith.index_cast %get3A_450 : i32 to index
        %get3A_452 = arith.constant 0 : index
        %get3A_453 = tpu.vector_load %arg22[%get3A_451, %get3A_452] {strides = array<i32>} : memref<13x16xi32, #tpu.memory_space<vmem>>, vector<16xi32>,
        tpu.vector_store_idx %arg15[%broadcast_in_dim3A_365, %get3A_453], %bitcast3A_447 : memref<4x768xf32, #tpu.memory_space<vmem>>[vector<16xi32>, vector<16xi32>], vector<16xf32>,
        %add3A_454 = arith.constant 1 : i32
        %add3A_455 = vector.broadcast %add3A_454 : i32 to vector<16xi32>
        %add3A_456 = arith.addi %get3A_453, %add3A_455 : vector<16xi32>
        tpu.vector_store_idx %arg15[%broadcast_in_dim3A_365, %add3A_456], %bitcast3A_449 : memref<4x768xf32, #tpu.memory_space<vmem>>[vector<16xi32>, vector<16xi32>], vector<16xf32>,
        %get3A_457 = arith.constant 4 : i32
        %get3A_458 = arith.index_cast %get3A_457 : i32 to index
        %get3A_459 = arith.constant 0 : index
        %get3A_460 = tpu.vector_load %arg20[%get3A_458, %get3A_459] {strides = array<i32>} : memref<13x16xi32, #tpu.memory_space<vmem>>, vector<16xi32>,
        %add3A_461 = vector.broadcast %mul3A_364 : i32 to vector<16xi32>
        %add3A_462 = arith.addi %get3A_460, %add3A_461 : vector<16xi32>
        %get3A_463 = arith.constant 4 : i32
        %get3A_464 = arith.index_cast %get3A_463 : i32 to index
        %get3A_465 = arith.constant 0 : index
        %get3A_466 = tpu.vector_load %arg21[%get3A_464, %get3A_465] {strides = array<i32>} : memref<13x16xi32, #tpu.memory_space<vmem>>, vector<16xi32>,
        %gather3A_467 = tpu.vector_load_idx %arg14[%add3A_462, %get3A_466] : memref<104x208xi32, #tpu.memory_space<vmem>>[vector<16xi32>, vector<16xi32>], vector<16xi32>,
        %shift_left3A_468 = arith.constant 16 : i32
        %shift_left3A_469 = vector.broadcast %shift_left3A_468 : i32 to vector<16xi32>
        %shift_left3A_470 = arith.shli %gather3A_467, %shift_left3A_469 : vector<16xi32>
        %bitcast3A_471 = vector.bitcast %shift_left3A_470 : vector<16xi32> to vector<16xf32>
        %and3A_472 = arith.andi %gather3A_467, %broadcast_in_dim3A_5 : vector<16xi32>
        %bitcast3A_473 = vector.bitcast %and3A_472 : vector<16xi32> to vector<16xf32>
        %get3A_474 = arith.constant 4 : i32
        %get3A_475 = arith.index_cast %get3A_474 : i32 to index
        %get3A_476 = arith.constant 0 : index
        %get3A_477 = tpu.vector_load %arg22[%get3A_475, %get3A_476] {strides = array<i32>} : memref<13x16xi32, #tpu.memory_space<vmem>>, vector<16xi32>,
        tpu.vector_store_idx %arg15[%broadcast_in_dim3A_365, %get3A_477], %bitcast3A_471 : memref<4x768xf32, #tpu.memory_space<vmem>>[vector<16xi32>, vector<16xi32>], vector<16xf32>,
        %add3A_478 = arith.constant 1 : i32
        %add3A_479 = vector.broadcast %add3A_478 : i32 to vector<16xi32>
        %add3A_480 = arith.addi %get3A_477, %add3A_479 : vector<16xi32>
        tpu.vector_store_idx %arg15[%broadcast_in_dim3A_365, %add3A_480], %bitcast3A_473 : memref<4x768xf32, #tpu.memory_space<vmem>>[vector<16xi32>, vector<16xi32>], vector<16xf32>,
        %get3A_481 = arith.constant 5 : i32
        %get3A_482 = arith.index_cast %get3A_481 : i32 to index
        %get3A_483 = arith.constant 0 : index
        %get3A_484 = tpu.vector_load %arg20[%get3A_482, %get3A_483] {strides = array<i32>} : memref<13x16xi32, #tpu.memory_space<vmem>>, vector<16xi32>,
        %add3A_485 = vector.broadcast %mul3A_364 : i32 to vector<16xi32>
        %add3A_486 = arith.addi %get3A_484, %add3A_485 : vector<16xi32>
        %get3A_487 = arith.constant 5 : i32
        %get3A_488 = arith.index_cast %get3A_487 : i32 to index
        %get3A_489 = arith.constant 0 : index
        %get3A_490 = tpu.vector_load %arg21[%get3A_488, %get3A_489] {strides = array<i32>} : memref<13x16xi32, #tpu.memory_space<vmem>>, vector<16xi32>,
        %gather3A_491 = tpu.vector_load_idx %arg14[%add3A_486, %get3A_490] : memref<104x208xi32, #tpu.memory_space<vmem>>[vector<16xi32>, vector<16xi32>], vector<16xi32>,
        %shift_left3A_492 = arith.constant 16 : i32
        %shift_left3A_493 = vector.broadcast %shift_left3A_492 : i32 to vector<16xi32>
        %shift_left3A_494 = arith.shli %gather3A_491, %shift_left3A_493 : vector<16xi32>
        %bitcast3A_495 = vector.bitcast %shift_left3A_494 : vector<16xi32> to vector<16xf32>
        %and3A_496 = arith.andi %gather3A_491, %broadcast_in_dim3A_5 : vector<16xi32>
        %bitcast3A_497 = vector.bitcast %and3A_496 : vector<16xi32> to vector<16xf32>
        %get3A_498 = arith.constant 5 : i32
        %get3A_499 = arith.index_cast %get3A_498 : i32 to index
        %get3A_500 = arith.constant 0 : index
        %get3A_501 = tpu.vector_load %arg22[%get3A_499, %get3A_500] {strides = array<i32>} : memref<13x16xi32, #tpu.memory_space<vmem>>, vector<16xi32>,
        tpu.vector_store_idx %arg15[%broadcast_in_dim3A_365, %get3A_501], %bitcast3A_495 : memref<4x768xf32, #tpu.memory_space<vmem>>[vector<16xi32>, vector<16xi32>], vector<16xf32>,
        %add3A_502 = arith.constant 1 : i32
        %add3A_503 = vector.broadcast %add3A_502 : i32 to vector<16xi32>
        %add3A_504 = arith.addi %get3A_501, %add3A_503 : vector<16xi32>
        tpu.vector_store_idx %arg15[%broadcast_in_dim3A_365, %add3A_504], %bitcast3A_497 : memref<4x768xf32, #tpu.memory_space<vmem>>[vector<16xi32>, vector<16xi32>], vector<16xf32>,
        %get3A_505 = arith.constant 6 : i32
        %get3A_506 = arith.index_cast %get3A_505 : i32 to index
        %get3A_507 = arith.constant 0 : index
        %get3A_508 = tpu.vector_load %arg20[%get3A_506, %get3A_507] {strides = array<i32>} : memref<13x16xi32, #tpu.memory_space<vmem>>, vector<16xi32>,
        %add3A_509 = vector.broadcast %mul3A_364 : i32 to vector<16xi32>
        %add3A_510 = arith.addi %get3A_508, %add3A_509 : vector<16xi32>
        %get3A_511 = arith.constant 6 : i32
        %get3A_512 = arith.index_cast %get3A_511 : i32 to index
        %get3A_513 = arith.constant 0 : index
        %get3A_514 = tpu.vector_load %arg21[%get3A_512, %get3A_513] {strides = array<i32>} : memref<13x16xi32, #tpu.memory_space<vmem>>, vector<16xi32>,
        %gather3A_515 = tpu.vector_load_idx %arg14[%add3A_510, %get3A_514] : memref<104x208xi32, #tpu.memory_space<vmem>>[vector<16xi32>, vector<16xi32>], vector<16xi32>,
        %shift_left3A_516 = arith.constant 16 : i32
        %shift_left3A_517 = vector.broadcast %shift_left3A_516 : i32 to vector<16xi32>
        %shift_left3A_518 = arith.shli %gather3A_515, %shift_left3A_517 : vector<16xi32>
        %bitcast3A_519 = vector.bitcast %shift_left3A_518 : vector<16xi32> to vector<16xf32>
        %and3A_520 = arith.andi %gather3A_515, %broadcast_in_dim3A_5 : vector<16xi32>
        %bitcast3A_521 = vector.bitcast %and3A_520 : vector<16xi32> to vector<16xf32>
        %get3A_522 = arith.constant 6 : i32
        %get3A_523 = arith.index_cast %get3A_522 : i32 to index
        %get3A_524 = arith.constant 0 : index
        %get3A_525 = tpu.vector_load %arg22[%get3A_523, %get3A_524] {strides = array<i32>} : memref<13x16xi32, #tpu.memory_space<vmem>>, vector<16xi32>,
        tpu.vector_store_idx %arg15[%broadcast_in_dim3A_365, %get3A_525], %bitcast3A_519 : memref<4x768xf32, #tpu.memory_space<vmem>>[vector<16xi32>, vector<16xi32>], vector<16xf32>,
        %add3A_526 = arith.constant 1 : i32
        %add3A_527 = vector.broadcast %add3A_526 : i32 to vector<16xi32>
        %add3A_528 = arith.addi %get3A_525, %add3A_527 : vector<16xi32>
        tpu.vector_store_idx %arg15[%broadcast_in_dim3A_365, %add3A_528], %bitcast3A_521 : memref<4x768xf32, #tpu.memory_space<vmem>>[vector<16xi32>, vector<16xi32>], vector<16xf32>,
        %get3A_529 = arith.constant 7 : i32
        %get3A_530 = arith.index_cast %get3A_529 : i32 to index
        %get3A_531 = arith.constant 0 : index
        %get3A_532 = tpu.vector_load %arg20[%get3A_530, %get3A_531] {strides = array<i32>} : memref<13x16xi32, #tpu.memory_space<vmem>>, vector<16xi32>,
        %add3A_533 = vector.broadcast %mul3A_364 : i32 to vector<16xi32>
        %add3A_534 = arith.addi %get3A_532, %add3A_533 : vector<16xi32>
        %get3A_535 = arith.constant 7 : i32
        %get3A_536 = arith.index_cast %get3A_535 : i32 to index
        %get3A_537 = arith.constant 0 : index
        %get3A_538 = tpu.vector_load %arg21[%get3A_536, %get3A_537] {strides = array<i32>} : memref<13x16xi32, #tpu.memory_space<vmem>>, vector<16xi32>,
        %gather3A_539 = tpu.vector_load_idx %arg14[%add3A_534, %get3A_538] : memref<104x208xi32, #tpu.memory_space<vmem>>[vector<16xi32>, vector<16xi32>], vector<16xi32>,
        %shift_left3A_540 = arith.constant 16 : i32
        %shift_left3A_541 = vector.broadcast %shift_left3A_540 : i32 to vector<16xi32>
        %shift_left3A_542 = arith.shli %gather3A_539, %shift_left3A_541 : vector<16xi32>
        %bitcast3A_543 = vector.bitcast %shift_left3A_542 : vector<16xi32> to vector<16xf32>
        %and3A_544 = arith.andi %gather3A_539, %broadcast_in_dim3A_5 : vector<16xi32>
        %bitcast3A_545 = vector.bitcast %and3A_544 : vector<16xi32> to vector<16xf32>
        %get3A_546 = arith.constant 7 : i32
        %get3A_547 = arith.index_cast %get3A_546 : i32 to index
        %get3A_548 = arith.constant 0 : index
        %get3A_549 = tpu.vector_load %arg22[%get3A_547, %get3A_548] {strides = array<i32>} : memref<13x16xi32, #tpu.memory_space<vmem>>, vector<16xi32>,
        tpu.vector_store_idx %arg15[%broadcast_in_dim3A_365, %get3A_549], %bitcast3A_543 : memref<4x768xf32, #tpu.memory_space<vmem>>[vector<16xi32>, vector<16xi32>], vector<16xf32>,
        %add3A_550 = arith.constant 1 : i32
        %add3A_551 = vector.broadcast %add3A_550 : i32 to vector<16xi32>
        %add3A_552 = arith.addi %get3A_549, %add3A_551 : vector<16xi32>
        tpu.vector_store_idx %arg15[%broadcast_in_dim3A_365, %add3A_552], %bitcast3A_545 : memref<4x768xf32, #tpu.memory_space<vmem>>[vector<16xi32>, vector<16xi32>], vector<16xf32>,
        %get3A_553 = arith.constant 8 : i32
        %get3A_554 = arith.index_cast %get3A_553 : i32 to index
        %get3A_555 = arith.constant 0 : index
        %get3A_556 = tpu.vector_load %arg20[%get3A_554, %get3A_555] {strides = array<i32>} : memref<13x16xi32, #tpu.memory_space<vmem>>, vector<16xi32>,
        %add3A_557 = vector.broadcast %mul3A_364 : i32 to vector<16xi32>
        %add3A_558 = arith.addi %get3A_556, %add3A_557 : vector<16xi32>
        %get3A_559 = arith.constant 8 : i32
        %get3A_560 = arith.index_cast %get3A_559 : i32 to index
        %get3A_561 = arith.constant 0 : index
        %get3A_562 = tpu.vector_load %arg21[%get3A_560, %get3A_561] {strides = array<i32>} : memref<13x16xi32, #tpu.memory_space<vmem>>, vector<16xi32>,
        %gather3A_563 = tpu.vector_load_idx %arg14[%add3A_558, %get3A_562] : memref<104x208xi32, #tpu.memory_space<vmem>>[vector<16xi32>, vector<16xi32>], vector<16xi32>,
        %shift_left3A_564 = arith.constant 16 : i32
        %shift_left3A_565 = vector.broadcast %shift_left3A_564 : i32 to vector<16xi32>
        %shift_left3A_566 = arith.shli %gather3A_563, %shift_left3A_565 : vector<16xi32>
        %bitcast3A_567 = vector.bitcast %shift_left3A_566 : vector<16xi32> to vector<16xf32>
        %and3A_568 = arith.andi %gather3A_563, %broadcast_in_dim3A_5 : vector<16xi32>
        %bitcast3A_569 = vector.bitcast %and3A_568 : vector<16xi32> to vector<16xf32>
        %get3A_570 = arith.constant 8 : i32
        %get3A_571 = arith.index_cast %get3A_570 : i32 to index
        %get3A_572 = arith.constant 0 : index
        %get3A_573 = tpu.vector_load %arg22[%get3A_571, %get3A_572] {strides = array<i32>} : memref<13x16xi32, #tpu.memory_space<vmem>>, vector<16xi32>,
        tpu.vector_store_idx %arg15[%broadcast_in_dim3A_365, %get3A_573], %bitcast3A_567 : memref<4x768xf32, #tpu.memory_space<vmem>>[vector<16xi32>, vector<16xi32>], vector<16xf32>,
        %add3A_574 = arith.constant 1 : i32
        %add3A_575 = vector.broadcast %add3A_574 : i32 to vector<16xi32>
        %add3A_576 = arith.addi %get3A_573, %add3A_575 : vector<16xi32>
        tpu.vector_store_idx %arg15[%broadcast_in_dim3A_365, %add3A_576], %bitcast3A_569 : memref<4x768xf32, #tpu.memory_space<vmem>>[vector<16xi32>, vector<16xi32>], vector<16xf32>,
        %get3A_577 = arith.constant 9 : i32
        %get3A_578 = arith.index_cast %get3A_577 : i32 to index
        %get3A_579 = arith.constant 0 : index
        %get3A_580 = tpu.vector_load %arg20[%get3A_578, %get3A_579] {strides = array<i32>} : memref<13x16xi32, #tpu.memory_space<vmem>>, vector<16xi32>,
        %add3A_581 = vector.broadcast %mul3A_364 : i32 to vector<16xi32>
        %add3A_582 = arith.addi %get3A_580, %add3A_581 : vector<16xi32>
        %get3A_583 = arith.constant 9 : i32
        %get3A_584 = arith.index_cast %get3A_583 : i32 to index
        %get3A_585 = arith.constant 0 : index
        %get3A_586 = tpu.vector_load %arg21[%get3A_584, %get3A_585] {strides = array<i32>} : memref<13x16xi32, #tpu.memory_space<vmem>>, vector<16xi32>,
        %gather3A_587 = tpu.vector_load_idx %arg14[%add3A_582, %get3A_586] : memref<104x208xi32, #tpu.memory_space<vmem>>[vector<16xi32>, vector<16xi32>], vector<16xi32>,
        %shift_left3A_588 = arith.constant 16 : i32
        %shift_left3A_589 = vector.broadcast %shift_left3A_588 : i32 to vector<16xi32>
        %shift_left3A_590 = arith.shli %gather3A_587, %shift_left3A_589 : vector<16xi32>
        %bitcast3A_591 = vector.bitcast %shift_left3A_590 : vector<16xi32> to vector<16xf32>
        %and3A_592 = arith.andi %gather3A_587, %broadcast_in_dim3A_5 : vector<16xi32>
        %bitcast3A_593 = vector.bitcast %and3A_592 : vector<16xi32> to vector<16xf32>
        %get3A_594 = arith.constant 9 : i32
        %get3A_595 = arith.index_cast %get3A_594 : i32 to index
        %get3A_596 = arith.constant 0 : index
        %get3A_597 = tpu.vector_load %arg22[%get3A_595, %get3A_596] {strides = array<i32>} : memref<13x16xi32, #tpu.memory_space<vmem>>, vector<16xi32>,
        tpu.vector_store_idx %arg15[%broadcast_in_dim3A_365, %get3A_597], %bitcast3A_591 : memref<4x768xf32, #tpu.memory_space<vmem>>[vector<16xi32>, vector<16xi32>], vector<16xf32>,
        %add3A_598 = arith.constant 1 : i32
        %add3A_599 = vector.broadcast %add3A_598 : i32 to vector<16xi32>
        %add3A_600 = arith.addi %get3A_597, %add3A_599 : vector<16xi32>
        tpu.vector_store_idx %arg15[%broadcast_in_dim3A_365, %add3A_600], %bitcast3A_593 : memref<4x768xf32, #tpu.memory_space<vmem>>[vector<16xi32>, vector<16xi32>], vector<16xf32>,
        %get3A_601 = arith.constant 10 : i32
        %get3A_602 = arith.index_cast %get3A_601 : i32 to index
        %get3A_603 = arith.constant 0 : index
        %get3A_604 = tpu.vector_load %arg20[%get3A_602, %get3A_603] {strides = array<i32>} : memref<13x16xi32, #tpu.memory_space<vmem>>, vector<16xi32>,
        %add3A_605 = vector.broadcast %mul3A_364 : i32 to vector<16xi32>
        %add3A_606 = arith.addi %get3A_604, %add3A_605 : vector<16xi32>
        %get3A_607 = arith.constant 10 : i32
        %get3A_608 = arith.index_cast %get3A_607 : i32 to index
        %get3A_609 = arith.constant 0 : index
        %get3A_610 = tpu.vector_load %arg21[%get3A_608, %get3A_609] {strides = array<i32>} : memref<13x16xi32, #tpu.memory_space<vmem>>, vector<16xi32>,
        %gather3A_611 = tpu.vector_load_idx %arg14[%add3A_606, %get3A_610] : memref<104x208xi32, #tpu.memory_space<vmem>>[vector<16xi32>, vector<16xi32>], vector<16xi32>,
        %shift_left3A_612 = arith.constant 16 : i32
        %shift_left3A_613 = vector.broadcast %shift_left3A_612 : i32 to vector<16xi32>
        %shift_left3A_614 = arith.shli %gather3A_611, %shift_left3A_613 : vector<16xi32>
        %bitcast3A_615 = vector.bitcast %shift_left3A_614 : vector<16xi32> to vector<16xf32>
        %and3A_616 = arith.andi %gather3A_611, %broadcast_in_dim3A_5 : vector<16xi32>
        %bitcast3A_617 = vector.bitcast %and3A_616 : vector<16xi32> to vector<16xf32>
        %get3A_618 = arith.constant 10 : i32
        %get3A_619 = arith.index_cast %get3A_618 : i32 to index
        %get3A_620 = arith.constant 0 : index
        %get3A_621 = tpu.vector_load %arg22[%get3A_619, %get3A_620] {strides = array<i32>} : memref<13x16xi32, #tpu.memory_space<vmem>>, vector<16xi32>,
        tpu.vector_store_idx %arg15[%broadcast_in_dim3A_365, %get3A_621], %bitcast3A_615 : memref<4x768xf32, #tpu.memory_space<vmem>>[vector<16xi32>, vector<16xi32>], vector<16xf32>,
        %add3A_622 = arith.constant 1 : i32
        %add3A_623 = vector.broadcast %add3A_622 : i32 to vector<16xi32>
        %add3A_624 = arith.addi %get3A_621, %add3A_623 : vector<16xi32>
        tpu.vector_store_idx %arg15[%broadcast_in_dim3A_365, %add3A_624], %bitcast3A_617 : memref<4x768xf32, #tpu.memory_space<vmem>>[vector<16xi32>, vector<16xi32>], vector<16xf32>,
        %get3A_625 = arith.constant 11 : i32
        %get3A_626 = arith.index_cast %get3A_625 : i32 to index
        %get3A_627 = arith.constant 0 : index
        %get3A_628 = tpu.vector_load %arg20[%get3A_626, %get3A_627] {strides = array<i32>} : memref<13x16xi32, #tpu.memory_space<vmem>>, vector<16xi32>,
        %add3A_629 = vector.broadcast %mul3A_364 : i32 to vector<16xi32>
        %add3A_630 = arith.addi %get3A_628, %add3A_629 : vector<16xi32>
        %get3A_631 = arith.constant 11 : i32
        %get3A_632 = arith.index_cast %get3A_631 : i32 to index
        %get3A_633 = arith.constant 0 : index
        %get3A_634 = tpu.vector_load %arg21[%get3A_632, %get3A_633] {strides = array<i32>} : memref<13x16xi32, #tpu.memory_space<vmem>>, vector<16xi32>,
        %gather3A_635 = tpu.vector_load_idx %arg14[%add3A_630, %get3A_634] : memref<104x208xi32, #tpu.memory_space<vmem>>[vector<16xi32>, vector<16xi32>], vector<16xi32>,
        %shift_left3A_636 = arith.constant 16 : i32
        %shift_left3A_637 = vector.broadcast %shift_left3A_636 : i32 to vector<16xi32>
        %shift_left3A_638 = arith.shli %gather3A_635, %shift_left3A_637 : vector<16xi32>
        %bitcast3A_639 = vector.bitcast %shift_left3A_638 : vector<16xi32> to vector<16xf32>
        %and3A_640 = arith.andi %gather3A_635, %broadcast_in_dim3A_5 : vector<16xi32>
        %bitcast3A_641 = vector.bitcast %and3A_640 : vector<16xi32> to vector<16xf32>
        %get3A_642 = arith.constant 11 : i32
        %get3A_643 = arith.index_cast %get3A_642 : i32 to index
        %get3A_644 = arith.constant 0 : index
        %get3A_645 = tpu.vector_load %arg22[%get3A_643, %get3A_644] {strides = array<i32>} : memref<13x16xi32, #tpu.memory_space<vmem>>, vector<16xi32>,
        tpu.vector_store_idx %arg15[%broadcast_in_dim3A_365, %get3A_645], %bitcast3A_639 : memref<4x768xf32, #tpu.memory_space<vmem>>[vector<16xi32>, vector<16xi32>], vector<16xf32>,
        %add3A_646 = arith.constant 1 : i32
        %add3A_647 = vector.broadcast %add3A_646 : i32 to vector<16xi32>
        %add3A_648 = arith.addi %get3A_645, %add3A_647 : vector<16xi32>
        tpu.vector_store_idx %arg15[%broadcast_in_dim3A_365, %add3A_648], %bitcast3A_641 : memref<4x768xf32, #tpu.memory_space<vmem>>[vector<16xi32>, vector<16xi32>], vector<16xf32>,
        %get3A_649 = arith.constant 12 : i32
        %get3A_650 = arith.index_cast %get3A_649 : i32 to index
        %get3A_651 = arith.constant 0 : index
        %get3A_652 = tpu.vector_load %arg20[%get3A_650, %get3A_651] {strides = array<i32>} : memref<13x16xi32, #tpu.memory_space<vmem>>, vector<16xi32>,
        %add3A_653 = vector.broadcast %mul3A_364 : i32 to vector<16xi32>
        %add3A_654 = arith.addi %get3A_652, %add3A_653 : vector<16xi32>
        %get3A_655 = arith.constant 12 : i32
        %get3A_656 = arith.index_cast %get3A_655 : i32 to index
        %get3A_657 = arith.constant 0 : index
        %get3A_658 = tpu.vector_load %arg21[%get3A_656, %get3A_657] {strides = array<i32>} : memref<13x16xi32, #tpu.memory_space<vmem>>, vector<16xi32>,
        %gather3A_659 = tpu.vector_load_idx %arg14[%add3A_654, %get3A_658] : memref<104x208xi32, #tpu.memory_space<vmem>>[vector<16xi32>, vector<16xi32>], vector<16xi32>,
        %shift_left3A_660 = arith.constant 16 : i32
        %shift_left3A_661 = vector.broadcast %shift_left3A_660 : i32 to vector<16xi32>
        %shift_left3A_662 = arith.shli %gather3A_659, %shift_left3A_661 : vector<16xi32>
        %bitcast3A_663 = vector.bitcast %shift_left3A_662 : vector<16xi32> to vector<16xf32>
        %and3A_664 = arith.andi %gather3A_659, %broadcast_in_dim3A_5 : vector<16xi32>
        %bitcast3A_665 = vector.bitcast %and3A_664 : vector<16xi32> to vector<16xf32>
        %get3A_666 = arith.constant 12 : i32
        %get3A_667 = arith.index_cast %get3A_666 : i32 to index
        %get3A_668 = arith.constant 0 : index
        %get3A_669 = tpu.vector_load %arg22[%get3A_667, %get3A_668] {strides = array<i32>} : memref<13x16xi32, #tpu.memory_space<vmem>>, vector<16xi32>,
        tpu.vector_store_idx %arg15[%broadcast_in_dim3A_365, %get3A_669], %bitcast3A_663 : memref<4x768xf32, #tpu.memory_space<vmem>>[vector<16xi32>, vector<16xi32>], vector<16xf32>,
        %add3A_670 = arith.constant 1 : i32
        %add3A_671 = vector.broadcast %add3A_670 : i32 to vector<16xi32>
        %add3A_672 = arith.addi %get3A_669, %add3A_671 : vector<16xi32>
        tpu.vector_store_idx %arg15[%broadcast_in_dim3A_365, %add3A_672], %bitcast3A_665 : memref<4x768xf32, #tpu.memory_space<vmem>>[vector<16xi32>, vector<16xi32>], vector<16xf32>,
        %scan3A_673 = arith.constant 0 : i32
        %scan3A_674 = arith.constant 0 : i32
        %scan3A_675 = arith.constant 21 : i32
        %scan3A_676 = arith.addi %scan3A_674, %scan3A_675 : i32
        %scan3A_677 = arith.constant 1 : i32
        scf.for %scan3A_679 = %scan3A_674 to %scan3A_676 step %scan3A_677  : i32 {
          %get3A_680 = arith.index_cast %scan3A_679 : i32 to index
          %get3A_681 = arith.constant 0 : index
          %get3A_682 = tpu.vector_load %arg16[%get3A_680, %get3A_681] {strides = array<i32>} : memref<21x16xi32, #tpu.memory_space<vmem>>, vector<16xi32>,
          %add3A_683 = vector.broadcast %mul3A_364 : i32 to vector<16xi32>
          %add3A_684 = arith.addi %get3A_682, %add3A_683 : vector<16xi32>
          %get3A_685 = arith.index_cast %scan3A_679 : i32 to index
          %get3A_686 = arith.constant 0 : index
          %get3A_687 = tpu.vector_load %arg17[%get3A_685, %get3A_686] {strides = array<i32>} : memref<21x16xi32, #tpu.memory_space<vmem>>, vector<16xi32>,
          %get3A_688 = arith.index_cast %scan3A_679 : i32 to index
          %get3A_689 = arith.constant 0 : index
          %get3A_690 = tpu.vector_load %arg18[%get3A_688, %get3A_689] {strides = array<i32>} : memref<21x16xi32, #tpu.memory_space<vmem>>, vector<16xi32>,
          %add3A_691 = vector.broadcast %mul3A_364 : i32 to vector<16xi32>
          %add3A_692 = arith.addi %get3A_690, %add3A_691 : vector<16xi32>
          %get3A_693 = arith.index_cast %scan3A_679 : i32 to index
          %get3A_694 = arith.constant 0 : index
          %get3A_695 = tpu.vector_load %arg19[%get3A_693, %get3A_694] {strides = array<i32>} : memref<21x16xi32, #tpu.memory_space<vmem>>, vector<16xi32>,
          %add3A_696 = arith.constant 0 : i32
          %add3A_697 = vector.broadcast %add3A_696 : i32 to vector<16xi32>
          %add3A_698 = arith.addi %get3A_687, %add3A_697 : vector<16xi32>
          %gather3A_699 = tpu.vector_load_idx %arg14[%add3A_684, %add3A_698] : memref<104x208xi32, #tpu.memory_space<vmem>>[vector<16xi32>, vector<16xi32>], vector<16xi32>,
          %add3A_700 = arith.constant 0 : i32
          %add3A_701 = vector.broadcast %add3A_700 : i32 to vector<16xi32>
          %add3A_702 = arith.addi %get3A_695, %add3A_701 : vector<16xi32>
          %gather3A_703 = tpu.vector_load_idx %arg14[%add3A_692, %add3A_702] : memref<104x208xi32, #tpu.memory_space<vmem>>[vector<16xi32>, vector<16xi32>], vector<16xi32>,
          %shift_left3A_704 = arith.constant 16 : i32
          %shift_left3A_705 = vector.broadcast %shift_left3A_704 : i32 to vector<16xi32>
          %shift_left3A_706 = arith.shli %gather3A_699, %shift_left3A_705 : vector<16xi32>
          %bitcast3A_707 = vector.bitcast %shift_left3A_706 : vector<16xi32> to vector<16xf32>
          %and3A_708 = arith.andi %gather3A_699, %broadcast_in_dim3A_5 : vector<16xi32>
          %bitcast3A_709 = vector.bitcast %and3A_708 : vector<16xi32> to vector<16xf32>
          %shift_left3A_710 = arith.constant 16 : i32
          %shift_left3A_711 = vector.broadcast %shift_left3A_710 : i32 to vector<16xi32>
          %shift_left3A_712 = arith.shli %gather3A_703, %shift_left3A_711 : vector<16xi32>
          %bitcast3A_713 = vector.bitcast %shift_left3A_712 : vector<16xi32> to vector<16xf32>
          %and3A_714 = arith.andi %gather3A_703, %broadcast_in_dim3A_5 : vector<16xi32>
          %bitcast3A_715 = vector.bitcast %and3A_714 : vector<16xi32> to vector<16xf32>
          %mul3A_716 = arith.mulf %bitcast3A_707, %bitcast3A_713 : vector<16xf32>
          %add3A_717 = arith.addf %broadcast_in_dim3A_3, %mul3A_716 : vector<16xf32>
          %mul3A_718 = arith.mulf %bitcast3A_709, %bitcast3A_715 : vector<16xf32>
          %add3A_719 = arith.addf %add3A_717, %mul3A_718 : vector<16xf32>
          %add3A_720 = arith.constant 1 : i32
          %add3A_721 = vector.broadcast %add3A_720 : i32 to vector<16xi32>
          %add3A_722 = arith.addi %get3A_687, %add3A_721 : vector<16xi32>
          %gather3A_723 = tpu.vector_load_idx %arg14[%add3A_684, %add3A_722] : memref<104x208xi32, #tpu.memory_space<vmem>>[vector<16xi32>, vector<16xi32>], vector<16xi32>,
          %add3A_724 = arith.constant 1 : i32
          %add3A_725 = vector.broadcast %add3A_724 : i32 to vector<16xi32>
          %add3A_726 = arith.addi %get3A_695, %add3A_725 : vector<16xi32>
          %gather3A_727 = tpu.vector_load_idx %arg14[%add3A_692, %add3A_726] : memref<104x208xi32, #tpu.memory_space<vmem>>[vector<16xi32>, vector<16xi32>], vector<16xi32>,
          %shift_left3A_728 = arith.constant 16 : i32
          %shift_left3A_729 = vector.broadcast %shift_left3A_728 : i32 to vector<16xi32>
          %shift_left3A_730 = arith.shli %gather3A_723, %shift_left3A_729 : vector<16xi32>
          %bitcast3A_731 = vector.bitcast %shift_left3A_730 : vector<16xi32> to vector<16xf32>
          %and3A_732 = arith.andi %gather3A_723, %broadcast_in_dim3A_5 : vector<16xi32>
          %bitcast3A_733 = vector.bitcast %and3A_732 : vector<16xi32> to vector<16xf32>
          %shift_left3A_734 = arith.constant 16 : i32
          %shift_left3A_735 = vector.broadcast %shift_left3A_734 : i32 to vector<16xi32>
          %shift_left3A_736 = arith.shli %gather3A_727, %shift_left3A_735 : vector<16xi32>
          %bitcast3A_737 = vector.bitcast %shift_left3A_736 : vector<16xi32> to vector<16xf32>
          %and3A_738 = arith.andi %gather3A_727, %broadcast_in_dim3A_5 : vector<16xi32>
          %bitcast3A_739 = vector.bitcast %and3A_738 : vector<16xi32> to vector<16xf32>
          %mul3A_740 = arith.mulf %bitcast3A_731, %bitcast3A_737 : vector<16xf32>
          %add3A_741 = arith.addf %broadcast_in_dim3A_3, %mul3A_740 : vector<16xf32>
          %mul3A_742 = arith.mulf %bitcast3A_733, %bitcast3A_739 : vector<16xf32>
          %add3A_743 = arith.addf %add3A_741, %mul3A_742 : vector<16xf32>
          %add3A_744 = arith.constant 2 : i32
          %add3A_745 = vector.broadcast %add3A_744 : i32 to vector<16xi32>
          %add3A_746 = arith.addi %get3A_687, %add3A_745 : vector<16xi32>
          %gather3A_747 = tpu.vector_load_idx %arg14[%add3A_684, %add3A_746] : memref<104x208xi32, #tpu.memory_space<vmem>>[vector<16xi32>, vector<16xi32>], vector<16xi32>,
          %add3A_748 = arith.constant 2 : i32
          %add3A_749 = vector.broadcast %add3A_748 : i32 to vector<16xi32>
          %add3A_750 = arith.addi %get3A_695, %add3A_749 : vector<16xi32>
          %gather3A_751 = tpu.vector_load_idx %arg14[%add3A_692, %add3A_750] : memref<104x208xi32, #tpu.memory_space<vmem>>[vector<16xi32>, vector<16xi32>], vector<16xi32>,
          %shift_left3A_752 = arith.constant 16 : i32
          %shift_left3A_753 = vector.broadcast %shift_left3A_752 : i32 to vector<16xi32>
          %shift_left3A_754 = arith.shli %gather3A_747, %shift_left3A_753 : vector<16xi32>
          %bitcast3A_755 = vector.bitcast %shift_left3A_754 : vector<16xi32> to vector<16xf32>
          %and3A_756 = arith.andi %gather3A_747, %broadcast_in_dim3A_5 : vector<16xi32>
          %bitcast3A_757 = vector.bitcast %and3A_756 : vector<16xi32> to vector<16xf32>
          %shift_left3A_758 = arith.constant 16 : i32
          %shift_left3A_759 = vector.broadcast %shift_left3A_758 : i32 to vector<16xi32>
          %shift_left3A_760 = arith.shli %gather3A_751, %shift_left3A_759 : vector<16xi32>
          %bitcast3A_761 = vector.bitcast %shift_left3A_760 : vector<16xi32> to vector<16xf32>
          %and3A_762 = arith.andi %gather3A_751, %broadcast_in_dim3A_5 : vector<16xi32>
          %bitcast3A_763 = vector.bitcast %and3A_762 : vector<16xi32> to vector<16xf32>
          %mul3A_764 = arith.mulf %bitcast3A_755, %bitcast3A_761 : vector<16xf32>
          %add3A_765 = arith.addf %add3A_719, %mul3A_764 : vector<16xf32>
          %mul3A_766 = arith.mulf %bitcast3A_757, %bitcast3A_763 : vector<16xf32>
          %add3A_767 = arith.addf %add3A_765, %mul3A_766 : vector<16xf32>
          %add3A_768 = arith.constant 3 : i32
          %add3A_769 = vector.broadcast %add3A_768 : i32 to vector<16xi32>
          %add3A_770 = arith.addi %get3A_687, %add3A_769 : vector<16xi32>
          %gather3A_771 = tpu.vector_load_idx %arg14[%add3A_684, %add3A_770] : memref<104x208xi32, #tpu.memory_space<vmem>>[vector<16xi32>, vector<16xi32>], vector<16xi32>,
          %add3A_772 = arith.constant 3 : i32
          %add3A_773 = vector.broadcast %add3A_772 : i32 to vector<16xi32>
          %add3A_774 = arith.addi %get3A_695, %add3A_773 : vector<16xi32>
          %gather3A_775 = tpu.vector_load_idx %arg14[%add3A_692, %add3A_774] : memref<104x208xi32, #tpu.memory_space<vmem>>[vector<16xi32>, vector<16xi32>], vector<16xi32>,
          %shift_left3A_776 = arith.constant 16 : i32
          %shift_left3A_777 = vector.broadcast %shift_left3A_776 : i32 to vector<16xi32>
          %shift_left3A_778 = arith.shli %gather3A_771, %shift_left3A_777 : vector<16xi32>
          %bitcast3A_779 = vector.bitcast %shift_left3A_778 : vector<16xi32> to vector<16xf32>
          %and3A_780 = arith.andi %gather3A_771, %broadcast_in_dim3A_5 : vector<16xi32>
          %bitcast3A_781 = vector.bitcast %and3A_780 : vector<16xi32> to vector<16xf32>
          %shift_left3A_782 = arith.constant 16 : i32
          %shift_left3A_783 = vector.broadcast %shift_left3A_782 : i32 to vector<16xi32>
          %shift_left3A_784 = arith.shli %gather3A_775, %shift_left3A_783 : vector<16xi32>
          %bitcast3A_785 = vector.bitcast %shift_left3A_784 : vector<16xi32> to vector<16xf32>
          %and3A_786 = arith.andi %gather3A_775, %broadcast_in_dim3A_5 : vector<16xi32>
          %bitcast3A_787 = vector.bitcast %and3A_786 : vector<16xi32> to vector<16xf32>
          %mul3A_788 = arith.mulf %bitcast3A_779, %bitcast3A_785 : vector<16xf32>
          %add3A_789 = arith.addf %add3A_743, %mul3A_788 : vector<16xf32>
          %mul3A_790 = arith.mulf %bitcast3A_781, %bitcast3A_787 : vector<16xf32>
          %add3A_791 = arith.addf %add3A_789, %mul3A_790 : vector<16xf32>
          %add3A_792 = arith.constant 4 : i32
          %add3A_793 = vector.broadcast %add3A_792 : i32 to vector<16xi32>
          %add3A_794 = arith.addi %get3A_687, %add3A_793 : vector<16xi32>
          %gather3A_795 = tpu.vector_load_idx %arg14[%add3A_684, %add3A_794] : memref<104x208xi32, #tpu.memory_space<vmem>>[vector<16xi32>, vector<16xi32>], vector<16xi32>,
          %add3A_796 = arith.constant 4 : i32
          %add3A_797 = vector.broadcast %add3A_796 : i32 to vector<16xi32>
          %add3A_798 = arith.addi %get3A_695, %add3A_797 : vector<16xi32>
          %gather3A_799 = tpu.vector_load_idx %arg14[%add3A_692, %add3A_798] : memref<104x208xi32, #tpu.memory_space<vmem>>[vector<16xi32>, vector<16xi32>], vector<16xi32>,
          %shift_left3A_800 = arith.constant 16 : i32
          %shift_left3A_801 = vector.broadcast %shift_left3A_800 : i32 to vector<16xi32>
          %shift_left3A_802 = arith.shli %gather3A_795, %shift_left3A_801 : vector<16xi32>
          %bitcast3A_803 = vector.bitcast %shift_left3A_802 : vector<16xi32> to vector<16xf32>
          %and3A_804 = arith.andi %gather3A_795, %broadcast_in_dim3A_5 : vector<16xi32>
          %bitcast3A_805 = vector.bitcast %and3A_804 : vector<16xi32> to vector<16xf32>
          %shift_left3A_806 = arith.constant 16 : i32
          %shift_left3A_807 = vector.broadcast %shift_left3A_806 : i32 to vector<16xi32>
          %shift_left3A_808 = arith.shli %gather3A_799, %shift_left3A_807 : vector<16xi32>
          %bitcast3A_809 = vector.bitcast %shift_left3A_808 : vector<16xi32> to vector<16xf32>
          %and3A_810 = arith.andi %gather3A_799, %broadcast_in_dim3A_5 : vector<16xi32>
          %bitcast3A_811 = vector.bitcast %and3A_810 : vector<16xi32> to vector<16xf32>
          %mul3A_812 = arith.mulf %bitcast3A_803, %bitcast3A_809 : vector<16xf32>
          %add3A_813 = arith.addf %add3A_767, %mul3A_812 : vector<16xf32>
          %mul3A_814 = arith.mulf %bitcast3A_805, %bitcast3A_811 : vector<16xf32>
          %add3A_815 = arith.addf %add3A_813, %mul3A_814 : vector<16xf32>
          %add3A_816 = arith.constant 5 : i32
          %add3A_817 = vector.broadcast %add3A_816 : i32 to vector<16xi32>
          %add3A_818 = arith.addi %get3A_687, %add3A_817 : vector<16xi32>
          %gather3A_819 = tpu.vector_load_idx %arg14[%add3A_684, %add3A_818] : memref<104x208xi32, #tpu.memory_space<vmem>>[vector<16xi32>, vector<16xi32>], vector<16xi32>,
          %add3A_820 = arith.constant 5 : i32
          %add3A_821 = vector.broadcast %add3A_820 : i32 to vector<16xi32>
          %add3A_822 = arith.addi %get3A_695, %add3A_821 : vector<16xi32>
          %gather3A_823 = tpu.vector_load_idx %arg14[%add3A_692, %add3A_822] : memref<104x208xi32, #tpu.memory_space<vmem>>[vector<16xi32>, vector<16xi32>], vector<16xi32>,
          %shift_left3A_824 = arith.constant 16 : i32
          %shift_left3A_825 = vector.broadcast %shift_left3A_824 : i32 to vector<16xi32>
          %shift_left3A_826 = arith.shli %gather3A_819, %shift_left3A_825 : vector<16xi32>
          %bitcast3A_827 = vector.bitcast %shift_left3A_826 : vector<16xi32> to vector<16xf32>
          %and3A_828 = arith.andi %gather3A_819, %broadcast_in_dim3A_5 : vector<16xi32>
          %bitcast3A_829 = vector.bitcast %and3A_828 : vector<16xi32> to vector<16xf32>
          %shift_left3A_830 = arith.constant 16 : i32
          %shift_left3A_831 = vector.broadcast %shift_left3A_830 : i32 to vector<16xi32>
          %shift_left3A_832 = arith.shli %gather3A_823, %shift_left3A_831 : vector<16xi32>
          %bitcast3A_833 = vector.bitcast %shift_left3A_832 : vector<16xi32> to vector<16xf32>
          %and3A_834 = arith.andi %gather3A_823, %broadcast_in_dim3A_5 : vector<16xi32>
          %bitcast3A_835 = vector.bitcast %and3A_834 : vector<16xi32> to vector<16xf32>
          %mul3A_836 = arith.mulf %bitcast3A_827, %bitcast3A_833 : vector<16xf32>
          %add3A_837 = arith.addf %add3A_791, %mul3A_836 : vector<16xf32>
          %mul3A_838 = arith.mulf %bitcast3A_829, %bitcast3A_835 : vector<16xf32>
          %add3A_839 = arith.addf %add3A_837, %mul3A_838 : vector<16xf32>
          %add3A_840 = arith.constant 6 : i32
          %add3A_841 = vector.broadcast %add3A_840 : i32 to vector<16xi32>
          %add3A_842 = arith.addi %get3A_687, %add3A_841 : vector<16xi32>
          %gather3A_843 = tpu.vector_load_idx %arg14[%add3A_684, %add3A_842] : memref<104x208xi32, #tpu.memory_space<vmem>>[vector<16xi32>, vector<16xi32>], vector<16xi32>,
          %add3A_844 = arith.constant 6 : i32
          %add3A_845 = vector.broadcast %add3A_844 : i32 to vector<16xi32>
          %add3A_846 = arith.addi %get3A_695, %add3A_845 : vector<16xi32>
          %gather3A_847 = tpu.vector_load_idx %arg14[%add3A_692, %add3A_846] : memref<104x208xi32, #tpu.memory_space<vmem>>[vector<16xi32>, vector<16xi32>], vector<16xi32>,
          %shift_left3A_848 = arith.constant 16 : i32
          %shift_left3A_849 = vector.broadcast %shift_left3A_848 : i32 to vector<16xi32>
          %shift_left3A_850 = arith.shli %gather3A_843, %shift_left3A_849 : vector<16xi32>
          %bitcast3A_851 = vector.bitcast %shift_left3A_850 : vector<16xi32> to vector<16xf32>
          %and3A_852 = arith.andi %gather3A_843, %broadcast_in_dim3A_5 : vector<16xi32>
          %bitcast3A_853 = vector.bitcast %and3A_852 : vector<16xi32> to vector<16xf32>
          %shift_left3A_854 = arith.constant 16 : i32
          %shift_left3A_855 = vector.broadcast %shift_left3A_854 : i32 to vector<16xi32>
          %shift_left3A_856 = arith.shli %gather3A_847, %shift_left3A_855 : vector<16xi32>
          %bitcast3A_857 = vector.bitcast %shift_left3A_856 : vector<16xi32> to vector<16xf32>
          %and3A_858 = arith.andi %gather3A_847, %broadcast_in_dim3A_5 : vector<16xi32>
          %bitcast3A_859 = vector.bitcast %and3A_858 : vector<16xi32> to vector<16xf32>
          %mul3A_860 = arith.mulf %bitcast3A_851, %bitcast3A_857 : vector<16xf32>
          %add3A_861 = arith.addf %add3A_815, %mul3A_860 : vector<16xf32>
          %mul3A_862 = arith.mulf %bitcast3A_853, %bitcast3A_859 : vector<16xf32>
          %add3A_863 = arith.addf %add3A_861, %mul3A_862 : vector<16xf32>
          %add3A_864 = arith.constant 7 : i32
          %add3A_865 = vector.broadcast %add3A_864 : i32 to vector<16xi32>
          %add3A_866 = arith.addi %get3A_687, %add3A_865 : vector<16xi32>
          %gather3A_867 = tpu.vector_load_idx %arg14[%add3A_684, %add3A_866] : memref<104x208xi32, #tpu.memory_space<vmem>>[vector<16xi32>, vector<16xi32>], vector<16xi32>,
          %add3A_868 = arith.constant 7 : i32
          %add3A_869 = vector.broadcast %add3A_868 : i32 to vector<16xi32>
          %add3A_870 = arith.addi %get3A_695, %add3A_869 : vector<16xi32>
          %gather3A_871 = tpu.vector_load_idx %arg14[%add3A_692, %add3A_870] : memref<104x208xi32, #tpu.memory_space<vmem>>[vector<16xi32>, vector<16xi32>], vector<16xi32>,
          %shift_left3A_872 = arith.constant 16 : i32
          %shift_left3A_873 = vector.broadcast %shift_left3A_872 : i32 to vector<16xi32>
          %shift_left3A_874 = arith.shli %gather3A_867, %shift_left3A_873 : vector<16xi32>
          %bitcast3A_875 = vector.bitcast %shift_left3A_874 : vector<16xi32> to vector<16xf32>
          %and3A_876 = arith.andi %gather3A_867, %broadcast_in_dim3A_5 : vector<16xi32>
          %bitcast3A_877 = vector.bitcast %and3A_876 : vector<16xi32> to vector<16xf32>
          %shift_left3A_878 = arith.constant 16 : i32
          %shift_left3A_879 = vector.broadcast %shift_left3A_878 : i32 to vector<16xi32>
          %shift_left3A_880 = arith.shli %gather3A_871, %shift_left3A_879 : vector<16xi32>
          %bitcast3A_881 = vector.bitcast %shift_left3A_880 : vector<16xi32> to vector<16xf32>
          %and3A_882 = arith.andi %gather3A_871, %broadcast_in_dim3A_5 : vector<16xi32>
          %bitcast3A_883 = vector.bitcast %and3A_882 : vector<16xi32> to vector<16xf32>
          %mul3A_884 = arith.mulf %bitcast3A_875, %bitcast3A_881 : vector<16xf32>
          %add3A_885 = arith.addf %add3A_839, %mul3A_884 : vector<16xf32>
          %mul3A_886 = arith.mulf %bitcast3A_877, %bitcast3A_883 : vector<16xf32>
          %add3A_887 = arith.addf %add3A_885, %mul3A_886 : vector<16xf32>
          %add3A_888 = arith.addf %add3A_863, %add3A_887 : vector<16xf32>
          %mul3A_889 = arith.constant 16 : i32
          %mul3A_890 = arith.muli %scan3A_679, %mul3A_889 : i32
          %add3A_891 = arith.constant 416 : i32
          %add3A_892 = arith.addi %add3A_891, %mul3A_890 : i32
          %swap3A_893 = arith.index_cast %scan3A_362 : i32 to index
          %swap3A_894 = arith.index_cast %add3A_892 : i32 to index
          %swap3A_895 = tpu.vector_load %arg15[%swap3A_893, %swap3A_894] {strides = array<i32>} : memref<4x768xf32, #tpu.memory_space<vmem>>, vector<16xf32>,
          tpu.vector_store %arg15[%swap3A_893, %swap3A_894], %add3A_888 {strides = array<i32>} : memref<4x768xf32, #tpu.memory_space<vmem>>, vector<16xf32>,
        }
        %scan3A_678 = arith.constant 21 : i32
      }
      %scan3A_359 = arith.constant 4 : i32
      %mul3A_360 = arith.constant 4 : i32
      %mul3A_361 = arith.muli %add3A_353, %mul3A_360 : i32
      "tpu.region"() ({
        %run_scoped3A = tpu.sem_alloc : memref<!tpu.dma_semaphore, #tpu.memory_space<semaphore_mem>>
        %dma_start3A_362 = arith.constant 0 : i32
        %dma_start3A_363 = tpu.memref_slice %arg11[%mul3A_361, %dma_start3A_362] : memref<4096x768xf32, #tpu.memory_space<hbm>> -> memref<4x768xf32, #tpu.memory_space<hbm>>
        %dma_start3A_364 = arith.constant 0 : i32
        %dma_start3A_365 = tpu.memref_slice %arg11[%mul3A_361, %dma_start3A_364] : memref<4096x768xf32, #tpu.memory_space<hbm>> -> memref<4x768xf32, #tpu.memory_space<hbm>>
        tpu.enqueue_dma source(%arg15 : memref<4x768xf32, #tpu.memory_space<vmem>>) target(%dma_start3A_365 : memref<4x768xf32, #tpu.memory_space<hbm>>) target_semaphore(%run_scoped3A : memref<!tpu.dma_semaphore, #tpu.memory_space<semaphore_mem>>)
        %dma_wait3A_366 = arith.constant 0 : i32
        %dma_wait3A_367 = tpu.memref_slice %arg11[%mul3A_361, %dma_wait3A_366] : memref<4096x768xf32, #tpu.memory_space<hbm>> -> memref<4x768xf32, #tpu.memory_space<hbm>>
        %dma_wait3A_368 = arith.constant 0 : i32
        %dma_wait3A_369 = tpu.memref_slice %arg11[%mul3A_361, %dma_wait3A_368] : memref<4096x768xf32, #tpu.memory_space<hbm>> -> memref<4x768xf32, #tpu.memory_space<hbm>>
        tpu.wait_dma2 semaphore(%run_scoped3A : memref<!tpu.dma_semaphore, #tpu.memory_space<semaphore_mem>>) src(%arg15 : memref<4x768xf32, #tpu.memory_space<vmem>>) dst(%dma_wait3A_369 : memref<4x768xf32, #tpu.memory_space<hbm>>)
        tpu.yield
      }) : () -> ()
    }
    %scan3A_180 = arith.constant 16 : i32
    return
  }
}

module attributes {stable_mosaic.version = 14 : i64} {
  func.func @body(%arg0: i32, %arg1: memref<512x768xf32, #tpu.memory_space<vmem>>, %arg2: memref<768x128xf32, #tpu.memory_space<vmem>>, %arg3: memref<1x128xf32, #tpu.memory_space<vmem>>, %arg4: memref<128x64xf32, #tpu.memory_space<vmem>>, %arg5: memref<1x64xf32, #tpu.memory_space<vmem>>, %arg6: memref<64x128xf32, #tpu.memory_space<vmem>>, %arg7: memref<1x128xf32, #tpu.memory_space<vmem>>, %arg8: memref<512x128xf32, #tpu.memory_space<vmem>>) attributes {dimension_semantics = [#tpu.dimension_semantics<arbitrary>], iteration_bounds = array<i64: 8>, scalar_prefetch = 0 : i64, scratch_operands = 0 : i64, tpu.core_type = #tpu.core_type<tc>, window_params = [{transform_indices = @transform_0, window_bounds = array<i64: 512, 768>}, {pipeline_mode = #tpu.pipeline_mode<synchronous>, transform_indices = @transform_1, window_bounds = array<i64: 768, 128>}, {pipeline_mode = #tpu.pipeline_mode<synchronous>, transform_indices = @transform_2, window_bounds = array<i64: 1, 128>}, {pipeline_mode = #tpu.pipeline_mode<synchronous>, transform_indices = @transform_3, window_bounds = array<i64: 128, 64>}, {pipeline_mode = #tpu.pipeline_mode<synchronous>, transform_indices = @transform_4, window_bounds = array<i64: 1, 64>}, {pipeline_mode = #tpu.pipeline_mode<synchronous>, transform_indices = @transform_5, window_bounds = array<i64: 64, 128>}, {pipeline_mode = #tpu.pipeline_mode<synchronous>, transform_indices = @transform_6, window_bounds = array<i64: 1, 128>}, {transform_indices = @transform_7, window_bounds = array<i64: 512, 128>}]} {
    %get3A = arith.constant 0 : index
    %get3A_0 = arith.constant 0 : index
    %get3A_1 = vector.load %arg1[%get3A, %get3A_0] : memref<512x768xf32, #tpu.memory_space<vmem>>, vector<512x768xf32>
    %get3A_2 = arith.constant 0 : index
    %get3A_3 = arith.constant 0 : index
    %get3A_4 = vector.load %arg2[%get3A_2, %get3A_3] : memref<768x128xf32, #tpu.memory_space<vmem>>, vector<768x128xf32>
    %dot_general3A = arith.constant dense<0.000000e+00> : vector<512x128xf32>
    %dot_general3A_5 = tpu.matmul %get3A_1, %get3A_4, %dot_general3A {dimension_numbers = #tpu.dot_dimension_numbers<[1], [0], [0], [1], [0, 0, 1, 1], [], []>, transpose_lhs_hint = false} : vector<512x768xf32>, vector<768x128xf32>, vector<512x128xf32> -> vector<512x128xf32>
    %get3A_6 = arith.constant 0 : index
    %get3A_7 = arith.constant 0 : index
    %get3A_8 = vector.load %arg3[%get3A_6, %get3A_7] : memref<1x128xf32, #tpu.memory_space<vmem>>, vector<1x128xf32>
    %add3A = vector.broadcast %get3A_8 : vector<1x128xf32> to vector<512x128xf32>
    %add3A_9 = arith.addf %dot_general3A_5, %add3A : vector<512x128xf32>
    %mul3A = arith.constant 0.999500393 : f32
    %mul3A_10 = vector.broadcast %mul3A : f32 to vector<512x128xf32>
    %mul3A_11 = arith.mulf %add3A_9, %mul3A_10 : vector<512x128xf32>
    %max3A = arith.constant 0.000000e+00 : f32
    %max3A_12 = vector.broadcast %max3A : f32 to vector<512x128xf32>
    %max3A_13 = arith.maximumf %mul3A_11, %max3A_12 : vector<512x128xf32>
    %get3A_14 = arith.constant 0 : index
    %get3A_15 = arith.constant 0 : index
    %get3A_16 = vector.load %arg4[%get3A_14, %get3A_15] : memref<128x64xf32, #tpu.memory_space<vmem>>, vector<128x64xf32>
    %dot_general3A_17 = arith.constant dense<0.000000e+00> : vector<512x64xf32>
    %dot_general3A_18 = tpu.matmul %max3A_13, %get3A_16, %dot_general3A_17 {dimension_numbers = #tpu.dot_dimension_numbers<[1], [0], [0], [1], [0, 0, 1, 1], [], []>, transpose_lhs_hint = false} : vector<512x128xf32>, vector<128x64xf32>, vector<512x64xf32> -> vector<512x64xf32>
    %get3A_19 = arith.constant 0 : index
    %get3A_20 = arith.constant 0 : index
    %get3A_21 = vector.load %arg5[%get3A_19, %get3A_20] : memref<1x64xf32, #tpu.memory_space<vmem>>, vector<1x64xf32>
    %add3A_22 = vector.broadcast %get3A_21 : vector<1x64xf32> to vector<512x64xf32>
    %add3A_23 = arith.addf %dot_general3A_18, %add3A_22 : vector<512x64xf32>
    %mul3A_24 = arith.constant 0.999500393 : f32
    %mul3A_25 = vector.broadcast %mul3A_24 : f32 to vector<512x64xf32>
    %mul3A_26 = arith.mulf %add3A_23, %mul3A_25 : vector<512x64xf32>
    %max3A_27 = arith.constant 0.000000e+00 : f32
    %max3A_28 = vector.broadcast %max3A_27 : f32 to vector<512x64xf32>
    %max3A_29 = arith.maximumf %mul3A_26, %max3A_28 : vector<512x64xf32>
    %get3A_30 = arith.constant 0 : index
    %get3A_31 = arith.constant 0 : index
    %get3A_32 = vector.load %arg6[%get3A_30, %get3A_31] : memref<64x128xf32, #tpu.memory_space<vmem>>, vector<64x128xf32>
    %dot_general3A_33 = arith.constant dense<0.000000e+00> : vector<512x128xf32>
    %dot_general3A_34 = tpu.matmul %max3A_29, %get3A_32, %dot_general3A_33 {dimension_numbers = #tpu.dot_dimension_numbers<[1], [0], [0], [1], [0, 0, 1, 1], [], []>, transpose_lhs_hint = false} : vector<512x64xf32>, vector<64x128xf32>, vector<512x128xf32> -> vector<512x128xf32>
    %get3A_35 = arith.constant 0 : index
    %get3A_36 = arith.constant 0 : index
    %get3A_37 = vector.load %arg7[%get3A_35, %get3A_36] : memref<1x128xf32, #tpu.memory_space<vmem>>, vector<1x128xf32>
    %add3A_38 = vector.broadcast %get3A_37 : vector<1x128xf32> to vector<512x128xf32>
    %add3A_39 = arith.addf %dot_general3A_34, %add3A_38 : vector<512x128xf32>
    %logistic3A = arith.negf %add3A_39 : vector<512x128xf32>
    %logistic3A_40 = math.exp %logistic3A : vector<512x128xf32>
    %logistic3A_41 = arith.constant 1.000000e+00 : f32
    %logistic3A_42 = vector.broadcast %logistic3A_41 : f32 to vector<512x128xf32>
    %logistic3A_43 = arith.addf %logistic3A_42, %logistic3A_40 : vector<512x128xf32>
    %logistic3A_44 = arith.divf %logistic3A_42, %logistic3A_43 : vector<512x128xf32>
    %swap3A = arith.constant 0 : index
    %swap3A_45 = arith.constant 0 : index
    %swap3A_46 = vector.load %arg8[%swap3A, %swap3A_45] : memref<512x128xf32, #tpu.memory_space<vmem>>, vector<512x128xf32>
    tpu.vector_store %arg8[%swap3A, %swap3A_45], %logistic3A_44 {strides = array<i32>} : memref<512x128xf32, #tpu.memory_space<vmem>>, vector<512x128xf32>,
    return
  }
  func.func @transform_0(%arg0: i32) -> (i32, i32) {
    %c0_i32 = arith.constant 0 : i32
    %c0_i32_0 = arith.constant 0 : i32
    return %arg0, %c0_i32 : i32, i32
  }
  func.func @transform_1(%arg0: i32) -> (i32, i32) {
    %c0_i32 = arith.constant 0 : i32
    %c0_i32_0 = arith.constant 0 : i32
    %c0_i32_1 = arith.constant 0 : i32
    return %c0_i32, %c0_i32_0 : i32, i32
  }
  func.func @transform_2(%arg0: i32) -> (i32, i32) {
    %c0_i32 = arith.constant 0 : i32
    %c0_i32_0 = arith.constant 0 : i32
    %c0_i32_1 = arith.constant 0 : i32
    return %c0_i32, %c0_i32_0 : i32, i32
  }
  func.func @transform_3(%arg0: i32) -> (i32, i32) {
    %c0_i32 = arith.constant 0 : i32
    %c0_i32_0 = arith.constant 0 : i32
    %c0_i32_1 = arith.constant 0 : i32
    return %c0_i32, %c0_i32_0 : i32, i32
  }
  func.func @transform_4(%arg0: i32) -> (i32, i32) {
    %c0_i32 = arith.constant 0 : i32
    %c0_i32_0 = arith.constant 0 : i32
    %c0_i32_1 = arith.constant 0 : i32
    return %c0_i32, %c0_i32_0 : i32, i32
  }
  func.func @transform_5(%arg0: i32) -> (i32, i32) {
    %c0_i32 = arith.constant 0 : i32
    %c0_i32_0 = arith.constant 0 : i32
    %c0_i32_1 = arith.constant 0 : i32
    return %c0_i32, %c0_i32_0 : i32, i32
  }
  func.func @transform_6(%arg0: i32) -> (i32, i32) {
    %c0_i32 = arith.constant 0 : i32
    %c0_i32_0 = arith.constant 0 : i32
    %c0_i32_1 = arith.constant 0 : i32
    return %c0_i32, %c0_i32_0 : i32, i32
  }
  func.func @transform_7(%arg0: i32) -> (i32, i32) {
    %c0_i32 = arith.constant 0 : i32
    %c0_i32_0 = arith.constant 0 : i32
    return %arg0, %c0_i32 : i32, i32
  }
}

</mosaic_0001>

<sc_bundles>
// kernel: kernel.4.cloned.1.call-start
scs
__scs_entry_jumppad:
0x0: {  	(pc) =	sbr.rel $0x88, $3  }
0x1: {  	(tag) =	ssettag $0x0;
	lr =	simm.s32 $0x1  }
0x2: {  	[smem:$0x3F99] =	sst lr;
	_ =	strace $0xD0000000  }
0x3: {  	_ = 	snop  }
0x4: {  	_ = 	snop  }
0x5: {  	_ = 	snop  }
0x6: {  	_ = 	snop  }
0x7: {  	_ = 	snop  }
__scs_overlays_trampoline_lowered:
0x8: {  	[smem:$0x3FA8] =	sst s0  }
0x9: {  	[smem:$0x3FA9] =	sst s1  }
0xa: {  	[smem:$0x3FAA] =	sst s2  }
0xb: {  	[smem:$0x3FAB] =	sst s3  }
0xc: {  	[smem:$0x3FAC] =	sst s4  }
0xd: {  	[smem:$0x3FAD] =	sst s5  }
0xe: {  	[smem:$0x3FAE] =	sst s6  }
0xf: {  	[smem:$0x3FAF] =	sst s7  }
0x10: {  	[smem:$0x3FB0] =	sst s8  }
0x11: {  	[smem:$0x3FB1] =	sst s9;
	s0 =	simm.s32 @!p0 $0x0  }
0x12: {  	s1 =	sld [smem:$0x3F97];
	s0 =	simm.s32 @p0 $0x1  }
0x13: {  	[smem:$0x3FB2] =	sst s0;
	s0 =	simm.s32 @!p1 $0x0  }
0x14: {  	s2 =	sld [smem:$0x3F96];
	s0 =	simm.s32 @p1 $0x1  }
0x15: {  	[smem:$0x3FB3] =	sst s0;
	s0 =	simm.s32 @!p2 $0x0  }
0x16: {  	s3 =	sld [smem:$0x3FDB];
	s0 =	simm.s32 @p2 $0x1  }
0x17: {  	s4 =	simm.s32 $0x1BF5;
	[smem:$0x3FB5] =	sst s0  }
0x18: {  	s0 =	sld [smem:$0x3F98];
	_ =	swait.ge [sflag:s4], $0x0  }
0x19: {  	s7 =	sld [smem:$0x3F99]  }
0x1a: {  	s8 =	sadd.s32 $0xFFFFE003, lr  }
0x1b: {  	s9 =	sadd.s32 $0xFFFFFEF7, lr;
	s5 =	simm.s32 $0xFFFFFFFF;
	p2 =	slt.u32 s8, $0xFFFFF086  }
0x1c: {  	p1 =	slt.u32 s9, $0xF7A;
	s5 =	simm.s32 @!p2 $0x0  }
0x1d: {  	s5 =	simm.s32 @p1 $0x1;
	p0 =	seq.s32 s7, s2  }
0x1e: {  	s7 =	smul.u32 @!p0 $0xF7A, s2;
	p2 =	seq.s32 @!p0 s5, $0x0  }
0x1f: {  	s9 =	smul.u32 $0xF7A, s1;
	s8 =	simm.s32 @!p0 $0x1BF5;
	p2 =	por !p2, p0  }
0x20: {  	[sflag:s8] =	ssyncset.s32 @!p0 $0xFFFFF086;
	s6 =	sadd.s32 @!p0 s3, s7;
	s7 =	simm.s32 @!p0 $0x108  }
0x21: {  	s3 =	sadd.s32 s3, s9;
	s6 =	sadd.s32 @!p0 $0x88, s6;
	s7 =	simm.s32 @p2 $0x1082  }
0x22: {  	[simem:s7], [sflag:s8] =	dma.local @!p0 [hbm:s6], $0xF7A  }
0x23: {  	s9 =	sor.u32 $0xD0000000, s2;
	s6 =	simm.s32 $0x108;
	_ =	swait.ge @!p0 [sflag:s8], $0x0  }
0x24: {  	s3 =	sadd.s32 $0x88, s3;
	s6 =	simm.s32 @!p1 $0x1082;
	[sflag:s4] =	ssyncset.s32 $0xFFFFF086  }
0x25: {  	[simem:s6], [sflag:s4] =	dma.local [hbm:s3], $0xF7A  }
0x26: {  	[smem:$0x3F99] =	sst s1;
	(tag) =	ssettag s2;
	_ =	strace s9  }
0x27: {  	s1 =	sld [smem:$0x3FA9]  }
0x28: {  	s2 =	sld [smem:$0x3FAA]  }
0x29: {  	s4 =	sld [smem:$0x3FAC]  }
0x2a: {  	p0 =	seq.s32 s5, $0x0;
	s5 =	sld [smem:$0x3FAD]  }
0x2b: {  	s6 =	sld [smem:$0x3FAE]  }
0x2c: {  	s7 =	sld [smem:$0x3FAF]  }
0x2d: {  	s3 =	simm.s32 $0x108;
	s8 =	sld [smem:$0x3FB0]  }
0x2e: {  	s3 =	simm.s32 @!p0 $0x1082;
	s9 =	sld [smem:$0x3FB1]  }
0x2f: {  	lr =	sadd.s32 s0, s3;
	s0 =	sld [smem:$0x3FA8]  }
0x30: {  	s3 =	sld [smem:$0x3FAB]  }
0x31: {  	[smem:$0x3FB4] =	sst s10  }
0x32: {  	s10 =	sld [smem:$0x3FB2];
	_ =	sdelay $0x3  }
0x33: {  	p0 =	seq.s32 s10, $0x1;
	s10 =	sld [smem:$0x3FB4];
	_ =	sdelay $0x3  }
0x34: {  	[smem:$0x3FB4] =	sst s10  }
0x35: {  	s10 =	sld [smem:$0x3FB3];
	_ =	sdelay $0x3  }
0x36: {  	p1 =	seq.s32 s10, $0x1;
	s10 =	sld [smem:$0x3FB4];
	_ =	sdelay $0x3  }
0x37: {  	[smem:$0x3FB4] =	sst s10  }
0x38: {  	s10 =	sld [smem:$0x3FB5]  }
0x39: {  	_ = 	snop;
	(pc) =	sbr.ind lr, $3  }
0x3a: {  	_ = 	snop  }
0x3b: {  	_ = 	snop  }
0x3c: {  	p2 =	seq.s32 s10, $0x1;
	s10 =	sld [smem:$0x3FB4]  }
0x3d: {  	_ =	shalt  }
0x3e: {  	_ =	shalt  }
0x3f: {  	_ =	shalt  }
0x40: {  	_ =	shalt  }
0x41: {  	_ =	shalt  }
0x42: {  	_ =	shalt  }
0x43: {  	_ =	shalt  }
0x44: {  	_ =	shalt  }
0x45: {  	_ =	shalt  }
0x46: {  	_ =	shalt  }
0x47: {  	_ =	shalt  }
0x48: {  	_ =	shalt  }
0x49: {  	_ =	shalt  }
0x4a: {  	_ =	shalt  }
0x4b: {  	_ =	shalt  }
0x4c: {  	_ =	shalt  }
0x4d: {  	_ =	shalt  }
0x4e: {  	_ =	shalt  }
0x4f: {  	_ =	shalt  }
0x50: {  	_ =	shalt  }
0x51: {  	_ =	shalt  }
0x52: {  	_ =	shalt  }
0x53: {  	_ =	shalt  }
0x54: {  	_ =	shalt  }
0x55: {  	_ =	shalt  }
0x56: {  	_ =	shalt  }
0x57: {  	_ =	shalt  }
0x58: {  	_ =	shalt  }
0x59: {  	_ =	shalt  }
0x5a: {  	_ =	shalt  }
0x5b: {  	_ =	shalt  }
0x5c: {  	_ =	shalt  }
0x5d: {  	_ =	shalt  }
0x5e: {  	_ =	shalt  }
0x5f: {  	_ =	shalt  }
0x60: {  	_ =	shalt  }
0x61: {  	_ =	shalt  }
0x62: {  	_ =	shalt  }
0x63: {  	_ =	shalt  }
0x64: {  	_ =	shalt  }
0x65: {  	_ =	shalt  }
0x66: {  	_ =	shalt  }
0x67: {  	_ =	shalt  }
0x68: {  	_ =	shalt  }
0x69: {  	_ =	shalt  }
0x6a: {  	_ =	shalt  }
0x6b: {  	_ =	shalt  }
0x6c: {  	_ =	shalt  }
0x6d: {  	_ =	shalt  }
0x6e: {  	_ =	shalt  }
0x6f: {  	_ =	shalt  }
0x70: {  	_ =	shalt  }
0x71: {  	_ =	shalt  }
0x72: {  	_ =	shalt  }
0x73: {  	_ =	shalt  }
0x74: {  	_ =	shalt  }
0x75: {  	_ =	shalt  }
0x76: {  	_ =	shalt  }
0x77: {  	_ =	shalt  }
0x78: {  	_ =	shalt  }
0x79: {  	_ =	shalt  }
0x7a: {  	_ =	shalt  }
0x7b: {  	_ =	shalt  }
0x7c: {  	_ =	shalt  }
0x7d: {  	_ =	shalt  }
0x7e: {  	_ =	shalt  }
0x7f: {  	_ =	shalt  }
0x80: {  	_ =	shalt  }
0x81: {  	_ =	shalt  }
0x82: {  	_ =	shalt  }
0x83: {  	_ =	shalt  }
0x84: {  	_ =	shalt  }
0x85: {  	_ =	shalt  }
0x86: {  	_ =	shalt  }
0x87: {  	_ =	shalt  }
.Lfunc_end0:
.L_simem_size_0:
called_computation_lowered:
.L_overlay_start_0:
0x88: {  	s2 =	sld [smem:$0x3FD9]  }
0x89: {  	s3 =	sld [smem:$0x3FFE];
	_ =	sdelay $0x1  }
0x8a: {  	s1 =	srdreg.scid  }
0x8b: {  	s0 =	sand.u32 $0x1, s1  }
0x8c: {  	s17 =	sshll.u32 s0, $0xA;
	s2 =	sadd.s32 s3, s2  }
0x8d: {  	s2 =	sadd.s32 s2, s17  }
0x8e: {  	[smem:$0x3FC0] =	sst s2  }
0x8f: {  	_ = 	snop  }
0x90: {  	s2 =	sld [smem:$0x3FD0];
	(tm) =	ssettm $0x1  }
0x91: {  	s18 =	sld [smem:$0x3FFB];
	_ =	sdelay $0x3  }
0x92: {  	_ =	strace s18  }
0x93: {  	s3 =	sld [smem:$0x3FFC];
	_ =	sdelay $0x3  }
0x94: {  	_ =	strace s3  }
0x95: {  	s3 =	sld [smem:$0x3FFD];
	_ =	sdelay $0x3  }
0x96: {  	_ =	strace s3  }
0x97: {  	_ =	strace $0x8FFFFFFF  }
0x98: {  	s19 =	sld [smem:$0x3FDB];
	_ =	sdelay $0x1  }
0x99: {  	s4 =	simm.s32 $_scs_section_size  }
0x9a: {  	s5 =	simm.s32 $_size__tile_overlayer_lowered;
	s6 =	simm.s32 $_tile_overlayer_lowered  }
0x9b: {  	s22 =	simm.s32 $0x1BFF;
	s21 =	sshll.u32 s6, $0x1;
	s3 =	sadd.s32 s4, s19  }
0x9c: {  	s7 =	simm.s32 $0x0;
	s20 =	sshll.u32 s5, $0x1;
	s5 =	sadd.s32 s21, s3  }
0x9d: {  	[timem:s7], [sflag:s22] =	dma.local [hbm:s5], s20  }
0x9e: {  	_ =	swait.ge [sflag:s22], s20  }
0x9f: {  	s4 =	ssub.s32 $0x0, s20;
	[sflag:s22] =	ssyncset.done $0x0  }
0xa0: {  	[sflag:s22] =	ssyncadd.s32 s4;
	_ =	sdelay $0x1  }
0xa1: {  	s23 =	simm.s32 $0x1B8B  }
0xa2: {  	_ =	swait.ge [sflag:s23], $0x1  }
0xa3: {  	[sflag:s23] =	ssyncset.done $0x0  }
0xa4: {  	s25 =	simm.s32 $0x1B8E;
	s24 =	sld [smem:$0x3FFE];
	[sflag:s23] =	ssyncadd.s32 $0xFFFFFFFF  }
0xa5: {  	s26 =	simm.s32 $execute0_lowered;
	[smem:$0x3FD2] =	sst s25  }
0xa6: {  	s5 =	sshll.u32 s26, $0x1;
	_ =	strace $0x80000046;
	[dreg:$0x1] =	wrdreg $0xFFFFFFFF  }
0xa7: {  	s28 =	simm.s32 $_size_execute0_lowered;
	s3 =	sadd.s32 s3, s5;
	[dreg:$0x0] =	wrdreg $0x0  }
0xa8: {  	s5 =	sshll.u32 s28, $0x1;
	[dreg:$0x2] =	wrdreg s3  }
0xa9: {  	[dreg:$0x3] =	wrdreg s5  }
0xaa: {  	[dreg:$0x4] =	wrdreg $0xC0  }
0xab: {  	_ =	task [dreg:s7], $0x5FFFF  }
0xac: {  	[dreg:$0x1] =	wrdreg $0xFFFFFFFF  }
0xad: {  	[dreg:$0x0] =	wrdreg $0x60  }
0xae: {  	[dreg:$0x2] =	wrdreg s24  }
0xaf: {  	[dreg:$0x3] =	wrdreg s2  }
0xb0: {  	[dreg:$0x4] =	wrdreg $0x9  }
0xb1: {  	_ =	task.clear_ibuf [dreg:s7], $0x5FFFF;
	_ =	strace $0x90000046  }
0xb2: {  	s29 =	simm.s32 $0x9;
	_ =	strace $0x80000048  }
0xb3: {  	_ =	swait.ge [sflag:s29], $0x1  }
0xb4: {  	[sflag:s29] =	ssyncadd.s32 $0xFFFFFFFF  }
0xb5: {  	_ =	strace $0x90000048  }
0xb6: {  	_ =	sfence  }
0xb7: {  	s30 =	sld [smem:$0x0];
	_ =	sdelay $0x2  }
0xb8: {  	s31 =	sshll.u32 s1, $0xD;
	s1 =	sshrl.u32 s1, $0x2  }
0xb9: {  	s3 =	sand.u32 $0x4000, s31;
	s1 =	sadd.s32 s1, s30  }
0xba: {  	s0 =	sor.u32 s3, s0;
	s1 =	sshll.u32 s1, $0x11  }
0xbb: {  	s0 =	sor.u32 s1, s0  }
0xbc: {  	s0 =	sadd.s32 $0x8F2B, s0  }
0xbd: {  	[sflag:s0] =	ssyncadd.remote.s32 $0x1  }
0xbe: {  	_ =	sfence.sel $0xFFFF  }
0xbf: {  	[dreg:$0x0] =	wrdreg $0xFFFFFFFF;
	(pc) =	sbr.abs _section_cstart, $3  }
0xc0: {  	[dreg:$0x1] =	wrdreg $0xFFFFFFFF  }
0xc1: {  	_ =	task.clear_ibuf [dreg:s7], $0x2FFFF;
	_ =	strace $0x9FFFFFFF  }
0xc2: {  	(tm) =	ssettm $0x7FFFFFFF  }
0xc3: {  	_ =	shalt  }
tec
execute0_lowered:
.L_overlay_start_1:
0x0: {  	(tag) =	ssettag $0x1  }
0x1: {  	s0 =	srdreg.scid;
	s1 =	rddreg [dreg:$0x0]  }
0x2: {  	s2 =	stileid.u32;
	s3 =	simm.s32 $0x0;
	s16 =	simm.s32 $0x3  }
0x3: {  	s15 =	simm.s32 $0x6E80;
	s17 =	simm.s32 $0x7500;
	s18 =	simm.s32 $0x7B80  }
0x4: {  	s19 =	simm.s32 $0x8200;
	s28 =	simm.s32 $0xA900;
	s29 =	simm.s32 $0xAF80  }
0x5: {  	s30 =	simm.s32 $0x1;
	s31 =	simm.s32 $0xB600;
	s0 =	sand.u32 $0x1, s0  }
0x6: {  	s2 =	sshll.u32 s2, $0x6;
	[smem:$0x7FF] =	sst s3;
	s6 =	sadd.s32 $0xA9E00, s1  }
0x7: {  	s20 =	sadd.s32 $0xA9C00, s1;
	_ =	strace $0x80000047;
	[dreg:$0x3] =	wrdreg s6  }
0x8: {  	s5 =	sadd.s32 $0x1400, s1;
	s21 =	sadd.s32 $0xA9A00, s1;
	[dreg:$0x4] =	wrdreg s20  }
0x9: {  	s22 =	sadd.s32 $0xAA400, s1;
	s23 =	sadd.s32 $0xAA200, s1;
	[dreg:$0x5] =	wrdreg s21  }
0xa: {  	s24 =	sadd.s32 $0xAA000, s1;
	s12 =	sadd.s32 $0xAA600, s1;
	[dreg:$0x6] =	wrdreg s22  }
0xb: {  	s4 =	sshll.u32 s0, $0x5;
	s0 =	ssub.s32 $0x2, s0;
	[dreg:$0x7] =	wrdreg s23  }
0xc: {  	[dreg:$0x8] =	wrdreg s24;
	s23 =	simm.s32 $0x8;
	s24 =	simm.s32 $0xD00  }
0xd: {  	s20 =	simm.s32 $0x8880;
	s4 =	sor.u32 s4, s2;
	s25 =	sshrl.u32 s0, $0x1  }
0xe: {  	s21 =	simm.s32 $0x8F00;
	s2 =	smul.u32 $0xD, s4;
	s0 =	ssub.s32 s0, s25  }
0xf: {  	s22 =	simm.s32 $0x9580;
	s6 =	simm.s32 $0x0;
	s0 =	smax.u32 s0, $0x1  }
0x10: {  	s25 =	simm.s32 $0x9C00;
	s2 =	sadd.s32 s2, s1;
	[dreg:$0xa] =	wrdreg s0  }
0x11: {  	s0 =	simm.s32 $0x6180;
	s1 =	simm.s32 $0x2;
	s26 =	sadd.s32 $0xA6600, s2  }
0x12: {  	v0 =	vimm.f32 $0.0e+00;
	s2 =	simm.s32 $0x6800;
	[dreg:$0x9] =	wrdreg s26;
	s26 =	simm.s32 $0xA280  }
.LBB2_1:
0x13: {  	s7 =	rddreg [dreg:$0x1];
	s8 =	simm.s32 $0xC200  }
0x14: {  	[tilespmem:s8], [sflag:$0x3] =	stream.linear.gather [hbm4b:s7+s3], $0x150, $0x38;
	[tilespmem:$0xC9B0] =	vst v63  }
0x15: {  	_ =	swait.ge [sflag:s16], $0x150  }
0x16: {  	[sflag:s16] =	ssyncset.done $0x0  }
0x17: {  	s9 =	simm.s32 $0xC350;
	s8 =	rddreg [dreg:$0x3];
	[sflag:s16] =	ssyncadd.s32 $0xFFFFFEB0  }
0x18: {  	[tilespmem:s9], [sflag:$0x3] =	stream.linear.gather [hbm4b:s8+s3], $0x150, $0x38;
	[tilespmem:$0xC9B0] =	vst v63  }
0x19: {  	_ =	swait.ge [sflag:s16], $0x150  }
0x1a: {  	[sflag:s16] =	ssyncset.done $0x0  }
0x1b: {  	s11 =	simm.s32 $0xC4A0;
	s10 =	rddreg [dreg:$0x4];
	[sflag:s16] =	ssyncadd.s32 $0xFFFFFEB0  }
0x1c: {  	[tilespmem:s11], [sflag:$0x3] =	stream.linear.gather [hbm4b:s10+s3], $0x150, $0x38;
	[tilespmem:$0xC9B0] =	vst v63  }
0x1d: {  	_ =	swait.ge [sflag:s16], $0x150  }
0x1e: {  	[sflag:s16] =	ssyncset.done $0x0  }
0x1f: {  	s14 =	simm.s32 $0xC5F0;
	s13 =	rddreg [dreg:$0x5];
	[sflag:s16] =	ssyncadd.s32 $0xFFFFFEB0  }
0x20: {  	[tilespmem:s14], [sflag:$0x3] =	stream.linear.gather [hbm4b:s13+s3], $0x150, $0x38;
	[tilespmem:$0xC9B0] =	vst v63  }
0x21: {  	_ =	swait.ge [sflag:s16], $0x150  }
0x22: {  	[sflag:s16] =	ssyncset.done $0x0  }
0x23: {  	s9 =	simm.s32 $0xC740;
	s8 =	rddreg [dreg:$0x6];
	[sflag:s16] =	ssyncadd.s32 $0xFFFFFEB0  }
0x24: {  	[tilespmem:s9], [sflag:$0x3] =	stream.linear.gather [hbm4b:s8+s3], $0xD0, $0x38;
	[tilespmem:$0xC9B0] =	vst v63  }
0x25: {  	_ =	swait.ge [sflag:s16], $0xD0  }
0x26: {  	[sflag:s16] =	ssyncset.done $0x0  }
0x27: {  	s11 =	simm.s32 $0xC810;
	s10 =	rddreg [dreg:$0x7];
	[sflag:s16] =	ssyncadd.s32 $0xFFFFFF30  }
0x28: {  	[tilespmem:s11], [sflag:$0x3] =	stream.linear.gather [hbm4b:s10+s3], $0xD0, $0x38;
	[tilespmem:$0xC9B0] =	vst v63  }
0x29: {  	_ =	swait.ge [sflag:s16], $0xD0  }
0x2a: {  	[sflag:s16] =	ssyncset.done $0x0  }
0x2b: {  	s14 =	simm.s32 $0xC8E0;
	s13 =	rddreg [dreg:$0x8];
	[sflag:s16] =	ssyncadd.s32 $0xFFFFFF30  }
0x2c: {  	[tilespmem:s14], [sflag:$0x3] =	stream.linear.gather [hbm4b:s13+s3], $0xD0, $0x38;
	[tilespmem:$0xC9B0] =	vst v63  }
0x2d: {  	_ =	swait.ge [sflag:s16], $0xD0  }
0x2e: {  	[sflag:s16] =	ssyncset.done $0x0  }
0x2f: {  	s8 =	rddreg [dreg:$0x9];
	[sflag:s16] =	ssyncadd.s32 $0xFFFFFF30  }
0x30: {  	[tilespmem:s3], [sflag:$0x3] =	stream.linear.gather [hbm4b:s8+s3], $0xD00, $0x38;
	[tilespmem:$0xC9B0] =	vst v63  }
0x31: {  	_ =	swait.ge [sflag:s16], $0xD00  }
0x32: {  	[sflag:s16] =	ssyncset.done $0x0  }
0x33: {  	[sflag:s16] =	ssyncadd.s32 $0xFFFFF300  }
0x34: {  	[tilespmem:$0xB8F0] =	vst v0  }
0x35: {  	[tilespmem:$0xBBF0] =	vst v0  }
0x36: {  	[tilespmem:$0xBEF0] =	vst v0  }
0x37: {  	[tilespmem:$0xC1F0] =	vst v0  }
0x38: {  	[tilespmem:s24], [sflag:$0x1] =	stream.indirect.gather [hbm4b:s5+s23], $0xD0, s3, s23, $0xb8;
	[tilespmem:$0xC9B0] =	vst v63  }
0x39: {  	s9 =	simm.s32 $0x1380  }
0x3a: {  	[tilespmem:s9], [sflag:$0x1] =	stream.indirect.gather [hbm4b:s5+s23], $0xD0, s23, s23, $0xb8;
	[tilespmem:$0xC9B0] =	vst v63  }
0x3b: {  	s10 =	simm.s32 $0x10;
	s11 =	simm.s32 $0x1A00  }
0x3c: {  	[tilespmem:s11], [sflag:$0x1] =	stream.indirect.gather [hbm4b:s5+s23], $0xD0, s10, s23, $0xb8;
	[tilespmem:$0xC9B0] =	vst v63  }
0x3d: {  	s13 =	simm.s32 $0x18;
	s14 =	simm.s32 $0x2080  }
0x3e: {  	[tilespmem:s14], [sflag:$0x1] =	stream.indirect.gather [hbm4b:s5+s23], $0xD0, s13, s23, $0xb8;
	[tilespmem:$0xC9B0] =	vst v63  }
0x3f: {  	s8 =	simm.s32 $0x20;
	s9 =	simm.s32 $0x2700  }
0x40: {  	[tilespmem:s9], [sflag:$0x1] =	stream.indirect.gather [hbm4b:s5+s23], $0xD0, s8, s23, $0xb8;
	[tilespmem:$0xC9B0] =	vst v63  }
0x41: {  	s10 =	simm.s32 $0x28;
	s11 =	simm.s32 $0x2D80  }
0x42: {  	[tilespmem:s11], [sflag:$0x1] =	stream.indirect.gather [hbm4b:s5+s23], $0xD0, s10, s23, $0xb8;
	[tilespmem:$0xC9B0] =	vst v63  }
0x43: {  	s13 =	simm.s32 $0x30;
	s14 =	simm.s32 $0x3400  }
0x44: {  	[tilespmem:s14], [sflag:$0x1] =	stream.indirect.gather [hbm4b:s5+s23], $0xD0, s13, s23, $0xb8;
	[tilespmem:$0xC9B0] =	vst v63  }
0x45: {  	s8 =	simm.s32 $0x38;
	s9 =	simm.s32 $0x3A80  }
0x46: {  	[tilespmem:s9], [sflag:$0x1] =	stream.indirect.gather [hbm4b:s5+s23], $0xD0, s8, s23, $0xb8;
	[tilespmem:$0xC9B0] =	vst v63  }
0x47: {  	s10 =	simm.s32 $0x40;
	s11 =	simm.s32 $0x4100  }
0x48: {  	[tilespmem:s11], [sflag:$0x1] =	stream.indirect.gather [hbm4b:s5+s23], $0xD0, s10, s23, $0xb8;
	[tilespmem:$0xC9B0] =	vst v63  }
0x49: {  	s13 =	simm.s32 $0x48;
	s14 =	simm.s32 $0x4780  }
0x4a: {  	[tilespmem:s14], [sflag:$0x1] =	stream.indirect.gather [hbm4b:s5+s23], $0xD0, s13, s23, $0xb8;
	[tilespmem:$0xC9B0] =	vst v63  }
0x4b: {  	s8 =	simm.s32 $0x50;
	s9 =	simm.s32 $0x4E00  }
0x4c: {  	[tilespmem:s9], [sflag:$0x1] =	stream.indirect.gather [hbm4b:s5+s23], $0xD0, s8, s23, $0xb8;
	[tilespmem:$0xC9B0] =	vst v63  }
0x4d: {  	s10 =	simm.s32 $0x58;
	s11 =	simm.s32 $0x5480  }
0x4e: {  	[tilespmem:s11], [sflag:$0x1] =	stream.indirect.gather [hbm4b:s5+s23], $0xD0, s10, s23, $0xb8;
	[tilespmem:$0xC9B0] =	vst v63  }
0x4f: {  	s7 =	simm.s32 $0x0;
	s13 =	simm.s32 $0x60;
	s14 =	simm.s32 $0x5B00  }
0x50: {  	[tilespmem:s14], [sflag:$0x1] =	stream.indirect.gather [hbm4b:s5+s23], $0xD0, s13, s23, $0xb8;
	[tilespmem:$0xC9B0] =	vst v63  }
.LBB2_2:
0x51: {  	s8 =	smul.u32 $0x340, s7;
	_ =	sdelay $0x1  }
0x52: {  	s8 =	sshra.s32 s8, $0x2  }
0x53: {  	s9 =	sadd.s32 $0x68, s8  }
0x54: {  	[tilespmem:s0], [sflag:$0x2] =	stream.indirect.gather [hbm4b:s5+s23], $0xD0, s9, s23, $0xb8;
	[tilespmem:$0xC9B0] =	vst v63  }
0x55: {  	s10 =	sadd.s32 $0x70, s8  }
0x56: {  	[tilespmem:s2], [sflag:$0x2] =	stream.indirect.gather [hbm4b:s5+s23], $0xD0, s10, s23, $0xb8;
	[tilespmem:$0xC9B0] =	vst v63  }
0x57: {  	s11 =	sadd.s32 $0x78, s8  }
0x58: {  	[tilespmem:s15], [sflag:$0x2] =	stream.indirect.gather [hbm4b:s5+s23], $0xD0, s11, s23, $0xb8;
	[tilespmem:$0xC9B0] =	vst v63  }
0x59: {  	s13 =	sadd.s32 $0x80, s8  }
0x5a: {  	[tilespmem:s17], [sflag:$0x2] =	stream.indirect.gather [hbm4b:s5+s23], $0xD0, s13, s23, $0xb8;
	[tilespmem:$0xC9B0] =	vst v63  }
0x5b: {  	s14 =	sadd.s32 $0x88, s8  }
0x5c: {  	[tilespmem:s18], [sflag:$0x2] =	stream.indirect.gather [hbm4b:s5+s23], $0xD0, s14, s23, $0xb8;
	[tilespmem:$0xC9B0] =	vst v63  }
0x5d: {  	s10 =	sadd.s32 $0x90, s8  }
0x5e: {  	[tilespmem:s19], [sflag:$0x2] =	stream.indirect.gather [hbm4b:s5+s23], $0xD0, s10, s23, $0xb8;
	[tilespmem:$0xC9B0] =	vst v63  }
0x5f: {  	s11 =	sadd.s32 $0x98, s8  }
0x60: {  	[tilespmem:s20], [sflag:$0x2] =	stream.indirect.gather [hbm4b:s5+s23], $0xD0, s11, s23, $0xb8;
	[tilespmem:$0xC9B0] =	vst v63  }
0x61: {  	s13 =	sadd.s32 $0xA0, s8  }
0x62: {  	[tilespmem:s21], [sflag:$0x2] =	stream.indirect.gather [hbm4b:s5+s23], $0xD0, s13, s23, $0xb8;
	[tilespmem:$0xC9B0] =	vst v63  }
0x63: {  	s14 =	sadd.s32 $0xA8, s8  }
0x64: {  	[tilespmem:s22], [sflag:$0x2] =	stream.indirect.gather [hbm4b:s5+s23], $0xD0, s14, s23, $0xb8;
	[tilespmem:$0xC9B0] =	vst v63  }
0x65: {  	s10 =	sadd.s32 $0xB0, s8  }
0x66: {  	[tilespmem:s25], [sflag:$0x2] =	stream.indirect.gather [hbm4b:s5+s23], $0xD0, s10, s23, $0xb8;
	[tilespmem:$0xC9B0] =	vst v63  }
0x67: {  	s11 =	sadd.s32 $0xB8, s8  }
0x68: {  	[tilespmem:s26], [sflag:$0x2] =	stream.indirect.gather [hbm4b:s5+s23], $0xD0, s11, s23, $0xb8;
	[tilespmem:$0xC9B0] =	vst v63  }
0x69: {  	s13 =	sadd.s32 $0xC0, s8  }
0x6a: {  	[tilespmem:s28], [sflag:$0x2] =	stream.indirect.gather [hbm4b:s5+s23], $0xD0, s13, s23, $0xb8;
	[tilespmem:$0xC9B0] =	vst v63  }
0x6b: {  	s14 =	sadd.s32 $0xC8, s8  }
0x6c: {  	[tilespmem:s29], [sflag:$0x2] =	stream.indirect.gather [hbm4b:s5+s23], $0xD0, s14, s23, $0xb8;
	[tilespmem:$0xC9B0] =	vst v63  }
0x6d: {  	_ =	swait.ge [sflag:s30], $0x5480  }
0x6e: {  	[sflag:s30] =	ssyncset.done $0x0  }
0x6f: {  	s9 =	simm.s32 $0x0;
	s10 =	simm.s32 $0xB7A0;
	[sflag:s30] =	ssyncadd.s32 $0xFFFFAB80  }
.LBB2_3:
0x70: {  	v1 =	vld [tilespmem:$0xC740];
	_ =	sdelay $0x1  }
0x71: {  	v2 =	vld [tilespmem:$0xC810]  }
0x72: {  	s13 =	smul.u32 $0x1A, s9;
	_ =	sdelay $0x1  }
0x73: {  	v1 =	vadd.s32 s13, v1  }
0x74: {  	v1 =	vmul.u32 $0xD0, v1  }
0x75: {  	v3 =	vand.u32 $0xFFFFFFF8, v2  }
0x76: {  	v2 =	vand.u32 $0x7, v2;
	v1 =	vadd.s32 v3, v1;
	v3 =	vld [tilespmem:$0xC8E0]  }
0x77: {  	v4 =	vmov s9;
	v2 =	vor.u32 v2, v1  }
0x78: {  	v1 =	vmul.u32 $0x300, v4;
	_ =	sdelay $0x1  }
0x79: {  	v1 =	vbroadcast v1, $0x0  }
0x7a: {  	v4 =	vand.u32 $0xFFFFFFF8, v3;
	v5 =	vadd.s32 $0x1, v3  }
0x7b: {  	v3 =	vand.u32 $0x7, v3;
	v2 =	vld.idx.msk [tilespmem:v2+s24+$0x0], $0xffff;
	v4 =	vadd.s32 v1, v4;
	v6 =	vand.u32 $0xFFFFFFF8, v5  }
0x7c: {  	v3 =	vor.u32 v3, v4;
	v4 =	vand.u32 $0x7, v5;
	v5 =	vadd.s32 v1, v6  }
0x7d: {  	v4 =	vor.u32 v4, v5;
	_ =	sdelay $0x2  }
0x7e: {  	v5 =	vshll.u32 v2, $0x10  }
0x7f: {  	v2 =	vand.u32 $0xFFFF0000, v2;
	[tilespmem:v3+s31+$0x0] =	vst.idx.msk $0xffff, v5  }
0x80: {  	[tilespmem:v4+s31+$0x0] =	vst.idx.msk $0xffff, v2  }
0x81: {  	v2 =	vld [tilespmem:$0xC750];
	_ =	sdelay $0x1  }
0x82: {  	v3 =	vld [tilespmem:$0xC820];
	_ =	sdelay $0x2  }
0x83: {  	v2 =	vadd.s32 s13, v2  }
0x84: {  	v2 =	vmul.u32 $0xD0, v2  }
0x85: {  	v4 =	vand.u32 $0xFFFFFFF8, v3  }
0x86: {  	v3 =	vand.u32 $0x7, v3;
	v2 =	vadd.s32 v4, v2;
	v4 =	vld [tilespmem:$0xC8F0]  }
0x87: {  	v2 =	vor.u32 v3, v2;
	_ =	sdelay $0x3  }
0x88: {  	v3 =	vand.u32 $0xFFFFFFF8, v4;
	v5 =	vadd.s32 $0x1, v4  }
0x89: {  	v4 =	vand.u32 $0x7, v4;
	v2 =	vld.idx.msk [tilespmem:v2+s24+$0x0], $0xffff;
	v3 =	vadd.s32 v1, v3;
	v6 =	vand.u32 $0xFFFFFFF8, v5  }
0x8a: {  	v3 =	vor.u32 v4, v3;
	v4 =	vand.u32 $0x7, v5;
	v5 =	vadd.s32 v1, v6  }
0x8b: {  	v4 =	vor.u32 v4, v5;
	_ =	sdelay $0x2  }
0x8c: {  	v5 =	vshll.u32 v2, $0x10  }
0x8d: {  	v2 =	vand.u32 $0xFFFF0000, v2;
	[tilespmem:v3+s31+$0x0] =	vst.idx.msk $0xffff, v5  }
0x8e: {  	[tilespmem:v4+s31+$0x0] =	vst.idx.msk $0xffff, v2  }
0x8f: {  	v2 =	vld [tilespmem:$0xC760];
	_ =	sdelay $0x1  }
0x90: {  	v3 =	vld [tilespmem:$0xC830];
	_ =	sdelay $0x2  }
0x91: {  	v2 =	vadd.s32 s13, v2  }
0x92: {  	v2 =	vmul.u32 $0xD0, v2  }
0x93: {  	v4 =	vand.u32 $0xFFFFFFF8, v3  }
0x94: {  	v3 =	vand.u32 $0x7, v3;
	v2 =	vadd.s32 v4, v2;
	v4 =	vld [tilespmem:$0xC900]  }
0x95: {  	v2 =	vor.u32 v3, v2;
	_ =	sdelay $0x3  }
0x96: {  	v3 =	vand.u32 $0xFFFFFFF8, v4;
	v5 =	vadd.s32 $0x1, v4  }
0x97: {  	v4 =	vand.u32 $0x7, v4;
	v2 =	vld.idx.msk [tilespmem:v2+s24+$0x0], $0xffff;
	v3 =	vadd.s32 v1, v3;
	v6 =	vand.u32 $0xFFFFFFF8, v5  }
0x98: {  	v3 =	vor.u32 v4, v3;
	v4 =	vand.u32 $0x7, v5;
	v5 =	vadd.s32 v1, v6  }
0x99: {  	v4 =	vor.u32 v4, v5;
	_ =	sdelay $0x2  }
0x9a: {  	v5 =	vshll.u32 v2, $0x10  }
0x9b: {  	v2 =	vand.u32 $0xFFFF0000, v2;
	[tilespmem:v3+s31+$0x0] =	vst.idx.msk $0xffff, v5  }
0x9c: {  	[tilespmem:v4+s31+$0x0] =	vst.idx.msk $0xffff, v2  }
0x9d: {  	v2 =	vld [tilespmem:$0xC770];
	_ =	sdelay $0x1  }
0x9e: {  	v3 =	vld [tilespmem:$0xC840];
	_ =	sdelay $0x2  }
0x9f: {  	v2 =	vadd.s32 s13, v2  }
0xa0: {  	v2 =	vmul.u32 $0xD0, v2  }
0xa1: {  	v4 =	vand.u32 $0xFFFFFFF8, v3  }
0xa2: {  	v3 =	vand.u32 $0x7, v3;
	v2 =	vadd.s32 v4, v2;
	v4 =	vld [tilespmem:$0xC910]  }
0xa3: {  	v2 =	vor.u32 v3, v2;
	_ =	sdelay $0x3  }
0xa4: {  	v3 =	vand.u32 $0xFFFFFFF8, v4;
	v5 =	vadd.s32 $0x1, v4  }
0xa5: {  	v4 =	vand.u32 $0x7, v4;
	v2 =	vld.idx.msk [tilespmem:v2+s24+$0x0], $0xffff;
	v3 =	vadd.s32 v1, v3;
	v6 =	vand.u32 $0xFFFFFFF8, v5  }
0xa6: {  	v3 =	vor.u32 v4, v3;
	v4 =	vand.u32 $0x7, v5;
	v5 =	vadd.s32 v1, v6  }
0xa7: {  	v4 =	vor.u32 v4, v5;
	_ =	sdelay $0x2  }
0xa8: {  	v5 =	vshll.u32 v2, $0x10  }
0xa9: {  	v2 =	vand.u32 $0xFFFF0000, v2;
	[tilespmem:v3+s31+$0x0] =	vst.idx.msk $0xffff, v5  }
0xaa: {  	[tilespmem:v4+s31+$0x0] =	vst.idx.msk $0xffff, v2  }
0xab: {  	v2 =	vld [tilespmem:$0xC780];
	_ =	sdelay $0x1  }
0xac: {  	v3 =	vld [tilespmem:$0xC850];
	_ =	sdelay $0x2  }
0xad: {  	v2 =	vadd.s32 s13, v2  }
0xae: {  	v2 =	vmul.u32 $0xD0, v2  }
0xaf: {  	v4 =	vand.u32 $0xFFFFFFF8, v3  }
0xb0: {  	v3 =	vand.u32 $0x7, v3;
	v2 =	vadd.s32 v4, v2;
	v4 =	vld [tilespmem:$0xC920]  }
0xb1: {  	v2 =	vor.u32 v3, v2;
	_ =	sdelay $0x3  }
0xb2: {  	v3 =	vand.u32 $0xFFFFFFF8, v4;
	v5 =	vadd.s32 $0x1, v4  }
0xb3: {  	v4 =	vand.u32 $0x7, v4;
	v2 =	vld.idx.msk [tilespmem:v2+s24+$0x0], $0xffff;
	v3 =	vadd.s32 v1, v3;
	v6 =	vand.u32 $0xFFFFFFF8, v5  }
0xb4: {  	v3 =	vor.u32 v4, v3;
	v4 =	vand.u32 $0x7, v5;
	v5 =	vadd.s32 v1, v6  }
0xb5: {  	v4 =	vor.u32 v4, v5;
	_ =	sdelay $0x2  }
0xb6: {  	v5 =	vshll.u32 v2, $0x10  }
0xb7: {  	v2 =	vand.u32 $0xFFFF0000, v2;
	[tilespmem:v3+s31+$0x0] =	vst.idx.msk $0xffff, v5  }
0xb8: {  	[tilespmem:v4+s31+$0x0] =	vst.idx.msk $0xffff, v2  }
0xb9: {  	v2 =	vld [tilespmem:$0xC790];
	_ =	sdelay $0x1  }
0xba: {  	v3 =	vld [tilespmem:$0xC860];
	_ =	sdelay $0x2  }
0xbb: {  	v2 =	vadd.s32 s13, v2  }
0xbc: {  	v2 =	vmul.u32 $0xD0, v2  }
0xbd: {  	v4 =	vand.u32 $0xFFFFFFF8, v3  }
0xbe: {  	v3 =	vand.u32 $0x7, v3;
	v2 =	vadd.s32 v4, v2;
	v4 =	vld [tilespmem:$0xC930]  }
0xbf: {  	v2 =	vor.u32 v3, v2;
	_ =	sdelay $0x3  }
0xc0: {  	v3 =	vand.u32 $0xFFFFFFF8, v4;
	v5 =	vadd.s32 $0x1, v4  }
0xc1: {  	v4 =	vand.u32 $0x7, v4;
	v2 =	vld.idx.msk [tilespmem:v2+s24+$0x0], $0xffff;
	v3 =	vadd.s32 v1, v3;
	v6 =	vand.u32 $0xFFFFFFF8, v5  }
0xc2: {  	v3 =	vor.u32 v4, v3;
	v4 =	vand.u32 $0x7, v5;
	v5 =	vadd.s32 v1, v6  }
0xc3: {  	v4 =	vor.u32 v4, v5;
	_ =	sdelay $0x2  }
0xc4: {  	v5 =	vshll.u32 v2, $0x10  }
0xc5: {  	v2 =	vand.u32 $0xFFFF0000, v2;
	[tilespmem:v3+s31+$0x0] =	vst.idx.msk $0xffff, v5  }
0xc6: {  	[tilespmem:v4+s31+$0x0] =	vst.idx.msk $0xffff, v2  }
0xc7: {  	v2 =	vld [tilespmem:$0xC7A0];
	_ =	sdelay $0x1  }
0xc8: {  	v3 =	vld [tilespmem:$0xC870];
	_ =	sdelay $0x2  }
0xc9: {  	v2 =	vadd.s32 s13, v2  }
0xca: {  	v2 =	vmul.u32 $0xD0, v2  }
0xcb: {  	v4 =	vand.u32 $0xFFFFFFF8, v3  }
0xcc: {  	v3 =	vand.u32 $0x7, v3;
	v2 =	vadd.s32 v4, v2;
	v4 =	vld [tilespmem:$0xC940]  }
0xcd: {  	v2 =	vor.u32 v3, v2;
	_ =	sdelay $0x3  }
0xce: {  	v3 =	vand.u32 $0xFFFFFFF8, v4;
	v5 =	vadd.s32 $0x1, v4  }
0xcf: {  	v4 =	vand.u32 $0x7, v4;
	v2 =	vld.idx.msk [tilespmem:v2+s24+$0x0], $0xffff;
	v3 =	vadd.s32 v1, v3;
	v6 =	vand.u32 $0xFFFFFFF8, v5  }
0xd0: {  	v3 =	vor.u32 v4, v3;
	v4 =	vand.u32 $0x7, v5;
	v5 =	vadd.s32 v1, v6  }
0xd1: {  	v4 =	vor.u32 v4, v5;
	_ =	sdelay $0x2  }
0xd2: {  	v5 =	vshll.u32 v2, $0x10  }
0xd3: {  	v2 =	vand.u32 $0xFFFF0000, v2;
	[tilespmem:v3+s31+$0x0] =	vst.idx.msk $0xffff, v5  }
0xd4: {  	[tilespmem:v4+s31+$0x0] =	vst.idx.msk $0xffff, v2  }
0xd5: {  	v2 =	vld [tilespmem:$0xC7B0];
	_ =	sdelay $0x1  }
0xd6: {  	v3 =	vld [tilespmem:$0xC880];
	_ =	sdelay $0x2  }
0xd7: {  	v2 =	vadd.s32 s13, v2  }
0xd8: {  	v2 =	vmul.u32 $0xD0, v2  }
0xd9: {  	v4 =	vand.u32 $0xFFFFFFF8, v3  }
0xda: {  	v3 =	vand.u32 $0x7, v3;
	v2 =	vadd.s32 v4, v2;
	v4 =	vld [tilespmem:$0xC950]  }
0xdb: {  	v2 =	vor.u32 v3, v2;
	_ =	sdelay $0x3  }
0xdc: {  	v3 =	vand.u32 $0xFFFFFFF8, v4;
	v5 =	vadd.s32 $0x1, v4  }
0xdd: {  	v4 =	vand.u32 $0x7, v4;
	v2 =	vld.idx.msk [tilespmem:v2+s24+$0x0], $0xffff;
	v3 =	vadd.s32 v1, v3;
	v6 =	vand.u32 $0xFFFFFFF8, v5  }
0xde: {  	v3 =	vor.u32 v4, v3;
	v4 =	vand.u32 $0x7, v5;
	v5 =	vadd.s32 v1, v6  }
0xdf: {  	v4 =	vor.u32 v4, v5;
	_ =	sdelay $0x2  }
0xe0: {  	v5 =	vshll.u32 v2, $0x10  }
0xe1: {  	v2 =	vand.u32 $0xFFFF0000, v2;
	[tilespmem:v3+s31+$0x0] =	vst.idx.msk $0xffff, v5  }
0xe2: {  	[tilespmem:v4+s31+$0x0] =	vst.idx.msk $0xffff, v2  }
0xe3: {  	v2 =	vld [tilespmem:$0xC7C0];
	_ =	sdelay $0x1  }
0xe4: {  	v3 =	vld [tilespmem:$0xC890];
	_ =	sdelay $0x2  }
0xe5: {  	v2 =	vadd.s32 s13, v2  }
0xe6: {  	v2 =	vmul.u32 $0xD0, v2  }
0xe7: {  	v4 =	vand.u32 $0xFFFFFFF8, v3  }
0xe8: {  	v3 =	vand.u32 $0x7, v3;
	v2 =	vadd.s32 v4, v2;
	v4 =	vld [tilespmem:$0xC960]  }
0xe9: {  	v2 =	vor.u32 v3, v2;
	_ =	sdelay $0x3  }
0xea: {  	v3 =	vand.u32 $0xFFFFFFF8, v4;
	v5 =	vadd.s32 $0x1, v4  }
0xeb: {  	v4 =	vand.u32 $0x7, v4;
	v2 =	vld.idx.msk [tilespmem:v2+s24+$0x0], $0xffff;
	v3 =	vadd.s32 v1, v3;
	v6 =	vand.u32 $0xFFFFFFF8, v5  }
0xec: {  	v3 =	vor.u32 v4, v3;
	v4 =	vand.u32 $0x7, v5;
	v5 =	vadd.s32 v1, v6  }
0xed: {  	v4 =	vor.u32 v4, v5;
	_ =	sdelay $0x2  }
0xee: {  	v5 =	vshll.u32 v2, $0x10  }
0xef: {  	v2 =	vand.u32 $0xFFFF0000, v2;
	[tilespmem:v3+s31+$0x0] =	vst.idx.msk $0xffff, v5  }
0xf0: {  	[tilespmem:v4+s31+$0x0] =	vst.idx.msk $0xffff, v2  }
0xf1: {  	v2 =	vld [tilespmem:$0xC7D0];
	_ =	sdelay $0x1  }
0xf2: {  	v3 =	vld [tilespmem:$0xC8A0];
	_ =	sdelay $0x2  }
0xf3: {  	v2 =	vadd.s32 s13, v2  }
0xf4: {  	v2 =	vmul.u32 $0xD0, v2  }
0xf5: {  	v4 =	vand.u32 $0xFFFFFFF8, v3  }
0xf6: {  	v3 =	vand.u32 $0x7, v3;
	v2 =	vadd.s32 v4, v2;
	v4 =	vld [tilespmem:$0xC970]  }
0xf7: {  	v2 =	vor.u32 v3, v2;
	_ =	sdelay $0x3  }
0xf8: {  	v3 =	vand.u32 $0xFFFFFFF8, v4;
	v5 =	vadd.s32 $0x1, v4  }
0xf9: {  	v4 =	vand.u32 $0x7, v4;
	v2 =	vld.idx.msk [tilespmem:v2+s24+$0x0], $0xffff;
	v3 =	vadd.s32 v1, v3;
	v6 =	vand.u32 $0xFFFFFFF8, v5  }
0xfa: {  	v3 =	vor.u32 v4, v3;
	v4 =	vand.u32 $0x7, v5;
	v5 =	vadd.s32 v1, v6  }
0xfb: {  	v4 =	vor.u32 v4, v5;
	_ =	sdelay $0x2  }
0xfc: {  	v5 =	vshll.u32 v2, $0x10  }
0xfd: {  	v2 =	vand.u32 $0xFFFF0000, v2;
	[tilespmem:v3+s31+$0x0] =	vst.idx.msk $0xffff, v5  }
0xfe: {  	[tilespmem:v4+s31+$0x0] =	vst.idx.msk $0xffff, v2  }
0xff: {  	v2 =	vld [tilespmem:$0xC7E0];
	_ =	sdelay $0x1  }
0x100: {  	v3 =	vld [tilespmem:$0xC8B0];
	_ =	sdelay $0x2  }
0x101: {  	v2 =	vadd.s32 s13, v2  }
0x102: {  	v2 =	vmul.u32 $0xD0, v2  }
0x103: {  	v4 =	vand.u32 $0xFFFFFFF8, v3  }
0x104: {  	v3 =	vand.u32 $0x7, v3;
	v2 =	vadd.s32 v4, v2;
	v4 =	vld [tilespmem:$0xC980]  }
0x105: {  	v2 =	vor.u32 v3, v2;
	_ =	sdelay $0x3  }
0x106: {  	v3 =	vand.u32 $0xFFFFFFF8, v4;
	v5 =	vadd.s32 $0x1, v4  }
0x107: {  	v4 =	vand.u32 $0x7, v4;
	v2 =	vld.idx.msk [tilespmem:v2+s24+$0x0], $0xffff;
	v3 =	vadd.s32 v1, v3;
	v6 =	vand.u32 $0xFFFFFFF8, v5  }
0x108: {  	v3 =	vor.u32 v4, v3;
	v4 =	vand.u32 $0x7, v5;
	v5 =	vadd.s32 v1, v6  }
0x109: {  	v4 =	vor.u32 v4, v5;
	_ =	sdelay $0x2  }
0x10a: {  	v5 =	vshll.u32 v2, $0x10  }
0x10b: {  	v2 =	vand.u32 $0xFFFF0000, v2;
	[tilespmem:v3+s31+$0x0] =	vst.idx.msk $0xffff, v5  }
0x10c: {  	[tilespmem:v4+s31+$0x0] =	vst.idx.msk $0xffff, v2  }
0x10d: {  	v2 =	vld [tilespmem:$0xC7F0];
	_ =	sdelay $0x1  }
0x10e: {  	v3 =	vld [tilespmem:$0xC8C0];
	_ =	sdelay $0x2  }
0x10f: {  	v2 =	vadd.s32 s13, v2  }
0x110: {  	v2 =	vmul.u32 $0xD0, v2  }
0x111: {  	v4 =	vand.u32 $0xFFFFFFF8, v3  }
0x112: {  	v3 =	vand.u32 $0x7, v3;
	v2 =	vadd.s32 v4, v2;
	v4 =	vld [tilespmem:$0xC990]  }
0x113: {  	v2 =	vor.u32 v3, v2;
	_ =	sdelay $0x3  }
0x114: {  	v3 =	vand.u32 $0xFFFFFFF8, v4;
	v5 =	vadd.s32 $0x1, v4  }
0x115: {  	v4 =	vand.u32 $0x7, v4;
	v2 =	vld.idx.msk [tilespmem:v2+s24+$0x0], $0xffff;
	v3 =	vadd.s32 v1, v3;
	v6 =	vand.u32 $0xFFFFFFF8, v5  }
0x116: {  	v3 =	vor.u32 v4, v3;
	v4 =	vand.u32 $0x7, v5;
	v5 =	vadd.s32 v1, v6  }
0x117: {  	v4 =	vor.u32 v4, v5;
	_ =	sdelay $0x2  }
0x118: {  	v5 =	vshll.u32 v2, $0x10  }
0x119: {  	v2 =	vand.u32 $0xFFFF0000, v2;
	[tilespmem:v3+s31+$0x0] =	vst.idx.msk $0xffff, v5  }
0x11a: {  	[tilespmem:v4+s31+$0x0] =	vst.idx.msk $0xffff, v2  }
0x11b: {  	v2 =	vld [tilespmem:$0xC800];
	_ =	sdelay $0x1  }
0x11c: {  	v3 =	vld [tilespmem:$0xC8D0];
	_ =	sdelay $0x2  }
0x11d: {  	v2 =	vadd.s32 s13, v2  }
0x11e: {  	v2 =	vmul.u32 $0xD0, v2  }
0x11f: {  	v4 =	vand.u32 $0xFFFFFFF8, v3  }
0x120: {  	v3 =	vand.u32 $0x7, v3;
	v2 =	vadd.s32 v4, v2;
	v4 =	vld [tilespmem:$0xC9A0]  }
0x121: {  	v2 =	vor.u32 v3, v2;
	_ =	sdelay $0x3  }
0x122: {  	v3 =	vand.u32 $0xFFFFFFF8, v4;
	v5 =	vadd.s32 $0x1, v4  }
0x123: {  	v4 =	vand.u32 $0x7, v4;
	v2 =	vld.idx.msk [tilespmem:v2+s24+$0x0], $0xffff;
	v3 =	vadd.s32 v1, v3;
	v6 =	vand.u32 $0xFFFFFFF8, v5  }
0x124: {  	v3 =	vor.u32 v4, v3;
	v4 =	vand.u32 $0x7, v5;
	v1 =	vadd.s32 v1, v6  }
0x125: {  	v1 =	vor.u32 v4, v1;
	_ =	sdelay $0x2  }
0x126: {  	v4 =	vshll.u32 v2, $0x10  }
0x127: {  	v2 =	vand.u32 $0xFFFF0000, v2;
	[tilespmem:v3+s31+$0x0] =	vst.idx.msk $0xffff, v4  }
0x128: {  	s11 =	simm.s32 $0x0;
	[tilespmem:v1+s31+$0x0] =	vst.idx.msk $0xffff, v2  }
0x129: {  	v3 =	vld [tilespmem:s11+$0xC350]  }
0x12a: {  	v4 =	vld [tilespmem:s11+$0xC200]  }
0x12b: {  	v5 =	vld [tilespmem:s11+$0xC4A0]  }
0x12c: {  	v6 =	vld [tilespmem:s11+$0xC5F0];
	_ =	sdelay $0x1  }
0x12d: {  	v2 =	vmov s13;
	v1 =	vmov s10  }
0x12e: {  	v7 =	vadd.s32 $0x1, v3;
	v8 =	vadd.s32 $0x2, v3;
	v9 =	vadd.s32 $0x6, v3  }
0x12f: {  	v4 =	vadd.s32 v2, v4;
	v10 =	vand.u32 $0x7, v3;
	v5 =	vadd.s32 v2, v5  }
0x130: {  	v16 =	vadd.s32 $0x4, v3;
	v14 =	vand.u32 $0xFFFFFFF8, v3;
	v15 =	vand.u32 $0xFFFFFFF8, v6  }
0x131: {  	v17 =	vadd.s32 $0x3, v3;
	v18 =	vadd.s32 $0x5, v6;
	v19 =	vadd.s32 $0x2, v6  }
0x132: {  	v22 =	vadd.s32 $0x3, v6;
	v23 =	vadd.s32 $0x4, v6;
	v24 =	vadd.s32 $0x1, v6  }
0x133: {  	v60 =	vadd.s32 $0x7, v3;
	v11 =	vand.u32 $0xFFFFFFF8, v9;
	v12 =	vmul.u32 $0xD0, v4  }
0x134: {  	v4 =	vadd.s32 $0x5, v3;
	v5 =	vmul.u32 $0xD0, v5;
	v13 =	vand.u32 $0xFFFFFFF8, v7  }
0x135: {  	v9 =	vand.u32 $0x7, v9;
	v7 =	vand.u32 $0x7, v7;
	v20 =	vand.u32 $0xFFFFFFF8, v19  }
0x136: {  	v21 =	vand.u32 $0xFFFFFFF8, v17;
	v19 =	vand.u32 $0x7, v19;
	v17 =	vand.u32 $0x7, v17  }
0x137: {  	v3 =	vand.u32 $0x7, v4;
	v13 =	vadd.s32 v12, v13;
	v14 =	vadd.s32 v14, v12  }
0x138: {  	v15 =	vadd.s32 v15, v5;
	v20 =	vadd.s32 v5, v20;
	v21 =	vadd.s32 v12, v21  }
0x139: {  	v11 =	vadd.s32 v12, v11;
	v10 =	vor.u32 v10, v14;
	v14 =	vand.u32 $0x7, v6  }
0x13a: {  	v19 =	vor.u32 v19, v20;
	v20 =	vand.u32 $0xFFFFFFF8, v22;
	v22 =	vand.u32 $0x7, v22  }
0x13b: {  	v17 =	vor.u32 v17, v21;
	v21 =	vand.u32 $0xFFFFFFF8, v8;
	v8 =	vand.u32 $0x7, v8  }
0x13c: {  	v7 =	vor.u32 v7, v13;
	v13 =	vand.u32 $0xFFFFFFF8, v24;
	v11 =	vor.u32 v9, v11  }
0x13d: {  	v9 =	vand.u32 $0x7, v60;
	v20 =	vadd.s32 v5, v20;
	v13 =	vadd.s32 v5, v13  }
0x13e: {  	v14 =	vor.u32 v14, v15;
	v20 =	vor.u32 v22, v20;
	v22 =	vand.u32 $0xFFFFFFF8, v23  }
0x13f: {  	v21 =	vadd.s32 v12, v21;
	v23 =	vand.u32 $0x7, v23;
	v22 =	vadd.s32 v5, v22  }
0x140: {  	v21 =	vor.u32 v8, v21;
	v15 =	vor.u32 v23, v22;
	v23 =	vand.u32 $0x7, v24  }
0x141: {  	v22 =	vand.u32 $0xFFFFFFF8, v18;
	v19 =	vld.idx.msk [tilespmem:v19+s24+$0x0], $0xffff;
	v13 =	vor.u32 v23, v13;
	v23 =	vand.u32 $0xFFFFFFF8, v4  }
0x142: {  	v18 =	vand.u32 $0x7, v18;
	v22 =	vadd.s32 v5, v22;
	v10 =	vld.idx.msk [tilespmem:v10+s24+$0x0], $0xffff;
	v4 =	vadd.s32 v12, v23  }
0x143: {  	v18 =	vor.u32 v18, v22;
	v22 =	vld.idx.msk [tilespmem:v7+s24+$0x0], $0xffff;
	v23 =	vor.u32 v3, v4;
	v3 =	vand.u32 $0xFFFFFFF8, v60  }
0x144: {  	v28 =	vld.idx.msk [tilespmem:v14+s24+$0x0], $0xffff;
	v4 =	vadd.s32 $0x7, v6;
	v6 =	vadd.s32 $0x6, v6;
	v25 =	vadd.s32 v12, v3  }
0x145: {  	v20 =	vld.idx.msk [tilespmem:v20+s24+$0x0], $0xffff;
	v7 =	vand.u32 $0xFFFFFFF8, v4;
	v4 =	vand.u32 $0x7, v4;
	v27 =	vand.u32 $0x7, v6  }
0x146: {  	v7 =	vadd.s32 v5, v7;
	v26 =	vld.idx.msk [tilespmem:v15+s24+$0x0], $0xffff;
	v15 =	vand.u32 $0xFFFFFFF8, v6;
	v3 =	vand.u32 $0xFFFF0000, v19  }
0x147: {  	v4 =	vor.u32 v4, v7;
	v13 =	vld.idx.msk [tilespmem:v13+s24+$0x0], $0xffff;
	v5 =	vadd.s32 v5, v15;
	v8 =	vshll.u32 v19, $0x10  }
0x148: {  	v15 =	vand.u32 $0xFFFF0000, v10;
	v29 =	vshll.u32 v22, $0x10;
	v5 =	vor.u32 v27, v5  }
0x149: {  	v61 =	vld.idx.msk [tilespmem:v18+s24+$0x0], $0xffff;
	v22 =	vand.u32 $0xFFFF0000, v22;
	v18 =	vand.u32 $0xFFFFFFF8, v16;
	v16 =	vand.u32 $0x7, v16  }
0x14a: {  	v14 =	vld.idx.msk [tilespmem:v17+s24+$0x0], $0xffff;
	v7 =	vshll.u32 v20, $0x10;
	v6 =	vand.u32 $0xFFFF0000, v20;
	v12 =	vadd.s32 v12, v18  }
0x14b: {  	v20 =	vld.idx.msk [tilespmem:v23+s24+$0x0], $0xffff;
	v23 =	vshll.u32 v10, $0x10;
	v62 =	vor.u32 v16, v12;
	v12 =	vshll.u32 v28, $0x10  }
0x14c: {  	v10 =	vor.u32 v9, v25;
	v12 =	vmul.f32 v12, v23;
	v9 =	vshll.u32 v13, $0x10  }
0x14d: {  	v23 =	vand.u32 $0xFFFF0000, v28;
	v13 =	vand.u32 $0xFFFF0000, v13;
	v17 =	vmul.f32 v9, v29  }
0x14e: {  	v16 =	vld.idx.msk [tilespmem:v21+s24+$0x0], $0xffff;
	v9 =	vshll.u32 v26, $0x10;
	v18 =	vshll.u32 v61, $0x10;
	v13 =	vmul.f32 v13, v22  }
0x14f: {  	v27 =	vand.u32 $0xFFFF0000, v61;
	v22 =	vshll.u32 v14, $0x10;
	v17 =	vadd.f32 $0.0e+00, v17  }
0x150: {  	v63 =	vand.u32 $0xFFFF0000, v20;
	v19 =	vshll.u32 v20, $0x10;
	v20 =	vadd.f32 $0.0e+00, v12  }
0x151: {  	s13 =	simm.s32 $0x40;
	v12 =	vand.u32 $0xFFFF0000, v26;
	v21 =	vadd.f32 v17, v13;
	v17 =	vld.idx.msk [tilespmem:v62+s24+$0x0], $0xffff;
	v13 =	vmul.f32 v27, v63  }
.LBB2_4:
0x152: {  	p0 =	sne.s32 s13, $0x500;
	v15 =	vmul.f32 v23, v15;
	v14 =	vand.u32 $0xFFFF0000, v14;
	v7 =	vmul.f32 v7, v22;
	v11 =	vld.idx.msk [tilespmem:v11+s24+$0x0], $0xffff;
	s14 =	smov.u32 s13;
	s13 =	sadd.s32 $0x40, s13  }
0x153: {  	v22 =	vshll.u32 v16, $0x10;
	v6 =	vmul.f32 v6, v14;
	v14 =	vmul.f32 v18, v19;
	v4 =	vld.idx.msk [tilespmem:v4+s24+$0x0], $0xffff  }
0x154: {  	v8 =	vmul.f32 v8, v22;
	v15 =	vadd.f32 v20, v15;
	v7 =	vadd.f32 v7, v21;
	v10 =	vld.idx.msk [tilespmem:v10+s24+$0x0], $0xffff  }
0x155: {  	v16 =	vand.u32 $0xFFFF0000, v16;
	v5 =	vld.idx.msk [tilespmem:v5+s24+$0x0], $0xffff  }
0x156: {  	v3 =	vmul.f32 v3, v16;
	v8 =	vadd.f32 v8, v15;
	v6 =	vadd.f32 v7, v6  }
0x157: {  	v7 =	vshll.u32 v17, $0x10;
	v15 =	vand.u32 $0xFFFF0000, v17  }
0x158: {  	v7 =	vmul.f32 v9, v7;
	v3 =	vadd.f32 v8, v3;
	v6 =	vadd.f32 v14, v6  }
0x159: {  	v8 =	vmul.f32 v12, v15;
	v9 =	vshll.u32 v4, $0x10;
	v4 =	vand.u32 $0xFFFF0000, v4  }
0x15a: {  	v3 =	vadd.f32 v7, v3;
	v6 =	vadd.f32 v6, v13;
	v7 =	vshll.u32 v10, $0x10  }
0x15b: {  	v12 =	vshll.u32 v11, $0x10;
	v13 =	vshll.u32 v5, $0x10;
	v7 =	vmul.f32 v9, v7  }
0x15c: {  	v9 =	vand.u32 $0xFFFF0000, v10;
	v3 =	vadd.f32 v3, v8;
	v8 =	vmul.f32 v13, v12  }
0x15d: {  	v5 =	vand.u32 $0xFFFF0000, v5;
	v10 =	vand.u32 $0xFFFF0000, v11;
	v6 =	vadd.f32 v7, v6  }
0x15e: {  	v5 =	vmul.f32 v5, v10;
	v4 =	vmul.f32 v4, v9;
	v3 =	vadd.f32 v8, v3;
	_ =	sdelay $0x1  }
0x15f: {  	v4 =	vadd.f32 v6, v4;
	v3 =	vadd.f32 v3, v5;
	_ =	sdelay $0x1  }
0x160: {  	v3 =	vadd.f32 v4, v3;
	_ =	sdelay $0x1  }
0x161: {  	[tilespmem:v1+s11+$0x0 ss:$0x1] =	vst.idx.msk $0xffff, v3;
	_ =	sdelay $0x2  }
0x162: {  	s11 =	sshra.s32 s14, $0x2  }
0x163: {  	v3 =	vld [tilespmem:s11+$0xC350]  }
0x164: {  	v4 =	vld [tilespmem:s11+$0xC200]  }
0x165: {  	v5 =	vld [tilespmem:s11+$0xC4A0]  }
0x166: {  	v6 =	vld [tilespmem:s11+$0xC5F0];
	_ =	sdelay $0x1  }
0x167: {  	v7 =	vadd.s32 $0x1, v3;
	v8 =	vadd.s32 $0x2, v3;
	v9 =	vadd.s32 $0x6, v3  }
0x168: {  	v10 =	vand.u32 $0x7, v3;
	v4 =	vadd.s32 v2, v4;
	v11 =	vand.u32 $0xFFFFFFF8, v9  }
0x169: {  	v5 =	vadd.s32 v2, v5;
	v12 =	vmul.u32 $0xD0, v4;
	v4 =	vadd.s32 $0x5, v3  }
0x16a: {  	v16 =	vadd.s32 $0x4, v3;
	v13 =	vand.u32 $0xFFFFFFF8, v7;
	v5 =	vmul.u32 $0xD0, v5  }
0x16b: {  	v14 =	vand.u32 $0xFFFFFFF8, v3;
	v9 =	vand.u32 $0x7, v9;
	v13 =	vadd.s32 v12, v13  }
0x16c: {  	v17 =	vadd.s32 $0x3, v3;
	v15 =	vand.u32 $0xFFFFFFF8, v6;
	v18 =	vadd.s32 $0x5, v6  }
0x16d: {  	v7 =	vand.u32 $0x7, v7;
	v14 =	vadd.s32 v14, v12;
	v15 =	vadd.s32 v15, v5  }
0x16e: {  	v19 =	vadd.s32 $0x2, v6;
	v10 =	vor.u32 v10, v14;
	v14 =	vand.u32 $0x7, v6  }
0x16f: {  	v21 =	vand.u32 $0xFFFFFFF8, v17;
	v22 =	vadd.s32 $0x3, v6;
	v20 =	vand.u32 $0xFFFFFFF8, v19  }
0x170: {  	v23 =	vadd.s32 $0x4, v6;
	v19 =	vand.u32 $0x7, v19;
	v20 =	vadd.s32 v5, v20  }
0x171: {  	v17 =	vand.u32 $0x7, v17;
	v19 =	vor.u32 v19, v20;
	v20 =	vand.u32 $0xFFFFFFF8, v22  }
0x172: {  	v21 =	vadd.s32 v12, v21;
	v22 =	vand.u32 $0x7, v22;
	v20 =	vadd.s32 v5, v20  }
0x173: {  	v24 =	vadd.s32 $0x1, v6;
	v17 =	vor.u32 v17, v21;
	v20 =	vor.u32 v22, v20  }
0x174: {  	v11 =	vadd.s32 v12, v11;
	v21 =	vand.u32 $0xFFFFFFF8, v8;
	v8 =	vand.u32 $0x7, v8  }
0x175: {  	v7 =	vor.u32 v7, v13;
	v13 =	vand.u32 $0xFFFFFFF8, v24;
	v22 =	vand.u32 $0xFFFFFFF8, v23  }
0x176: {  	v13 =	vadd.s32 v5, v13;
	v23 =	vand.u32 $0x7, v23;
	v22 =	vadd.s32 v5, v22  }
0x177: {  	v14 =	vor.u32 v14, v15;
	v15 =	vld.idx.msk [tilespmem:v19+s24+$0x0], $0xffff;
	v19 =	vor.u32 v23, v22;
	v22 =	vand.u32 $0xFFFFFFF8, v18  }
0x178: {  	v23 =	vand.u32 $0x7, v24;
	v18 =	vand.u32 $0x7, v18;
	v20 =	vld.idx.msk [tilespmem:v20+s24+$0x0], $0xffff;
	v22 =	vadd.s32 v5, v22  }
0x179: {  	v24 =	vadd.s32 $0x7, v3;
	v13 =	vor.u32 v23, v13;
	v23 =	vand.u32 $0xFFFFFFF8, v4  }
0x17a: {  	v3 =	vand.u32 $0x7, v4;
	v4 =	vadd.s32 v12, v23;
	v18 =	vor.u32 v18, v22;
	v25 =	vld.idx.msk [tilespmem:v7+s24+$0x0], $0xffff  }
0x17b: {  	v22 =	vor.u32 v3, v4;
	v3 =	vand.u32 $0xFFFFFFF8, v24;
	v4 =	vadd.s32 $0x7, v6;
	v10 =	vld.idx.msk [tilespmem:v10+s24+$0x0], $0xffff  }
0x17c: {  	v6 =	vadd.s32 $0x6, v6;
	v23 =	vadd.s32 v12, v3;
	v7 =	vand.u32 $0xFFFFFFF8, v4  }
0x17d: {  	v4 =	vand.u32 $0x7, v4;
	v3 =	vand.u32 $0xFFFF0000, v15;
	v7 =	vadd.s32 v5, v7;
	v26 =	vld.idx.msk [tilespmem:v19+s24+$0x0], $0xffff  }
0x17e: {  	v27 =	vand.u32 $0x7, v6;
	v19 =	vand.u32 $0xFFFFFFF8, v6;
	v4 =	vor.u32 v4, v7;
	v13 =	vld.idx.msk [tilespmem:v13+s24+$0x0], $0xffff  }
0x17f: {  	v7 =	vshll.u32 v20, $0x10;
	v5 =	vadd.s32 v5, v19;
	v28 =	vld.idx.msk [tilespmem:v14+s24+$0x0], $0xffff;
	v14 =	vadd.s32 v12, v21  }
0x180: {  	v6 =	vand.u32 $0xFFFF0000, v20;
	v19 =	vshll.u32 v25, $0x10;
	v5 =	vor.u32 v27, v5;
	v20 =	vld.idx.msk [tilespmem:v22+s24+$0x0], $0xffff  }
0x181: {  	v11 =	vor.u32 v9, v11;
	v21 =	vshll.u32 v10, $0x10;
	v22 =	vor.u32 v8, v14;
	v27 =	vld.idx.msk [tilespmem:v18+s24+$0x0], $0xffff  }
0x182: {  	v9 =	vand.u32 $0x7, v24;
	v25 =	vand.u32 $0xFFFF0000, v25;
	v8 =	vshll.u32 v15, $0x10;
	v14 =	vld.idx.msk [tilespmem:v17+s24+$0x0], $0xffff  }
0x183: {  	v15 =	vand.u32 $0xFFFF0000, v10;
	v10 =	vor.u32 v9, v23;
	v17 =	vand.u32 $0xFFFFFFF8, v16  }
0x184: {  	v16 =	vand.u32 $0x7, v16;
	v9 =	vshll.u32 v13, $0x10;
	v12 =	vadd.s32 v12, v17  }
0x185: {  	v13 =	vand.u32 $0xFFFF0000, v13;
	v17 =	vmul.f32 v9, v19;
	v24 =	vor.u32 v16, v12  }
.Ltmp0:
0x186: {  	v12 =	vshll.u32 v28, $0x10;
	v9 =	vshll.u32 v26, $0x10;
	v29 =	vand.u32 $0xFFFF0000, v20;
	v16 =	vld.idx.msk [tilespmem:v22+s24+$0x0], $0xffff;
	(pc) =	sbr.rel @p0 .LBB2_4-.Ltmp0, $4  }
0x187: {  	v12 =	vmul.f32 v12, v21;
	v17 =	vadd.f32 $0.0e+00, v17;
	v18 =	vshll.u32 v27, $0x10  }
0x188: {  	v13 =	vmul.f32 v13, v25;
	v19 =	vshll.u32 v20, $0x10;
	v25 =	vand.u32 $0xFFFF0000, v27  }
0x189: {  	v20 =	vadd.f32 $0.0e+00, v12;
	v22 =	vshll.u32 v14, $0x10;
	v12 =	vand.u32 $0xFFFF0000, v26  }
0x18a: {  	v23 =	vand.u32 $0xFFFF0000, v28;
	v21 =	vadd.f32 v17, v13;
	v13 =	vmul.f32 v25, v29;
	v17 =	vld.idx.msk [tilespmem:v24+s24+$0x0], $0xffff  }
0x18b: {  	_ =	sdelay $0x3  }
0x18c: {  	v2 =	vmul.f32 v23, v15;
	v11 =	vld.idx.msk [tilespmem:v11+s24+$0x0], $0xffff  }
0x18d: {  	v7 =	vmul.f32 v7, v22;
	v51 =	vshll.u32 v16, $0x10;
	v4 =	vld.idx.msk [tilespmem:v4+s24+$0x0], $0xffff  }
0x18e: {  	v14 =	vand.u32 $0xFFFF0000, v14;
	v10 =	vld.idx.msk [tilespmem:v10+s24+$0x0], $0xffff;
	v8 =	vmul.f32 v8, v51;
	v2 =	vadd.f32 v20, v2  }
0x18f: {  	v53 =	vand.u32 $0xFFFF0000, v16;
	v5 =	vld.idx.msk [tilespmem:v5+s24+$0x0], $0xffff;
	v6 =	vmul.f32 v6, v14;
	v7 =	vadd.f32 v7, v21  }
0x190: {  	v52 =	vmul.f32 v18, v19;
	v3 =	vmul.f32 v3, v53;
	v2 =	vadd.f32 v8, v2  }
0x191: {  	v6 =	vadd.f32 v7, v6;
	v54 =	vshll.u32 v17, $0x10;
	v55 =	vand.u32 $0xFFFF0000, v17  }
0x192: {  	v56 =	vmul.f32 v12, v55;
	v2 =	vadd.f32 v2, v3;
	v3 =	vmul.f32 v9, v54  }
0x193: {  	v57 =	vshll.u32 v4, $0x10;
	v58 =	vshll.u32 v10, $0x10;
	v59 =	vshll.u32 v11, $0x10  }
0x194: {  	v60 =	vshll.u32 v5, $0x10;
	v6 =	vadd.f32 v52, v6;
	v2 =	vadd.f32 v3, v2  }
0x195: {  	v63 =	vand.u32 $0xFFFF0000, v11;
	v5 =	vand.u32 $0xFFFF0000, v5;
	v61 =	vmul.f32 v60, v59  }
0x196: {  	v3 =	vadd.f32 v6, v13;
	v6 =	vmul.f32 v57, v58;
	v2 =	vadd.f32 v2, v56  }
0x197: {  	v4 =	vand.u32 $0xFFFF0000, v4;
	v62 =	vand.u32 $0xFFFF0000, v10;
	v5 =	vmul.f32 v5, v63  }
0x198: {  	s9 =	sadd.s32 $0x1, s9;
	v4 =	vmul.f32 v4, v62;
	v3 =	vadd.f32 v6, v3;
	v2 =	vadd.f32 v61, v2  }
0x199: {  	p0 =	sne.s32 s9, $0x4  }
.Ltmp1:
0x19a: {  	v3 =	vadd.f32 v3, v4;
	v2 =	vadd.f32 v2, v5;
	(pc) =	sbr.rel @p0 .LBB2_3-.Ltmp1, $3  }
0x19b: {  	_ = 	snop  }
0x19c: {  	v2 =	vadd.f32 v3, v2;
	_ =	sdelay $0x1  }
0x19d: {  	s10 =	sadd.s32 $0x300, s10;
	[tilespmem:v1+s11+$0x0 ss:$0x1] =	vst.idx.msk $0xffff, v2  }
0x19e: {  	s9 =	sshll.u32 s7, $0x1  }
0x19f: {  	s9 =	sadd.s32 s4, s9  }
0x1a0: {  	s10 =	smul.u32 $0x180, s9;
	_ =	sdelay $0x1  }
0x1a1: {  	s10 =	sadd.s32 s12, s10  }
0x1a2: {  	[hbm4b:s10+s3] =	stream.linear.scatter [tilespmem:s31], [sflag:$0x3], $0xC00, $0x38;
	[tilespmem:$0xC9B0] =	vst v63  }
0x1a3: {  	p0 =	seq.s32 s7, $0xF;
	_ =	swait.ge [sflag:s16], $0xC00  }
0x1a4: {  	s11 =	simm.s32 @!p0 $0x8;
	[sflag:s16] =	ssyncset.done $0x0  }
0x1a5: {  	s13 =	simm.s32 @!p0 $0xD00;
	s10 =	sadd.s32 @!p0 $0xD0, s8;
	[sflag:s16] =	ssyncadd.s32 $0xFFFFF400  }
0x1a6: {  	[tilespmem:s13], [sflag:$0x1] =	stream.indirect.gather @!p0 [hbm4b:s5+s11], $0xD0, s10, s11, $0xb8;
	[tilespmem:$0xC9B0] =	vst v63  }
0x1a7: {  	s10 =	sadd.s32 @!p0 $0xD8, s8;
	s13 =	simm.s32 @!p0 $0x1380  }
0x1a8: {  	[tilespmem:s13], [sflag:$0x1] =	stream.indirect.gather @!p0 [hbm4b:s5+s11], $0xD0, s10, s11, $0xb8;
	[tilespmem:$0xC9B0] =	vst v63  }
0x1a9: {  	s10 =	sadd.s32 @!p0 $0xE0, s8;
	s13 =	simm.s32 @!p0 $0x1A00  }
0x1aa: {  	[tilespmem:s13], [sflag:$0x1] =	stream.indirect.gather @!p0 [hbm4b:s5+s11], $0xD0, s10, s11, $0xb8;
	[tilespmem:$0xC9B0] =	vst v63  }
0x1ab: {  	s10 =	sadd.s32 @!p0 $0xE8, s8;
	s13 =	simm.s32 @!p0 $0x2080  }
0x1ac: {  	[tilespmem:s13], [sflag:$0x1] =	stream.indirect.gather @!p0 [hbm4b:s5+s11], $0xD0, s10, s11, $0xb8;
	[tilespmem:$0xC9B0] =	vst v63  }
0x1ad: {  	s10 =	sadd.s32 @!p0 $0xF0, s8;
	s13 =	simm.s32 @!p0 $0x2700  }
0x1ae: {  	[tilespmem:s13], [sflag:$0x1] =	stream.indirect.gather @!p0 [hbm4b:s5+s11], $0xD0, s10, s11, $0xb8;
	[tilespmem:$0xC9B0] =	vst v63  }
0x1af: {  	s10 =	sadd.s32 @!p0 $0xF8, s8;
	s13 =	simm.s32 @!p0 $0x2D80  }
0x1b0: {  	[tilespmem:s13], [sflag:$0x1] =	stream.indirect.gather @!p0 [hbm4b:s5+s11], $0xD0, s10, s11, $0xb8;
	[tilespmem:$0xC9B0] =	vst v63  }
0x1b1: {  	s10 =	sadd.s32 @!p0 $0x100, s8;
	s13 =	simm.s32 @!p0 $0x3400  }
0x1b2: {  	[tilespmem:s13], [sflag:$0x1] =	stream.indirect.gather @!p0 [hbm4b:s5+s11], $0xD0, s10, s11, $0xb8;
	[tilespmem:$0xC9B0] =	vst v63  }
0x1b3: {  	s10 =	sadd.s32 @!p0 $0x108, s8;
	s13 =	simm.s32 @!p0 $0x3A80  }
0x1b4: {  	[tilespmem:s13], [sflag:$0x1] =	stream.indirect.gather @!p0 [hbm4b:s5+s11], $0xD0, s10, s11, $0xb8;
	[tilespmem:$0xC9B0] =	vst v63  }
0x1b5: {  	s10 =	sadd.s32 @!p0 $0x110, s8;
	s13 =	simm.s32 @!p0 $0x4100  }
0x1b6: {  	[tilespmem:s13], [sflag:$0x1] =	stream.indirect.gather @!p0 [hbm4b:s5+s11], $0xD0, s10, s11, $0xb8;
	[tilespmem:$0xC9B0] =	vst v63  }
0x1b7: {  	s10 =	sadd.s32 @!p0 $0x118, s8;
	s13 =	simm.s32 @!p0 $0x4780  }
0x1b8: {  	[tilespmem:s13], [sflag:$0x1] =	stream.indirect.gather @!p0 [hbm4b:s5+s11], $0xD0, s10, s11, $0xb8;
	[tilespmem:$0xC9B0] =	vst v63  }
0x1b9: {  	s10 =	sadd.s32 @!p0 $0x120, s8;
	s13 =	simm.s32 @!p0 $0x4E00  }
0x1ba: {  	[tilespmem:s13], [sflag:$0x1] =	stream.indirect.gather @!p0 [hbm4b:s5+s11], $0xD0, s10, s11, $0xb8;
	[tilespmem:$0xC9B0] =	vst v63  }
0x1bb: {  	s10 =	sadd.s32 @!p0 $0x128, s8;
	s13 =	simm.s32 @!p0 $0x5480  }
0x1bc: {  	[tilespmem:s13], [sflag:$0x1] =	stream.indirect.gather @!p0 [hbm4b:s5+s11], $0xD0, s10, s11, $0xb8;
	[tilespmem:$0xC9B0] =	vst v63  }
0x1bd: {  	s8 =	sadd.s32 @!p0 $0x130, s8;
	s10 =	simm.s32 @!p0 $0x5B00  }
0x1be: {  	[tilespmem:s10], [sflag:$0x1] =	stream.indirect.gather @!p0 [hbm4b:s5+s11], $0xD0, s8, s11, $0xb8;
	[tilespmem:$0xC9B0] =	vst v63  }
0x1bf: {  	_ =	swait.ge [sflag:s1], $0x5480  }
0x1c0: {  	[sflag:s1] =	ssyncset.done $0x0  }
0x1c1: {  	s8 =	simm.s32 $0x0;
	s10 =	simm.s32 $0xB7A0;
	[sflag:s1] =	ssyncadd.s32 $0xFFFFAB80  }
.LBB2_7:
0x1c2: {  	v1 =	vld [tilespmem:$0xC740];
	_ =	sdelay $0x1  }
0x1c3: {  	v2 =	vld [tilespmem:$0xC810]  }
0x1c4: {  	s13 =	smul.u32 $0x1A, s8;
	_ =	sdelay $0x1  }
0x1c5: {  	v1 =	vadd.s32 s13, v1  }
0x1c6: {  	v1 =	vmul.u32 $0xD0, v1  }
0x1c7: {  	v3 =	vand.u32 $0xFFFFFFF8, v2  }
0x1c8: {  	v2 =	vand.u32 $0x7, v2;
	v1 =	vadd.s32 v3, v1;
	v3 =	vld [tilespmem:$0xC8E0]  }
0x1c9: {  	v4 =	vmov s8;
	v2 =	vor.u32 v2, v1  }
0x1ca: {  	v1 =	vmul.u32 $0x300, v4;
	_ =	sdelay $0x1  }
0x1cb: {  	v1 =	vbroadcast v1, $0x0  }
0x1cc: {  	v4 =	vand.u32 $0xFFFFFFF8, v3;
	v5 =	vadd.s32 $0x1, v3  }
0x1cd: {  	v3 =	vand.u32 $0x7, v3;
	v2 =	vld.idx.msk [tilespmem:v2+s0+$0x0], $0xffff;
	v4 =	vadd.s32 v1, v4;
	v6 =	vand.u32 $0xFFFFFFF8, v5  }
0x1ce: {  	v3 =	vor.u32 v3, v4;
	v4 =	vand.u32 $0x7, v5;
	v5 =	vadd.s32 v1, v6  }
0x1cf: {  	v4 =	vor.u32 v4, v5;
	_ =	sdelay $0x2  }
0x1d0: {  	v5 =	vshll.u32 v2, $0x10  }
0x1d1: {  	v2 =	vand.u32 $0xFFFF0000, v2;
	[tilespmem:v3+s31+$0x0] =	vst.idx.msk $0xffff, v5  }
0x1d2: {  	[tilespmem:v4+s31+$0x0] =	vst.idx.msk $0xffff, v2  }
0x1d3: {  	v2 =	vld [tilespmem:$0xC750];
	_ =	sdelay $0x1  }
0x1d4: {  	v3 =	vld [tilespmem:$0xC820];
	_ =	sdelay $0x2  }
0x1d5: {  	v2 =	vadd.s32 s13, v2  }
0x1d6: {  	v2 =	vmul.u32 $0xD0, v2  }
0x1d7: {  	v4 =	vand.u32 $0xFFFFFFF8, v3  }
0x1d8: {  	v3 =	vand.u32 $0x7, v3;
	v2 =	vadd.s32 v4, v2;
	v4 =	vld [tilespmem:$0xC8F0]  }
0x1d9: {  	v2 =	vor.u32 v3, v2;
	_ =	sdelay $0x3  }
0x1da: {  	v3 =	vand.u32 $0xFFFFFFF8, v4;
	v5 =	vadd.s32 $0x1, v4  }
0x1db: {  	v4 =	vand.u32 $0x7, v4;
	v2 =	vld.idx.msk [tilespmem:v2+s0+$0x0], $0xffff;
	v3 =	vadd.s32 v1, v3;
	v6 =	vand.u32 $0xFFFFFFF8, v5  }
0x1dc: {  	v3 =	vor.u32 v4, v3;
	v4 =	vand.u32 $0x7, v5;
	v5 =	vadd.s32 v1, v6  }
0x1dd: {  	v4 =	vor.u32 v4, v5;
	_ =	sdelay $0x2  }
0x1de: {  	v5 =	vshll.u32 v2, $0x10  }
0x1df: {  	v2 =	vand.u32 $0xFFFF0000, v2;
	[tilespmem:v3+s31+$0x0] =	vst.idx.msk $0xffff, v5  }
0x1e0: {  	[tilespmem:v4+s31+$0x0] =	vst.idx.msk $0xffff, v2  }
0x1e1: {  	v2 =	vld [tilespmem:$0xC760];
	_ =	sdelay $0x1  }
0x1e2: {  	v3 =	vld [tilespmem:$0xC830];
	_ =	sdelay $0x2  }
0x1e3: {  	v2 =	vadd.s32 s13, v2  }
0x1e4: {  	v2 =	vmul.u32 $0xD0, v2  }
0x1e5: {  	v4 =	vand.u32 $0xFFFFFFF8, v3  }
0x1e6: {  	v3 =	vand.u32 $0x7, v3;
	v2 =	vadd.s32 v4, v2;
	v4 =	vld [tilespmem:$0xC900]  }
0x1e7: {  	v2 =	vor.u32 v3, v2;
	_ =	sdelay $0x3  }
0x1e8: {  	v3 =	vand.u32 $0xFFFFFFF8, v4;
	v5 =	vadd.s32 $0x1, v4  }
0x1e9: {  	v4 =	vand.u32 $0x7, v4;
	v2 =	vld.idx.msk [tilespmem:v2+s0+$0x0], $0xffff;
	v3 =	vadd.s32 v1, v3;
	v6 =	vand.u32 $0xFFFFFFF8, v5  }
0x1ea: {  	v3 =	vor.u32 v4, v3;
	v4 =	vand.u32 $0x7, v5;
	v5 =	vadd.s32 v1, v6  }
0x1eb: {  	v4 =	vor.u32 v4, v5;
	_ =	sdelay $0x2  }
0x1ec: {  	v5 =	vshll.u32 v2, $0x10  }
0x1ed: {  	v2 =	vand.u32 $0xFFFF0000, v2;
	[tilespmem:v3+s31+$0x0] =	vst.idx.msk $0xffff, v5  }
0x1ee: {  	[tilespmem:v4+s31+$0x0] =	vst.idx.msk $0xffff, v2  }
0x1ef: {  	v2 =	vld [tilespmem:$0xC770];
	_ =	sdelay $0x1  }
0x1f0: {  	v3 =	vld [tilespmem:$0xC840];
	_ =	sdelay $0x2  }
0x1f1: {  	v2 =	vadd.s32 s13, v2  }
0x1f2: {  	v2 =	vmul.u32 $0xD0, v2  }
0x1f3: {  	v4 =	vand.u32 $0xFFFFFFF8, v3  }
0x1f4: {  	v3 =	vand.u32 $0x7, v3;
	v2 =	vadd.s32 v4, v2;
	v4 =	vld [tilespmem:$0xC910]  }
0x1f5: {  	v2 =	vor.u32 v3, v2;
	_ =	sdelay $0x3  }
0x1f6: {  	v3 =	vand.u32 $0xFFFFFFF8, v4;
	v5 =	vadd.s32 $0x1, v4  }
0x1f7: {  	v4 =	vand.u32 $0x7, v4;
	v2 =	vld.idx.msk [tilespmem:v2+s0+$0x0], $0xffff;
	v3 =	vadd.s32 v1, v3;
	v6 =	vand.u32 $0xFFFFFFF8, v5  }
0x1f8: {  	v3 =	vor.u32 v4, v3;
	v4 =	vand.u32 $0x7, v5;
	v5 =	vadd.s32 v1, v6  }
0x1f9: {  	v4 =	vor.u32 v4, v5;
	_ =	sdelay $0x2  }
0x1fa: {  	v5 =	vshll.u32 v2, $0x10  }
0x1fb: {  	v2 =	vand.u32 $0xFFFF0000, v2;
	[tilespmem:v3+s31+$0x0] =	vst.idx.msk $0xffff, v5  }
0x1fc: {  	[tilespmem:v4+s31+$0x0] =	vst.idx.msk $0xffff, v2  }
0x1fd: {  	v2 =	vld [tilespmem:$0xC780];
	_ =	sdelay $0x1  }
0x1fe: {  	v3 =	vld [tilespmem:$0xC850];
	_ =	sdelay $0x2  }
0x1ff: {  	v2 =	vadd.s32 s13, v2  }
0x200: {  	v2 =	vmul.u32 $0xD0, v2  }
0x201: {  	v4 =	vand.u32 $0xFFFFFFF8, v3  }
0x202: {  	v3 =	vand.u32 $0x7, v3;
	v2 =	vadd.s32 v4, v2;
	v4 =	vld [tilespmem:$0xC920]  }
0x203: {  	v2 =	vor.u32 v3, v2;
	_ =	sdelay $0x3  }
0x204: {  	v3 =	vand.u32 $0xFFFFFFF8, v4;
	v5 =	vadd.s32 $0x1, v4  }
0x205: {  	v4 =	vand.u32 $0x7, v4;
	v2 =	vld.idx.msk [tilespmem:v2+s0+$0x0], $0xffff;
	v3 =	vadd.s32 v1, v3;
	v6 =	vand.u32 $0xFFFFFFF8, v5  }
0x206: {  	v3 =	vor.u32 v4, v3;
	v4 =	vand.u32 $0x7, v5;
	v5 =	vadd.s32 v1, v6  }
0x207: {  	v4 =	vor.u32 v4, v5;
	_ =	sdelay $0x2  }
0x208: {  	v5 =	vshll.u32 v2, $0x10  }
0x209: {  	v2 =	vand.u32 $0xFFFF0000, v2;
	[tilespmem:v3+s31+$0x0] =	vst.idx.msk $0xffff, v5  }
0x20a: {  	[tilespmem:v4+s31+$0x0] =	vst.idx.msk $0xffff, v2  }
0x20b: {  	v2 =	vld [tilespmem:$0xC790];
	_ =	sdelay $0x1  }
0x20c: {  	v3 =	vld [tilespmem:$0xC860];
	_ =	sdelay $0x2  }
0x20d: {  	v2 =	vadd.s32 s13, v2  }
0x20e: {  	v2 =	vmul.u32 $0xD0, v2  }
0x20f: {  	v4 =	vand.u32 $0xFFFFFFF8, v3  }
0x210: {  	v3 =	vand.u32 $0x7, v3;
	v2 =	vadd.s32 v4, v2;
	v4 =	vld [tilespmem:$0xC930]  }
0x211: {  	v2 =	vor.u32 v3, v2;
	_ =	sdelay $0x3  }
0x212: {  	v3 =	vand.u32 $0xFFFFFFF8, v4;
	v5 =	vadd.s32 $0x1, v4  }
0x213: {  	v4 =	vand.u32 $0x7, v4;
	v2 =	vld.idx.msk [tilespmem:v2+s0+$0x0], $0xffff;
	v3 =	vadd.s32 v1, v3;
	v6 =	vand.u32 $0xFFFFFFF8, v5  }
0x214: {  	v3 =	vor.u32 v4, v3;
	v4 =	vand.u32 $0x7, v5;
	v5 =	vadd.s32 v1, v6  }
0x215: {  	v4 =	vor.u32 v4, v5;
	_ =	sdelay $0x2  }
0x216: {  	v5 =	vshll.u32 v2, $0x10  }
0x217: {  	v2 =	vand.u32 $0xFFFF0000, v2;
	[tilespmem:v3+s31+$0x0] =	vst.idx.msk $0xffff, v5  }
0x218: {  	[tilespmem:v4+s31+$0x0] =	vst.idx.msk $0xffff, v2  }
0x219: {  	v2 =	vld [tilespmem:$0xC7A0];
	_ =	sdelay $0x1  }
0x21a: {  	v3 =	vld [tilespmem:$0xC870];
	_ =	sdelay $0x2  }
0x21b: {  	v2 =	vadd.s32 s13, v2  }
0x21c: {  	v2 =	vmul.u32 $0xD0, v2  }
0x21d: {  	v4 =	vand.u32 $0xFFFFFFF8, v3  }
0x21e: {  	v3 =	vand.u32 $0x7, v3;
	v2 =	vadd.s32 v4, v2;
	v4 =	vld [tilespmem:$0xC940]  }
0x21f: {  	v2 =	vor.u32 v3, v2;
	_ =	sdelay $0x3  }
0x220: {  	v3 =	vand.u32 $0xFFFFFFF8, v4;
	v5 =	vadd.s32 $0x1, v4  }
0x221: {  	v4 =	vand.u32 $0x7, v4;
	v2 =	vld.idx.msk [tilespmem:v2+s0+$0x0], $0xffff;
	v3 =	vadd.s32 v1, v3;
	v6 =	vand.u32 $0xFFFFFFF8, v5  }
0x222: {  	v3 =	vor.u32 v4, v3;
	v4 =	vand.u32 $0x7, v5;
	v5 =	vadd.s32 v1, v6  }
0x223: {  	v4 =	vor.u32 v4, v5;
	_ =	sdelay $0x2  }
0x224: {  	v5 =	vshll.u32 v2, $0x10  }
0x225: {  	v2 =	vand.u32 $0xFFFF0000, v2;
	[tilespmem:v3+s31+$0x0] =	vst.idx.msk $0xffff, v5  }
0x226: {  	[tilespmem:v4+s31+$0x0] =	vst.idx.msk $0xffff, v2  }
0x227: {  	v2 =	vld [tilespmem:$0xC7B0];
	_ =	sdelay $0x1  }
0x228: {  	v3 =	vld [tilespmem:$0xC880];
	_ =	sdelay $0x2  }
0x229: {  	v2 =	vadd.s32 s13, v2  }
0x22a: {  	v2 =	vmul.u32 $0xD0, v2  }
0x22b: {  	v4 =	vand.u32 $0xFFFFFFF8, v3  }
0x22c: {  	v3 =	vand.u32 $0x7, v3;
	v2 =	vadd.s32 v4, v2;
	v4 =	vld [tilespmem:$0xC950]  }
0x22d: {  	v2 =	vor.u32 v3, v2;
	_ =	sdelay $0x3  }
0x22e: {  	v3 =	vand.u32 $0xFFFFFFF8, v4;
	v5 =	vadd.s32 $0x1, v4  }
0x22f: {  	v4 =	vand.u32 $0x7, v4;
	v2 =	vld.idx.msk [tilespmem:v2+s0+$0x0], $0xffff;
	v3 =	vadd.s32 v1, v3;
	v6 =	vand.u32 $0xFFFFFFF8, v5  }
0x230: {  	v3 =	vor.u32 v4, v3;
	v4 =	vand.u32 $0x7, v5;
	v5 =	vadd.s32 v1, v6  }
0x231: {  	v4 =	vor.u32 v4, v5;
	_ =	sdelay $0x2  }
0x232: {  	v5 =	vshll.u32 v2, $0x10  }
0x233: {  	v2 =	vand.u32 $0xFFFF0000, v2;
	[tilespmem:v3+s31+$0x0] =	vst.idx.msk $0xffff, v5  }
0x234: {  	[tilespmem:v4+s31+$0x0] =	vst.idx.msk $0xffff, v2  }
0x235: {  	v2 =	vld [tilespmem:$0xC7C0];
	_ =	sdelay $0x1  }
0x236: {  	v3 =	vld [tilespmem:$0xC890];
	_ =	sdelay $0x2  }
0x237: {  	v2 =	vadd.s32 s13, v2  }
0x238: {  	v2 =	vmul.u32 $0xD0, v2  }
0x239: {  	v4 =	vand.u32 $0xFFFFFFF8, v3  }
0x23a: {  	v3 =	vand.u32 $0x7, v3;
	v2 =	vadd.s32 v4, v2;
	v4 =	vld [tilespmem:$0xC960]  }
0x23b: {  	v2 =	vor.u32 v3, v2;
	_ =	sdelay $0x3  }
0x23c: {  	v3 =	vand.u32 $0xFFFFFFF8, v4;
	v5 =	vadd.s32 $0x1, v4  }
0x23d: {  	v4 =	vand.u32 $0x7, v4;
	v2 =	vld.idx.msk [tilespmem:v2+s0+$0x0], $0xffff;
	v3 =	vadd.s32 v1, v3;
	v6 =	vand.u32 $0xFFFFFFF8, v5  }
0x23e: {  	v3 =	vor.u32 v4, v3;
	v4 =	vand.u32 $0x7, v5;
	v5 =	vadd.s32 v1, v6  }
0x23f: {  	v4 =	vor.u32 v4, v5;
	_ =	sdelay $0x2  }
0x240: {  	v5 =	vshll.u32 v2, $0x10  }
0x241: {  	v2 =	vand.u32 $0xFFFF0000, v2;
	[tilespmem:v3+s31+$0x0] =	vst.idx.msk $0xffff, v5  }
0x242: {  	[tilespmem:v4+s31+$0x0] =	vst.idx.msk $0xffff, v2  }
0x243: {  	v2 =	vld [tilespmem:$0xC7D0];
	_ =	sdelay $0x1  }
0x244: {  	v3 =	vld [tilespmem:$0xC8A0];
	_ =	sdelay $0x2  }
0x245: {  	v2 =	vadd.s32 s13, v2  }
0x246: {  	v2 =	vmul.u32 $0xD0, v2  }
0x247: {  	v4 =	vand.u32 $0xFFFFFFF8, v3  }
0x248: {  	v3 =	vand.u32 $0x7, v3;
	v2 =	vadd.s32 v4, v2;
	v4 =	vld [tilespmem:$0xC970]  }
0x249: {  	v2 =	vor.u32 v3, v2;
	_ =	sdelay $0x3  }
0x24a: {  	v3 =	vand.u32 $0xFFFFFFF8, v4;
	v5 =	vadd.s32 $0x1, v4  }
0x24b: {  	v4 =	vand.u32 $0x7, v4;
	v2 =	vld.idx.msk [tilespmem:v2+s0+$0x0], $0xffff;
	v3 =	vadd.s32 v1, v3;
	v6 =	vand.u32 $0xFFFFFFF8, v5  }
0x24c: {  	v3 =	vor.u32 v4, v3;
	v4 =	vand.u32 $0x7, v5;
	v5 =	vadd.s32 v1, v6  }
0x24d: {  	v4 =	vor.u32 v4, v5;
	_ =	sdelay $0x2  }
0x24e: {  	v5 =	vshll.u32 v2, $0x10  }
0x24f: {  	v2 =	vand.u32 $0xFFFF0000, v2;
	[tilespmem:v3+s31+$0x0] =	vst.idx.msk $0xffff, v5  }
0x250: {  	[tilespmem:v4+s31+$0x0] =	vst.idx.msk $0xffff, v2  }
0x251: {  	v2 =	vld [tilespmem:$0xC7E0];
	_ =	sdelay $0x1  }
0x252: {  	v3 =	vld [tilespmem:$0xC8B0];
	_ =	sdelay $0x2  }
0x253: {  	v2 =	vadd.s32 s13, v2  }
0x254: {  	v2 =	vmul.u32 $0xD0, v2  }
0x255: {  	v4 =	vand.u32 $0xFFFFFFF8, v3  }
0x256: {  	v3 =	vand.u32 $0x7, v3;
	v2 =	vadd.s32 v4, v2;
	v4 =	vld [tilespmem:$0xC980]  }
0x257: {  	v2 =	vor.u32 v3, v2;
	_ =	sdelay $0x3  }
0x258: {  	v3 =	vand.u32 $0xFFFFFFF8, v4;
	v5 =	vadd.s32 $0x1, v4  }
0x259: {  	v4 =	vand.u32 $0x7, v4;
	v2 =	vld.idx.msk [tilespmem:v2+s0+$0x0], $0xffff;
	v3 =	vadd.s32 v1, v3;
	v6 =	vand.u32 $0xFFFFFFF8, v5  }
0x25a: {  	v3 =	vor.u32 v4, v3;
	v4 =	vand.u32 $0x7, v5;
	v5 =	vadd.s32 v1, v6  }
0x25b: {  	v4 =	vor.u32 v4, v5;
	_ =	sdelay $0x2  }
0x25c: {  	v5 =	vshll.u32 v2, $0x10  }
0x25d: {  	v2 =	vand.u32 $0xFFFF0000, v2;
	[tilespmem:v3+s31+$0x0] =	vst.idx.msk $0xffff, v5  }
0x25e: {  	[tilespmem:v4+s31+$0x0] =	vst.idx.msk $0xffff, v2  }
0x25f: {  	v2 =	vld [tilespmem:$0xC7F0];
	_ =	sdelay $0x1  }
0x260: {  	v3 =	vld [tilespmem:$0xC8C0];
	_ =	sdelay $0x2  }
0x261: {  	v2 =	vadd.s32 s13, v2  }
0x262: {  	v2 =	vmul.u32 $0xD0, v2  }
0x263: {  	v4 =	vand.u32 $0xFFFFFFF8, v3  }
0x264: {  	v3 =	vand.u32 $0x7, v3;
	v2 =	vadd.s32 v4, v2;
	v4 =	vld [tilespmem:$0xC990]  }
0x265: {  	v2 =	vor.u32 v3, v2;
	_ =	sdelay $0x3  }
0x266: {  	v3 =	vand.u32 $0xFFFFFFF8, v4;
	v5 =	vadd.s32 $0x1, v4  }
0x267: {  	v4 =	vand.u32 $0x7, v4;
	v2 =	vld.idx.msk [tilespmem:v2+s0+$0x0], $0xffff;
	v3 =	vadd.s32 v1, v3;
	v6 =	vand.u32 $0xFFFFFFF8, v5  }
0x268: {  	v3 =	vor.u32 v4, v3;
	v4 =	vand.u32 $0x7, v5;
	v5 =	vadd.s32 v1, v6  }
0x269: {  	v4 =	vor.u32 v4, v5;
	_ =	sdelay $0x2  }
0x26a: {  	v5 =	vshll.u32 v2, $0x10  }
0x26b: {  	v2 =	vand.u32 $0xFFFF0000, v2;
	[tilespmem:v3+s31+$0x0] =	vst.idx.msk $0xffff, v5  }
0x26c: {  	[tilespmem:v4+s31+$0x0] =	vst.idx.msk $0xffff, v2  }
0x26d: {  	v2 =	vld [tilespmem:$0xC800];
	_ =	sdelay $0x1  }
0x26e: {  	v3 =	vld [tilespmem:$0xC8D0];
	_ =	sdelay $0x2  }
0x26f: {  	v2 =	vadd.s32 s13, v2  }
0x270: {  	v2 =	vmul.u32 $0xD0, v2  }
0x271: {  	v4 =	vand.u32 $0xFFFFFFF8, v3  }
0x272: {  	v3 =	vand.u32 $0x7, v3;
	v2 =	vadd.s32 v4, v2;
	v4 =	vld [tilespmem:$0xC9A0]  }
0x273: {  	v2 =	vor.u32 v3, v2;
	_ =	sdelay $0x3  }
0x274: {  	v3 =	vand.u32 $0xFFFFFFF8, v4;
	v5 =	vadd.s32 $0x1, v4  }
0x275: {  	v4 =	vand.u32 $0x7, v4;
	v2 =	vld.idx.msk [tilespmem:v2+s0+$0x0], $0xffff;
	v3 =	vadd.s32 v1, v3;
	v6 =	vand.u32 $0xFFFFFFF8, v5  }
0x276: {  	v3 =	vor.u32 v4, v3;
	v4 =	vand.u32 $0x7, v5;
	v1 =	vadd.s32 v1, v6  }
0x277: {  	v1 =	vor.u32 v4, v1;
	_ =	sdelay $0x2  }
0x278: {  	v4 =	vshll.u32 v2, $0x10  }
0x279: {  	v2 =	vand.u32 $0xFFFF0000, v2;
	[tilespmem:v3+s31+$0x0] =	vst.idx.msk $0xffff, v4  }
0x27a: {  	s11 =	simm.s32 $0x0;
	[tilespmem:v1+s31+$0x0] =	vst.idx.msk $0xffff, v2  }
0x27b: {  	v3 =	vld [tilespmem:s11+$0xC350]  }
0x27c: {  	v4 =	vld [tilespmem:s11+$0xC200]  }
0x27d: {  	v5 =	vld [tilespmem:s11+$0xC4A0]  }
0x27e: {  	v6 =	vld [tilespmem:s11+$0xC5F0];
	_ =	sdelay $0x1  }
0x27f: {  	v2 =	vmov s13;
	v1 =	vmov s10  }
0x280: {  	v7 =	vadd.s32 $0x1, v3;
	v8 =	vadd.s32 $0x2, v3;
	v9 =	vadd.s32 $0x6, v3  }
0x281: {  	v4 =	vadd.s32 v2, v4;
	v10 =	vand.u32 $0x7, v3;
	v5 =	vadd.s32 v2, v5  }
0x282: {  	v16 =	vadd.s32 $0x4, v3;
	v14 =	vand.u32 $0xFFFFFFF8, v3;
	v15 =	vand.u32 $0xFFFFFFF8, v6  }
0x283: {  	v17 =	vadd.s32 $0x3, v3;
	v18 =	vadd.s32 $0x5, v6;
	v19 =	vadd.s32 $0x2, v6  }
0x284: {  	v22 =	vadd.s32 $0x3, v6;
	v23 =	vadd.s32 $0x4, v6;
	v24 =	vadd.s32 $0x1, v6  }
0x285: {  	v60 =	vadd.s32 $0x7, v3;
	v11 =	vand.u32 $0xFFFFFFF8, v9;
	v12 =	vmul.u32 $0xD0, v4  }
0x286: {  	v4 =	vadd.s32 $0x5, v3;
	v5 =	vmul.u32 $0xD0, v5;
	v13 =	vand.u32 $0xFFFFFFF8, v7  }
0x287: {  	v9 =	vand.u32 $0x7, v9;
	v7 =	vand.u32 $0x7, v7;
	v20 =	vand.u32 $0xFFFFFFF8, v19  }
0x288: {  	v21 =	vand.u32 $0xFFFFFFF8, v17;
	v19 =	vand.u32 $0x7, v19;
	v17 =	vand.u32 $0x7, v17  }
0x289: {  	v3 =	vand.u32 $0x7, v4;
	v13 =	vadd.s32 v12, v13;
	v14 =	vadd.s32 v14, v12  }
0x28a: {  	v15 =	vadd.s32 v15, v5;
	v20 =	vadd.s32 v5, v20;
	v21 =	vadd.s32 v12, v21  }
0x28b: {  	v11 =	vadd.s32 v12, v11;
	v10 =	vor.u32 v10, v14;
	v14 =	vand.u32 $0x7, v6  }
0x28c: {  	v19 =	vor.u32 v19, v20;
	v20 =	vand.u32 $0xFFFFFFF8, v22;
	v22 =	vand.u32 $0x7, v22  }
0x28d: {  	v17 =	vor.u32 v17, v21;
	v21 =	vand.u32 $0xFFFFFFF8, v8;
	v8 =	vand.u32 $0x7, v8  }
0x28e: {  	v7 =	vor.u32 v7, v13;
	v13 =	vand.u32 $0xFFFFFFF8, v24;
	v11 =	vor.u32 v9, v11  }
0x28f: {  	v9 =	vand.u32 $0x7, v60;
	v20 =	vadd.s32 v5, v20;
	v13 =	vadd.s32 v5, v13  }
0x290: {  	v14 =	vor.u32 v14, v15;
	v20 =	vor.u32 v22, v20;
	v22 =	vand.u32 $0xFFFFFFF8, v23  }
0x291: {  	v21 =	vadd.s32 v12, v21;
	v23 =	vand.u32 $0x7, v23;
	v22 =	vadd.s32 v5, v22  }
0x292: {  	v21 =	vor.u32 v8, v21;
	v15 =	vor.u32 v23, v22;
	v23 =	vand.u32 $0x7, v24  }
0x293: {  	v22 =	vand.u32 $0xFFFFFFF8, v18;
	v19 =	vld.idx.msk [tilespmem:v19+s0+$0x0], $0xffff;
	v13 =	vor.u32 v23, v13;
	v23 =	vand.u32 $0xFFFFFFF8, v4  }
0x294: {  	v18 =	vand.u32 $0x7, v18;
	v22 =	vadd.s32 v5, v22;
	v10 =	vld.idx.msk [tilespmem:v10+s0+$0x0], $0xffff;
	v4 =	vadd.s32 v12, v23  }
0x295: {  	v18 =	vor.u32 v18, v22;
	v22 =	vld.idx.msk [tilespmem:v7+s0+$0x0], $0xffff;
	v23 =	vor.u32 v3, v4;
	v3 =	vand.u32 $0xFFFFFFF8, v60  }
0x296: {  	v28 =	vld.idx.msk [tilespmem:v14+s0+$0x0], $0xffff;
	v4 =	vadd.s32 $0x7, v6;
	v6 =	vadd.s32 $0x6, v6;
	v25 =	vadd.s32 v12, v3  }
0x297: {  	v20 =	vld.idx.msk [tilespmem:v20+s0+$0x0], $0xffff;
	v7 =	vand.u32 $0xFFFFFFF8, v4;
	v4 =	vand.u32 $0x7, v4;
	v27 =	vand.u32 $0x7, v6  }
0x298: {  	v7 =	vadd.s32 v5, v7;
	v26 =	vld.idx.msk [tilespmem:v15+s0+$0x0], $0xffff;
	v15 =	vand.u32 $0xFFFFFFF8, v6;
	v3 =	vand.u32 $0xFFFF0000, v19  }
0x299: {  	v4 =	vor.u32 v4, v7;
	v13 =	vld.idx.msk [tilespmem:v13+s0+$0x0], $0xffff;
	v5 =	vadd.s32 v5, v15;
	v8 =	vshll.u32 v19, $0x10  }
0x29a: {  	v15 =	vand.u32 $0xFFFF0000, v10;
	v29 =	vshll.u32 v22, $0x10;
	v5 =	vor.u32 v27, v5  }
0x29b: {  	v61 =	vld.idx.msk [tilespmem:v18+s0+$0x0], $0xffff;
	v22 =	vand.u32 $0xFFFF0000, v22;
	v18 =	vand.u32 $0xFFFFFFF8, v16;
	v16 =	vand.u32 $0x7, v16  }
0x29c: {  	v14 =	vld.idx.msk [tilespmem:v17+s0+$0x0], $0xffff;
	v7 =	vshll.u32 v20, $0x10;
	v6 =	vand.u32 $0xFFFF0000, v20;
	v12 =	vadd.s32 v12, v18  }
0x29d: {  	v20 =	vld.idx.msk [tilespmem:v23+s0+$0x0], $0xffff;
	v23 =	vshll.u32 v10, $0x10;
	v62 =	vor.u32 v16, v12;
	v12 =	vshll.u32 v28, $0x10  }
0x29e: {  	v10 =	vor.u32 v9, v25;
	v12 =	vmul.f32 v12, v23;
	v9 =	vshll.u32 v13, $0x10  }
0x29f: {  	v23 =	vand.u32 $0xFFFF0000, v28;
	v13 =	vand.u32 $0xFFFF0000, v13;
	v17 =	vmul.f32 v9, v29  }
0x2a0: {  	v16 =	vld.idx.msk [tilespmem:v21+s0+$0x0], $0xffff;
	v9 =	vshll.u32 v26, $0x10;
	v18 =	vshll.u32 v61, $0x10;
	v13 =	vmul.f32 v13, v22  }
0x2a1: {  	v27 =	vand.u32 $0xFFFF0000, v61;
	v22 =	vshll.u32 v14, $0x10;
	v17 =	vadd.f32 $0.0e+00, v17  }
0x2a2: {  	v63 =	vand.u32 $0xFFFF0000, v20;
	v19 =	vshll.u32 v20, $0x10;
	v20 =	vadd.f32 $0.0e+00, v12  }
0x2a3: {  	s13 =	simm.s32 $0x40;
	v12 =	vand.u32 $0xFFFF0000, v26;
	v21 =	vadd.f32 v17, v13;
	v17 =	vld.idx.msk [tilespmem:v62+s0+$0x0], $0xffff;
	v13 =	vmul.f32 v27, v63  }
.LBB2_8:
0x2a4: {  	p0 =	sne.s32 s13, $0x500;
	v15 =	vmul.f32 v23, v15;
	v14 =	vand.u32 $0xFFFF0000, v14;
	v7 =	vmul.f32 v7, v22;
	v11 =	vld.idx.msk [tilespmem:v11+s0+$0x0], $0xffff;
	s14 =	smov.u32 s13;
	s13 =	sadd.s32 $0x40, s13  }
0x2a5: {  	v22 =	vshll.u32 v16, $0x10;
	v6 =	vmul.f32 v6, v14;
	v14 =	vmul.f32 v18, v19;
	v4 =	vld.idx.msk [tilespmem:v4+s0+$0x0], $0xffff  }
0x2a6: {  	v8 =	vmul.f32 v8, v22;
	v15 =	vadd.f32 v20, v15;
	v7 =	vadd.f32 v7, v21;
	v10 =	vld.idx.msk [tilespmem:v10+s0+$0x0], $0xffff  }
0x2a7: {  	v16 =	vand.u32 $0xFFFF0000, v16;
	v5 =	vld.idx.msk [tilespmem:v5+s0+$0x0], $0xffff  }
0x2a8: {  	v3 =	vmul.f32 v3, v16;
	v8 =	vadd.f32 v8, v15;
	v6 =	vadd.f32 v7, v6  }
0x2a9: {  	v7 =	vshll.u32 v17, $0x10;
	v15 =	vand.u32 $0xFFFF0000, v17  }
0x2aa: {  	v7 =	vmul.f32 v9, v7;
	v3 =	vadd.f32 v8, v3;
	v6 =	vadd.f32 v14, v6  }
0x2ab: {  	v8 =	vmul.f32 v12, v15;
	v9 =	vshll.u32 v4, $0x10;
	v4 =	vand.u32 $0xFFFF0000, v4  }
0x2ac: {  	v3 =	vadd.f32 v7, v3;
	v6 =	vadd.f32 v6, v13;
	v7 =	vshll.u32 v10, $0x10  }
0x2ad: {  	v12 =	vshll.u32 v11, $0x10;
	v13 =	vshll.u32 v5, $0x10;
	v7 =	vmul.f32 v9, v7  }
0x2ae: {  	v9 =	vand.u32 $0xFFFF0000, v10;
	v3 =	vadd.f32 v3, v8;
	v8 =	vmul.f32 v13, v12  }
0x2af: {  	v5 =	vand.u32 $0xFFFF0000, v5;
	v10 =	vand.u32 $0xFFFF0000, v11;
	v6 =	vadd.f32 v7, v6  }
0x2b0: {  	v5 =	vmul.f32 v5, v10;
	v4 =	vmul.f32 v4, v9;
	v3 =	vadd.f32 v8, v3;
	_ =	sdelay $0x1  }
0x2b1: {  	v4 =	vadd.f32 v6, v4;
	v3 =	vadd.f32 v3, v5;
	_ =	sdelay $0x1  }
0x2b2: {  	v3 =	vadd.f32 v4, v3;
	_ =	sdelay $0x1  }
0x2b3: {  	[tilespmem:v1+s11+$0x0 ss:$0x1] =	vst.idx.msk $0xffff, v3;
	_ =	sdelay $0x2  }
0x2b4: {  	s11 =	sshra.s32 s14, $0x2  }
0x2b5: {  	v3 =	vld [tilespmem:s11+$0xC350]  }
0x2b6: {  	v4 =	vld [tilespmem:s11+$0xC200]  }
0x2b7: {  	v5 =	vld [tilespmem:s11+$0xC4A0]  }
0x2b8: {  	v6 =	vld [tilespmem:s11+$0xC5F0];
	_ =	sdelay $0x1  }
0x2b9: {  	v7 =	vadd.s32 $0x1, v3;
	v8 =	vadd.s32 $0x2, v3;
	v9 =	vadd.s32 $0x6, v3  }
0x2ba: {  	v10 =	vand.u32 $0x7, v3;
	v4 =	vadd.s32 v2, v4;
	v11 =	vand.u32 $0xFFFFFFF8, v9  }
0x2bb: {  	v5 =	vadd.s32 v2, v5;
	v12 =	vmul.u32 $0xD0, v4;
	v4 =	vadd.s32 $0x5, v3  }
0x2bc: {  	v16 =	vadd.s32 $0x4, v3;
	v13 =	vand.u32 $0xFFFFFFF8, v7;
	v5 =	vmul.u32 $0xD0, v5  }
0x2bd: {  	v14 =	vand.u32 $0xFFFFFFF8, v3;
	v9 =	vand.u32 $0x7, v9;
	v13 =	vadd.s32 v12, v13  }
0x2be: {  	v17 =	vadd.s32 $0x3, v3;
	v15 =	vand.u32 $0xFFFFFFF8, v6;
	v18 =	vadd.s32 $0x5, v6  }
0x2bf: {  	v7 =	vand.u32 $0x7, v7;
	v14 =	vadd.s32 v14, v12;
	v15 =	vadd.s32 v15, v5  }
0x2c0: {  	v19 =	vadd.s32 $0x2, v6;
	v10 =	vor.u32 v10, v14;
	v14 =	vand.u32 $0x7, v6  }
0x2c1: {  	v21 =	vand.u32 $0xFFFFFFF8, v17;
	v22 =	vadd.s32 $0x3, v6;
	v20 =	vand.u32 $0xFFFFFFF8, v19  }
0x2c2: {  	v23 =	vadd.s32 $0x4, v6;
	v19 =	vand.u32 $0x7, v19;
	v20 =	vadd.s32 v5, v20  }
0x2c3: {  	v17 =	vand.u32 $0x7, v17;
	v19 =	vor.u32 v19, v20;
	v20 =	vand.u32 $0xFFFFFFF8, v22  }
0x2c4: {  	v21 =	vadd.s32 v12, v21;
	v22 =	vand.u32 $0x7, v22;
	v20 =	vadd.s32 v5, v20  }
0x2c5: {  	v24 =	vadd.s32 $0x1, v6;
	v17 =	vor.u32 v17, v21;
	v20 =	vor.u32 v22, v20  }
0x2c6: {  	v11 =	vadd.s32 v12, v11;
	v21 =	vand.u32 $0xFFFFFFF8, v8;
	v8 =	vand.u32 $0x7, v8  }
0x2c7: {  	v7 =	vor.u32 v7, v13;
	v13 =	vand.u32 $0xFFFFFFF8, v24;
	v22 =	vand.u32 $0xFFFFFFF8, v23  }
0x2c8: {  	v13 =	vadd.s32 v5, v13;
	v23 =	vand.u32 $0x7, v23;
	v22 =	vadd.s32 v5, v22  }
0x2c9: {  	v14 =	vor.u32 v14, v15;
	v15 =	vld.idx.msk [tilespmem:v19+s0+$0x0], $0xffff;
	v19 =	vor.u32 v23, v22;
	v22 =	vand.u32 $0xFFFFFFF8, v18  }
0x2ca: {  	v23 =	vand.u32 $0x7, v24;
	v18 =	vand.u32 $0x7, v18;
	v20 =	vld.idx.msk [tilespmem:v20+s0+$0x0], $0xffff;
	v22 =	vadd.s32 v5, v22  }
0x2cb: {  	v24 =	vadd.s32 $0x7, v3;
	v13 =	vor.u32 v23, v13;
	v23 =	vand.u32 $0xFFFFFFF8, v4  }
0x2cc: {  	v3 =	vand.u32 $0x7, v4;
	v4 =	vadd.s32 v12, v23;
	v18 =	vor.u32 v18, v22;
	v25 =	vld.idx.msk [tilespmem:v7+s0+$0x0], $0xffff  }
0x2cd: {  	v22 =	vor.u32 v3, v4;
	v3 =	vand.u32 $0xFFFFFFF8, v24;
	v4 =	vadd.s32 $0x7, v6;
	v10 =	vld.idx.msk [tilespmem:v10+s0+$0x0], $0xffff  }
0x2ce: {  	v6 =	vadd.s32 $0x6, v6;
	v23 =	vadd.s32 v12, v3;
	v7 =	vand.u32 $0xFFFFFFF8, v4  }
0x2cf: {  	v4 =	vand.u32 $0x7, v4;
	v3 =	vand.u32 $0xFFFF0000, v15;
	v7 =	vadd.s32 v5, v7;
	v26 =	vld.idx.msk [tilespmem:v19+s0+$0x0], $0xffff  }
0x2d0: {  	v27 =	vand.u32 $0x7, v6;
	v19 =	vand.u32 $0xFFFFFFF8, v6;
	v4 =	vor.u32 v4, v7;
	v13 =	vld.idx.msk [tilespmem:v13+s0+$0x0], $0xffff  }
0x2d1: {  	v7 =	vshll.u32 v20, $0x10;
	v5 =	vadd.s32 v5, v19;
	v28 =	vld.idx.msk [tilespmem:v14+s0+$0x0], $0xffff;
	v14 =	vadd.s32 v12, v21  }
0x2d2: {  	v6 =	vand.u32 $0xFFFF0000, v20;
	v19 =	vshll.u32 v25, $0x10;
	v5 =	vor.u32 v27, v5;
	v20 =	vld.idx.msk [tilespmem:v22+s0+$0x0], $0xffff  }
0x2d3: {  	v11 =	vor.u32 v9, v11;
	v21 =	vshll.u32 v10, $0x10;
	v22 =	vor.u32 v8, v14;
	v27 =	vld.idx.msk [tilespmem:v18+s0+$0x0], $0xffff  }
0x2d4: {  	v9 =	vand.u32 $0x7, v24;
	v25 =	vand.u32 $0xFFFF0000, v25;
	v8 =	vshll.u32 v15, $0x10;
	v14 =	vld.idx.msk [tilespmem:v17+s0+$0x0], $0xffff  }
0x2d5: {  	v15 =	vand.u32 $0xFFFF0000, v10;
	v10 =	vor.u32 v9, v23;
	v17 =	vand.u32 $0xFFFFFFF8, v16  }
0x2d6: {  	v16 =	vand.u32 $0x7, v16;
	v9 =	vshll.u32 v13, $0x10;
	v12 =	vadd.s32 v12, v17  }
0x2d7: {  	v13 =	vand.u32 $0xFFFF0000, v13;
	v17 =	vmul.f32 v9, v19;
	v24 =	vor.u32 v16, v12  }
.Ltmp2:
0x2d8: {  	v12 =	vshll.u32 v28, $0x10;
	v9 =	vshll.u32 v26, $0x10;
	v29 =	vand.u32 $0xFFFF0000, v20;
	v16 =	vld.idx.msk [tilespmem:v22+s0+$0x0], $0xffff;
	(pc) =	sbr.rel @p0 .LBB2_8-.Ltmp2, $4  }
0x2d9: {  	v12 =	vmul.f32 v12, v21;
	v17 =	vadd.f32 $0.0e+00, v17;
	v18 =	vshll.u32 v27, $0x10  }
0x2da: {  	v13 =	vmul.f32 v13, v25;
	v19 =	vshll.u32 v20, $0x10;
	v25 =	vand.u32 $0xFFFF0000, v27  }
0x2db: {  	v20 =	vadd.f32 $0.0e+00, v12;
	v22 =	vshll.u32 v14, $0x10;
	v12 =	vand.u32 $0xFFFF0000, v26  }
0x2dc: {  	v23 =	vand.u32 $0xFFFF0000, v28;
	v21 =	vadd.f32 v17, v13;
	v13 =	vmul.f32 v25, v29;
	v17 =	vld.idx.msk [tilespmem:v24+s0+$0x0], $0xffff  }
0x2dd: {  	_ =	sdelay $0x3  }
0x2de: {  	v2 =	vmul.f32 v23, v15;
	v11 =	vld.idx.msk [tilespmem:v11+s0+$0x0], $0xffff  }
0x2df: {  	v7 =	vmul.f32 v7, v22;
	v51 =	vshll.u32 v16, $0x10;
	v4 =	vld.idx.msk [tilespmem:v4+s0+$0x0], $0xffff  }
0x2e0: {  	v14 =	vand.u32 $0xFFFF0000, v14;
	v10 =	vld.idx.msk [tilespmem:v10+s0+$0x0], $0xffff;
	v8 =	vmul.f32 v8, v51;
	v2 =	vadd.f32 v20, v2  }
0x2e1: {  	v53 =	vand.u32 $0xFFFF0000, v16;
	v5 =	vld.idx.msk [tilespmem:v5+s0+$0x0], $0xffff;
	v6 =	vmul.f32 v6, v14;
	v7 =	vadd.f32 v7, v21  }
0x2e2: {  	v52 =	vmul.f32 v18, v19;
	v3 =	vmul.f32 v3, v53;
	v2 =	vadd.f32 v8, v2  }
0x2e3: {  	v6 =	vadd.f32 v7, v6;
	v54 =	vshll.u32 v17, $0x10;
	v55 =	vand.u32 $0xFFFF0000, v17  }
0x2e4: {  	v56 =	vmul.f32 v12, v55;
	v2 =	vadd.f32 v2, v3;
	v3 =	vmul.f32 v9, v54  }
0x2e5: {  	v57 =	vshll.u32 v4, $0x10;
	v58 =	vshll.u32 v10, $0x10;
	v59 =	vshll.u32 v11, $0x10  }
0x2e6: {  	v60 =	vshll.u32 v5, $0x10;
	v6 =	vadd.f32 v52, v6;
	v2 =	vadd.f32 v3, v2  }
0x2e7: {  	v63 =	vand.u32 $0xFFFF0000, v11;
	v5 =	vand.u32 $0xFFFF0000, v5;
	v61 =	vmul.f32 v60, v59  }
0x2e8: {  	v3 =	vadd.f32 v6, v13;
	v6 =	vmul.f32 v57, v58;
	v2 =	vadd.f32 v2, v56  }
0x2e9: {  	v4 =	vand.u32 $0xFFFF0000, v4;
	v62 =	vand.u32 $0xFFFF0000, v10;
	v5 =	vmul.f32 v5, v63  }
0x2ea: {  	s8 =	sadd.s32 $0x1, s8;
	v4 =	vmul.f32 v4, v62;
	v3 =	vadd.f32 v6, v3;
	v2 =	vadd.f32 v61, v2  }
0x2eb: {  	p0 =	sne.s32 s8, $0x4  }
.Ltmp3:
0x2ec: {  	v3 =	vadd.f32 v3, v4;
	v2 =	vadd.f32 v2, v5;
	(pc) =	sbr.rel @p0 .LBB2_7-.Ltmp3, $3  }
0x2ed: {  	_ = 	snop  }
0x2ee: {  	v2 =	vadd.f32 v3, v2;
	_ =	sdelay $0x1  }
0x2ef: {  	s10 =	sadd.s32 $0x300, s10;
	[tilespmem:v1+s11+$0x0 ss:$0x1] =	vst.idx.msk $0xffff, v2  }
0x2f0: {  	s8 =	smul.u32 $0xC00, s9;
	_ =	sdelay $0x1  }
0x2f1: {  	s7 =	sadd.s32 $0x1, s7;
	s8 =	sshrl.u32 s8, $0x3  }
0x2f2: {  	p0 =	sne.s32 s7, $0x10;
	s8 =	sadd.s32 s12, s8  }
.Ltmp4:
0x2f3: {  	s8 =	sadd.s32 $0x180, s8;
	(pc) =	sbr.rel @p0 .LBB2_2-.Ltmp4, $4  }
0x2f4: {  	[hbm4b:s8+s3] =	stream.linear.scatter [tilespmem:s31], [sflag:$0x3], $0xC00, $0x38;
	[tilespmem:$0xC9B0] =	vst v63  }
0x2f5: {  	_ =	swait.ge [sflag:s16], $0xC00  }
0x2f6: {  	[sflag:s16] =	ssyncset.done $0x0  }
0x2f7: {  	[sflag:s16] =	ssyncadd.s32 $0xFFFFF400  }
0x2f8: {  	s6 =	sadd.s32 $0x1, s6;
	s7 =	rddreg [dreg:$0xa]  }
0x2f9: {  	p0 =	sne.s32 s6, s7  }
.Ltmp5:
0x2fa: {  	_ = 	snop;
	(pc) =	sbr.rel @p0 .LBB2_1-.Ltmp5, $1  }
0x2fb: {  	_ =	sdelay $0x3  }
0x2fc: {  	_ =	sfence.sel $0x180000  }
0x2fd: {  	[bflag:$0x0] =	sbarrier.arrive $0xFFFF  }
0x2fe: {  	_ =	strace $0x90000047  }
0x2ff: {  	s0 =	stileid.u32;
	[bflag:$0x2] =	sbarrier.arrive $0xFFFF  }
0x300: {  	p0 =	sne.s32 s0, $0x0;
	s0 =	rddreg [dreg:$0x2]  }
0x301: {  	s0 =	sadd.s32 @!p0 $0x100000, s0  }
0x302: {  	[sflag:s0] =	ssyncadd.tile.s32 @!p0 $0x1;
	_ =	shalt  }
.Lfunc_end2:
_tile_overlayer_lowered:
.L_overlay_start_2:
0x303: {  	(tag) =	ssettag $0x2  }
0x304: {  	s0 =	rddreg [dreg:$0x0];
	s2 =	stileid.u32  }
0x305: {  	s1 =	rddreg [dreg:$0x1];
	p0 =	sne.s32 s2, $0x0  }
0x306: {  	s3 =	rddreg [dreg:$0x2];
	[bflag:$0x3] =	sbarrier.arrive $0xFFFF;
	s2 =	simm.s32 @!p0 $0x1C03  }
0x307: {  	[timem:s3], [sflag:s2] =	dma.local @!p0 [hbm:s0], s1  }
0x308: {  	s0 =	simm.s32 @!p0 $0x3  }
0x309: {  	_ =	swait.ge @!p0 [sflag:s0], s1  }
0x30a: {  	s1 =	ssub.s32 @!p0 $0x0, s1;
	[sflag:s0] =	ssyncset.done @!p0 $0x0  }
0x30b: {  	[sflag:s0] =	ssyncadd.s32 @!p0 s1  }
0x30c: {  	[bflag:$0x3] =	sbarrier.arrive $0xFFFF  }
0x30d: {  	_ =	shalt  }

</sc_bundles>
